<compile_context>
chip_gen: v7x
topology: tpu7x:2x2x1
jax: 0.10.2.dev20260603
libtpu: 0.0.44.dev20260713+nightly
codegen_flags: <defaults>
</compile_context>

<pallas_src>
import functools

import jax
import jax.numpy as jnp
from jax import lax
from jax.experimental import pallas as pl
from jax.experimental.pallas import tpu as pltpu
from jax.experimental.pallas import tpu_sc as plsc

_BATCH = 16384
_N_FIELDS = 26
_B = _BATCH * _N_FIELDS
_D = 32
_V = 1000000
_NC = 2
_NS = 16
_NW = _NC * _NS
_CBF = _V // 128
_TAIL = _V - _CBF * 128
_TPW = (_CBF + _NW - 1) // _NW
_BPW = _BATCH // _NW
_NGRP = _N_FIELDS * 4


def _make_transpose():
    mesh = plsc.VectorSubcoreMesh(core_axis_name="c", subcore_axis_name="s")

    @functools.partial(
        pl.kernel,
        mesh=mesh,
        out_type=jax.ShapeDtypeStruct((_V // 4, 128), jnp.float32),
        compiler_params=pltpu.CompilerParams(needs_layout_passes=False),
        scratch_types=[
            pltpu.VMEM((32, 128), jnp.float32),
            pltpu.VMEM((32, 128), jnp.float32),
            pltpu.VMEM((32, 128), jnp.float32),
            pltpu.VMEM((32, 128), jnp.float32),
            pltpu.SemaphoreType.DMA,
            pltpu.SemaphoreType.DMA,
            pltpu.SemaphoreType.DMA,
            pltpu.SemaphoreType.DMA,
        ],
    )
    def tr(tblT_hbm, tail_hbm, s128_hbm, in0, in1, ot0, ot1, gi0, gi1, go0, go1):
        wid = lax.axis_index("s") * _NC + lax.axis_index("c")
        ins = (in0, in1)
        ots = (ot0, ot1)
        gis = (gi0, gi1)
        gos = (go0, go1)
        lane = lax.iota(jnp.int32, 16)

        def start_in(t, b):
            bid = t * _NW + wid
            @pl.when(bid < _CBF)
            def _():
                pltpu.async_copy(
                    tblT_hbm.at[:, pl.ds(bid * 128, 128)], ins[b], gis[b])

        def wait_in(b):
            pltpu.make_async_copy(
                tblT_hbm.at[:, pl.ds(0, 128)], ins[b], gis[b]).wait()

        def start_out(b, bid):
            pltpu.async_copy(
                ots[b], s128_hbm.at[pl.ds(bid * 32, 32), :], gos[b])

        def wait_out(b):
            pltpu.make_async_copy(
                ots[b], s128_hbm.at[pl.ds(0, 32), :], gos[b]).wait()

        def shuffle(b, nrow):
            @plsc.parallel_loop(0, nrow, unroll=2)
            def _(r):
                vs = []
                for m in range(8):
                    rows = lane + 16 * (m % 2)
                    cols = jnp.full((16,), jnp.int32(4) * r + m // 2, jnp.int32)
                    vs.append(plsc.load_gather(ins[b], [rows, cols]))
                for m in range(8):
                    ots[b][r, pl.ds(16 * m, 16)] = vs[m]

        def body(u, carry):
            for dt in (0, 1):
                t = 2 * u + dt
                b = dt
                bid = t * _NW + wid

                @pl.when(bid < _CBF)
                def _():
                    start_in(t + 1, 1 - b)
                    wait_in(b)
                    @pl.when(t >= 2)
                    def _():
                        wait_out(b)
                    shuffle(b, 32)
                    start_out(b, bid)
            return carry

        start_in(0, 0)
        lax.fori_loop(0, (_TPW + 1) // 2, body, 0)
        for dt in (0, 1):
            t = _TPW - 2 + dt
            bid = t * _NW + wid
            @pl.when(bid < _CBF)
            def _():
                wait_out(t % 2)

        @pl.when(wid == 0)
        def _():
            pltpu.sync_copy(tail_hbm, ot0.at[pl.ds(0, 16), :])
            pltpu.sync_copy(ot0.at[pl.ds(0, 16), :],
                            s128_hbm.at[pl.ds(_CBF * 32, 16), :])

    return tr


def _make_gather():
    mesh = plsc.VectorSubcoreMesh(core_axis_name="c", subcore_axis_name="s")

    @functools.partial(
        pl.kernel,
        mesh=mesh,
        out_type=jax.ShapeDtypeStruct((_N_FIELDS, _D, _BATCH), jnp.float32),
        compiler_params=pltpu.CompilerParams(needs_layout_passes=False),
        scratch_types=[
            pltpu.VMEM((_N_FIELDS, _BPW), jnp.int32),
            pltpu.VMEM((128,), jnp.int32),
            pltpu.VMEM((128,), jnp.int32),
            pltpu.VMEM((128, 128), jnp.float32),
            pltpu.VMEM((128, 128), jnp.float32),
            pltpu.VMEM((32, 128), jnp.float32),
            pltpu.VMEM((32, 128), jnp.float32),
            pltpu.SemaphoreType.DMA,
            pltpu.SemaphoreType.DMA,
            pltpu.SemaphoreType.DMA,
            pltpu.SemaphoreType.DMA,
        ],
    )
    def ga(idxT_hbm, s128_hbm, out3_hbm, idx_v, ri0, ri1, rv0, rv1, ot0, ot1,
           gsem0, gsem1, osem0, osem1):
        wid = lax.axis_index("s") * _NC + lax.axis_index("c")
        b0 = wid * _BPW
        pltpu.sync_copy(idxT_hbm.at[:, pl.ds(b0, _BPW)], idx_v)
        ris = (ri0, ri1)
        rvs = (rv0, rv1)
        ots = (ot0, ot1)
        gsems = (gsem0, gsem1)
        osems = (osem0, osem1)
        lane = lax.iota(jnp.int32, 16)

        def prep_and_gather(g, b):
            f = g // 4
            tb = g % 4
            ivs = [idx_v[f, pl.ds(tb * 128 + 16 * m, 16)] for m in range(8)]
            for m in range(8):
                ris[b][pl.ds(16 * m, 16)] = ivs[m] >> 2
            pltpu.async_copy(s128_hbm.at[ris[b]], rvs[b], gsems[b])

        def wait_gather(b):
            pltpu.make_async_copy(s128_hbm.at[ris[b]], rvs[b], gsems[b]).wait()

        def extract(g, b):
            f = g // 4
            tb = g % 4
            avecs = []
            for m in range(8):
                iv = idx_v[f, pl.ds(tb * 128 + 16 * m, 16)]
                avecs.append((iv & 3) << 5)
            @plsc.parallel_loop(0, 32, unroll=4)
            def _(j):
                vs = []
                for m in range(8):
                    vs.append(plsc.load_gather(
                        rvs[b], [lane + 16 * m, avecs[m] + j]))
                for m in range(8):
                    ots[b][j, pl.ds(16 * m, 16)] = vs[m]

        def start_out(g, b):
            f = g // 4
            tb = g % 4
            pltpu.async_copy(
                ots[b], out3_hbm.at[f, :, pl.ds((4 * wid + tb) * 128, 128)],
                osems[b])

        def wait_out(b):
            pltpu.make_async_copy(
                ots[b], out3_hbm.at[0, :, pl.ds(0, 128)], osems[b]).wait()

        def body(u, carry):
            for dt in (0, 1):
                g = 2 * u + dt
                b = dt
                @pl.when(g + 1 < _NGRP)
                def _():
                    prep_and_gather(g + 1, 1 - b)
                wait_gather(b)
                @pl.when(g >= 2)
                def _():
                    wait_out(b)
                extract(g, b)
                start_out(g, b)
            return carry

        prep_and_gather(0, 0)
        lax.fori_loop(0, _NGRP // 2, body, 0)
        wait_out(0)
        wait_out(1)

    return ga


_tr = _make_transpose()
_ga = _make_gather()


def kernel(x, table):
    tail = table[_CBF * 128:].reshape(16, 128)
    s128 = _tr(table.T, tail)
    out3 = _ga(x.T, s128)
    return out3.transpose(2, 0, 1)

# --- scband reference (transcript-rebuilt; emitter-appended) ---
"""Pipeline reference for scband-cat-feature-encoder-20177756356728 (READ-ONLY COPY).

The authoritative reference and input builder live on the scoring server;
editing this copy changes nothing except your own understanding.
"""

import jax, jax.numpy as jnp
import numpy as np

INPUT_DIM = 1000000
HIDDEN_DIM = 32
BATCH = 16384
N_FIELDS = 26

def setup_inputs(seed: int = 0) -> dict:
    key = jax.random.key(seed)
    k_idx, k_tab = jax.random.split(key)
    x = jax.random.randint(k_idx, (BATCH, N_FIELDS), 0, INPUT_DIM, dtype=jnp.int64 if jax.config.jax_enable_x64 else jnp.int32)
    # embedding table, initialized like torch.nn.Embedding (standard normal)
    table = jax.random.normal(k_tab, (INPUT_DIM, HIDDEN_DIM), dtype=jnp.float32)
    return {"x": x, "table": table}

def reference(x, table):
    # Faithful translation of torch.nn.Embedding forward: gather rows by index.
    return jnp.take(table, x, axis=0)

if __name__ == "__main__":
    import jax
    _d = setup_inputs()
    print(jax.jit(kernel)(*tuple(_d.values())))

</pallas_src>

<mosaic_0001>
#map = affine_map<(d0, d1) -> (0, 0)>
module attributes {stable_mosaic.version = 14 : i64} {
  func.func @tr(%arg0: i32, %arg1: i32, %arg2: memref<32x1000000xf32, #tpu.memory_space<hbm>>, %arg3: memref<16x128xf32, #tpu.memory_space<hbm>>, %arg4: memref<250000x128xf32, #tpu.memory_space<hbm>>, %arg5: memref<32x128xf32, #tpu.memory_space<vmem>>, %arg6: memref<32x128xf32, #tpu.memory_space<vmem>>, %arg7: memref<32x128xf32, #tpu.memory_space<vmem>>, %arg8: memref<32x128xf32, #tpu.memory_space<vmem>>, %arg9: memref<!tpu.dma_semaphore, #tpu.memory_space<semaphore_mem>>, %arg10: memref<!tpu.dma_semaphore, #tpu.memory_space<semaphore_mem>>, %arg11: memref<!tpu.dma_semaphore, #tpu.memory_space<semaphore_mem>>, %arg12: memref<!tpu.dma_semaphore, #tpu.memory_space<semaphore_mem>>) attributes {dimension_semantics = [#tpu.dimension_semantics<core_parallel>, #tpu.dimension_semantics<subcore_parallel>], iteration_bounds = array<i64: 2, 16>, scalar_prefetch = 0 : i64, scratch_operands = 8 : i64, tpu.core_type = #tpu.core_type<sc_vector_subcore>, window_params = [{transform_indices = #map}, {transform_indices = #map}, {transform_indices = #map}]} {
    %mul3A = arith.constant 2 : i32
    %mul3A_0 = arith.muli %arg1, %mul3A : i32
    %add3A = arith.addi %mul3A_0, %arg0 : i32
    %iota3A = tpu.iota {dimensions = array<i32: 0>} : vector<16xi32>
    %add3A_1 = arith.constant 0 : i32
    %add3A_2 = arith.addi %add3A_1, %add3A : i32
    %lt3A = arith.constant 7812 : i32
    %lt3A_3 = arith.cmpi slt, %add3A_2, %lt3A : i32
    %convert_element_type3A = arith.extui %lt3A_3 : i1 to i32
    %cond3A = arith.constant 0 : i32
    %cond3A_4 = arith.cmpi ne, %convert_element_type3A, %cond3A : i32
    scf.if %cond3A_4 {
      %mul3A_28 = arith.constant 128 : i32
      %mul3A_29 = arith.muli %add3A_2, %mul3A_28 : i32
      %dma_start3A = arith.constant 0 : i32
      %dma_start3A_30 = tpu.memref_slice %arg2[%dma_start3A, %mul3A_29] : memref<32x1000000xf32, #tpu.memory_space<hbm>> -> memref<32x128xf32, #tpu.memory_space<hbm>>
      %dma_start3A_31 = arith.constant 0 : i32
      %dma_start3A_32 = tpu.memref_slice %arg2[%dma_start3A_31, %mul3A_29] : memref<32x1000000xf32, #tpu.memory_space<hbm>> -> memref<32x128xf32, #tpu.memory_space<hbm>>
      tpu.enqueue_dma source(%dma_start3A_32 : memref<32x128xf32, #tpu.memory_space<hbm>>) target(%arg5 : memref<32x128xf32, #tpu.memory_space<vmem>>) target_semaphore(%arg9 : memref<!tpu.dma_semaphore, #tpu.memory_space<semaphore_mem>>)
    } else {
    }
    %scan3A = arith.constant 0 : i32
    %scan3A_5 = arith.constant 0 : i32
    %scan3A_6 = arith.constant 123 : i32
    %scan3A_7 = arith.addi %scan3A_5, %scan3A_6 : i32
    %scan3A_8 = arith.constant 1 : i32
    scf.for %scan3A_28 = %scan3A_5 to %scan3A_7 step %scan3A_8  : i32 {
      %mul3A_29 = arith.constant 2 : i32
      %mul3A_30 = arith.muli %mul3A_29, %scan3A_28 : i32
      %add3A_31 = arith.constant 0 : i32
      %add3A_32 = arith.addi %mul3A_30, %add3A_31 : i32
      %mul3A_33 = arith.constant 32 : i32
      %mul3A_34 = arith.muli %add3A_32, %mul3A_33 : i32
      %add3A_35 = arith.addi %mul3A_34, %add3A : i32
      %lt3A_36 = arith.constant 7812 : i32
      %lt3A_37 = arith.cmpi slt, %add3A_35, %lt3A_36 : i32
      %convert_element_type3A_38 = arith.extui %lt3A_37 : i1 to i32
      %cond3A_39 = arith.constant 0 : i32
      %cond3A_40 = arith.cmpi ne, %convert_element_type3A_38, %cond3A_39 : i32
      scf.if %cond3A_40 {
        %add3A_53 = arith.constant 1 : i32
        %add3A_54 = arith.addi %add3A_32, %add3A_53 : i32
        %mul3A_55 = arith.constant 32 : i32
        %mul3A_56 = arith.muli %add3A_54, %mul3A_55 : i32
        %add3A_57 = arith.addi %mul3A_56, %add3A : i32
        %lt3A_58 = arith.constant 7812 : i32
        %lt3A_59 = arith.cmpi slt, %add3A_57, %lt3A_58 : i32
        %convert_element_type3A_60 = arith.extui %lt3A_59 : i1 to i32
        %cond3A_61 = arith.constant 0 : i32
        %cond3A_62 = arith.cmpi ne, %convert_element_type3A_60, %cond3A_61 : i32
        scf.if %cond3A_62 {
          %mul3A_79 = arith.constant 128 : i32
          %mul3A_80 = arith.muli %add3A_57, %mul3A_79 : i32
          %dma_start3A_81 = arith.constant 0 : i32
          %dma_start3A_82 = tpu.memref_slice %arg2[%dma_start3A_81, %mul3A_80] : memref<32x1000000xf32, #tpu.memory_space<hbm>> -> memref<32x128xf32, #tpu.memory_space<hbm>>
          %dma_start3A_83 = arith.constant 0 : i32
          %dma_start3A_84 = tpu.memref_slice %arg2[%dma_start3A_83, %mul3A_80] : memref<32x1000000xf32, #tpu.memory_space<hbm>> -> memref<32x128xf32, #tpu.memory_space<hbm>>
          tpu.enqueue_dma source(%dma_start3A_84 : memref<32x128xf32, #tpu.memory_space<hbm>>) target(%arg6 : memref<32x128xf32, #tpu.memory_space<vmem>>) target_semaphore(%arg10 : memref<!tpu.dma_semaphore, #tpu.memory_space<semaphore_mem>>)
        } else {
        }
        %dma_wait3A = arith.constant 0 : i32
        %dma_wait3A_63 = arith.constant 0 : i32
        %dma_wait3A_64 = tpu.memref_slice %arg2[%dma_wait3A, %dma_wait3A_63] : memref<32x1000000xf32, #tpu.memory_space<hbm>> -> memref<32x128xf32, #tpu.memory_space<hbm>>
        %dma_wait3A_65 = arith.constant 0 : i32
        %dma_wait3A_66 = arith.constant 0 : i32
        %dma_wait3A_67 = tpu.memref_slice %arg2[%dma_wait3A_65, %dma_wait3A_66] : memref<32x1000000xf32, #tpu.memory_space<hbm>> -> memref<32x128xf32, #tpu.memory_space<hbm>>
        tpu.wait_dma2 semaphore(%arg9 : memref<!tpu.dma_semaphore, #tpu.memory_space<semaphore_mem>>) src(%dma_wait3A_67 : memref<32x128xf32, #tpu.memory_space<hbm>>) dst(%arg5 : memref<32x128xf32, #tpu.memory_space<vmem>>)
        %ge3A = arith.constant 2 : i32
        %ge3A_68 = arith.cmpi sge, %add3A_32, %ge3A : i32
        %convert_element_type3A_69 = arith.extui %ge3A_68 : i1 to i32
        %cond3A_70 = arith.constant 0 : i32
        %cond3A_71 = arith.cmpi ne, %convert_element_type3A_69, %cond3A_70 : i32
        scf.if %cond3A_71 {
          %dma_wait3A_79 = arith.constant 0 : i32
          %dma_wait3A_80 = arith.constant 0 : i32
          %dma_wait3A_81 = tpu.memref_slice %arg4[%dma_wait3A_79, %dma_wait3A_80] : memref<250000x128xf32, #tpu.memory_space<hbm>> -> memref<32x128xf32, #tpu.memory_space<hbm>>
          %dma_wait3A_82 = arith.constant 0 : i32
          %dma_wait3A_83 = arith.constant 0 : i32
          %dma_wait3A_84 = tpu.memref_slice %arg4[%dma_wait3A_82, %dma_wait3A_83] : memref<250000x128xf32, #tpu.memory_space<hbm>> -> memref<32x128xf32, #tpu.memory_space<hbm>>
          tpu.wait_dma2 semaphore(%arg11 : memref<!tpu.dma_semaphore, #tpu.memory_space<semaphore_mem>>) src(%arg7 : memref<32x128xf32, #tpu.memory_space<vmem>>) dst(%dma_wait3A_84 : memref<32x128xf32, #tpu.memory_space<hbm>>)
        } else {
        }
        %parallel_loop3A = arith.constant 0 : i32
        %parallel_loop3A_72 = arith.constant 32 : i32
        %parallel_loop3A_73 = arith.constant 1 : i32
        scf.for %parallel_loop3A_79 = %parallel_loop3A to %parallel_loop3A_72 step %parallel_loop3A_73  : i32 {
          %parallel_loop3A_80 = arith.constant 0 : i32
          %parallel_loop3A_81 = vector.broadcast %parallel_loop3A_80 : i32 to vector<16xi32>
          %parallel_loop3A_82 = arith.addi %iota3A, %parallel_loop3A_81 : vector<16xi32>
          %parallel_loop3A_83 = arith.constant 4 : i32
          %parallel_loop3A_84 = arith.muli %parallel_loop3A_83, %parallel_loop3A_79 : i32
          %parallel_loop3A_85 = arith.constant 0 : i32
          %parallel_loop3A_86 = arith.addi %parallel_loop3A_84, %parallel_loop3A_85 : i32
          %parallel_loop3A_87 = vector.broadcast %parallel_loop3A_86 : i32 to vector<16xi32>
          %parallel_loop3A_88 = tpu.vector_load_idx %arg5[%parallel_loop3A_82, %parallel_loop3A_87] : memref<32x128xf32, #tpu.memory_space<vmem>>[vector<16xi32>, vector<16xi32>], vector<16xf32>,
          %parallel_loop3A_89 = arith.constant 16 : i32
          %parallel_loop3A_90 = vector.broadcast %parallel_loop3A_89 : i32 to vector<16xi32>
          %parallel_loop3A_91 = arith.addi %iota3A, %parallel_loop3A_90 : vector<16xi32>
          %parallel_loop3A_92 = arith.constant 4 : i32
          %parallel_loop3A_93 = arith.muli %parallel_loop3A_92, %parallel_loop3A_79 : i32
          %parallel_loop3A_94 = arith.constant 0 : i32
          %parallel_loop3A_95 = arith.addi %parallel_loop3A_93, %parallel_loop3A_94 : i32
          %parallel_loop3A_96 = vector.broadcast %parallel_loop3A_95 : i32 to vector<16xi32>
          %parallel_loop3A_97 = tpu.vector_load_idx %arg5[%parallel_loop3A_91, %parallel_loop3A_96] : memref<32x128xf32, #tpu.memory_space<vmem>>[vector<16xi32>, vector<16xi32>], vector<16xf32>,
          %parallel_loop3A_98 = arith.constant 0 : i32
          %parallel_loop3A_99 = vector.broadcast %parallel_loop3A_98 : i32 to vector<16xi32>
          %parallel_loop3A_100 = arith.addi %iota3A, %parallel_loop3A_99 : vector<16xi32>
          %parallel_loop3A_101 = arith.constant 4 : i32
          %parallel_loop3A_102 = arith.muli %parallel_loop3A_101, %parallel_loop3A_79 : i32
          %parallel_loop3A_103 = arith.constant 1 : i32
          %parallel_loop3A_104 = arith.addi %parallel_loop3A_102, %parallel_loop3A_103 : i32
          %parallel_loop3A_105 = vector.broadcast %parallel_loop3A_104 : i32 to vector<16xi32>
          %parallel_loop3A_106 = tpu.vector_load_idx %arg5[%parallel_loop3A_100, %parallel_loop3A_105] : memref<32x128xf32, #tpu.memory_space<vmem>>[vector<16xi32>, vector<16xi32>], vector<16xf32>,
          %parallel_loop3A_107 = arith.constant 16 : i32
          %parallel_loop3A_108 = vector.broadcast %parallel_loop3A_107 : i32 to vector<16xi32>
          %parallel_loop3A_109 = arith.addi %iota3A, %parallel_loop3A_108 : vector<16xi32>
          %parallel_loop3A_110 = arith.constant 4 : i32
          %parallel_loop3A_111 = arith.muli %parallel_loop3A_110, %parallel_loop3A_79 : i32
          %parallel_loop3A_112 = arith.constant 1 : i32
          %parallel_loop3A_113 = arith.addi %parallel_loop3A_111, %parallel_loop3A_112 : i32
          %parallel_loop3A_114 = vector.broadcast %parallel_loop3A_113 : i32 to vector<16xi32>
          %parallel_loop3A_115 = tpu.vector_load_idx %arg5[%parallel_loop3A_109, %parallel_loop3A_114] : memref<32x128xf32, #tpu.memory_space<vmem>>[vector<16xi32>, vector<16xi32>], vector<16xf32>,
          %parallel_loop3A_116 = arith.constant 0 : i32
          %parallel_loop3A_117 = vector.broadcast %parallel_loop3A_116 : i32 to vector<16xi32>
          %parallel_loop3A_118 = arith.addi %iota3A, %parallel_loop3A_117 : vector<16xi32>
          %parallel_loop3A_119 = arith.constant 4 : i32
          %parallel_loop3A_120 = arith.muli %parallel_loop3A_119, %parallel_loop3A_79 : i32
          %parallel_loop3A_121 = arith.constant 2 : i32
          %parallel_loop3A_122 = arith.addi %parallel_loop3A_120, %parallel_loop3A_121 : i32
          %parallel_loop3A_123 = vector.broadcast %parallel_loop3A_122 : i32 to vector<16xi32>
          %parallel_loop3A_124 = tpu.vector_load_idx %arg5[%parallel_loop3A_118, %parallel_loop3A_123] : memref<32x128xf32, #tpu.memory_space<vmem>>[vector<16xi32>, vector<16xi32>], vector<16xf32>,
          %parallel_loop3A_125 = arith.constant 16 : i32
          %parallel_loop3A_126 = vector.broadcast %parallel_loop3A_125 : i32 to vector<16xi32>
          %parallel_loop3A_127 = arith.addi %iota3A, %parallel_loop3A_126 : vector<16xi32>
          %parallel_loop3A_128 = arith.constant 4 : i32
          %parallel_loop3A_129 = arith.muli %parallel_loop3A_128, %parallel_loop3A_79 : i32
          %parallel_loop3A_130 = arith.constant 2 : i32
          %parallel_loop3A_131 = arith.addi %parallel_loop3A_129, %parallel_loop3A_130 : i32
          %parallel_loop3A_132 = vector.broadcast %parallel_loop3A_131 : i32 to vector<16xi32>
          %parallel_loop3A_133 = tpu.vector_load_idx %arg5[%parallel_loop3A_127, %parallel_loop3A_132] : memref<32x128xf32, #tpu.memory_space<vmem>>[vector<16xi32>, vector<16xi32>], vector<16xf32>,
          %parallel_loop3A_134 = arith.constant 0 : i32
          %parallel_loop3A_135 = vector.broadcast %parallel_loop3A_134 : i32 to vector<16xi32>
          %parallel_loop3A_136 = arith.addi %iota3A, %parallel_loop3A_135 : vector<16xi32>
          %parallel_loop3A_137 = arith.constant 4 : i32
          %parallel_loop3A_138 = arith.muli %parallel_loop3A_137, %parallel_loop3A_79 : i32
          %parallel_loop3A_139 = arith.constant 3 : i32
          %parallel_loop3A_140 = arith.addi %parallel_loop3A_138, %parallel_loop3A_139 : i32
          %parallel_loop3A_141 = vector.broadcast %parallel_loop3A_140 : i32 to vector<16xi32>
          %parallel_loop3A_142 = tpu.vector_load_idx %arg5[%parallel_loop3A_136, %parallel_loop3A_141] : memref<32x128xf32, #tpu.memory_space<vmem>>[vector<16xi32>, vector<16xi32>], vector<16xf32>,
          %parallel_loop3A_143 = arith.constant 16 : i32
          %parallel_loop3A_144 = vector.broadcast %parallel_loop3A_143 : i32 to vector<16xi32>
          %parallel_loop3A_145 = arith.addi %iota3A, %parallel_loop3A_144 : vector<16xi32>
          %parallel_loop3A_146 = arith.constant 4 : i32
          %parallel_loop3A_147 = arith.muli %parallel_loop3A_146, %parallel_loop3A_79 : i32
          %parallel_loop3A_148 = arith.constant 3 : i32
          %parallel_loop3A_149 = arith.addi %parallel_loop3A_147, %parallel_loop3A_148 : i32
          %parallel_loop3A_150 = vector.broadcast %parallel_loop3A_149 : i32 to vector<16xi32>
          %parallel_loop3A_151 = tpu.vector_load_idx %arg5[%parallel_loop3A_145, %parallel_loop3A_150] : memref<32x128xf32, #tpu.memory_space<vmem>>[vector<16xi32>, vector<16xi32>], vector<16xf32>,
          %parallel_loop3A_152 = arith.index_cast %parallel_loop3A_79 : i32 to index
          %parallel_loop3A_153 = arith.constant 0 : index
          %parallel_loop3A_154 = tpu.vector_load %arg7[%parallel_loop3A_152, %parallel_loop3A_153] {strides = array<i32>} : memref<32x128xf32, #tpu.memory_space<vmem>>, vector<16xf32>,
          tpu.vector_store %arg7[%parallel_loop3A_152, %parallel_loop3A_153], %parallel_loop3A_88 {strides = array<i32>} : memref<32x128xf32, #tpu.memory_space<vmem>>, vector<16xf32>,
          %parallel_loop3A_155 = arith.index_cast %parallel_loop3A_79 : i32 to index
          %parallel_loop3A_156 = arith.constant 16 : index
          %parallel_loop3A_157 = tpu.vector_load %arg7[%parallel_loop3A_155, %parallel_loop3A_156] {strides = array<i32>} : memref<32x128xf32, #tpu.memory_space<vmem>>, vector<16xf32>,
          tpu.vector_store %arg7[%parallel_loop3A_155, %parallel_loop3A_156], %parallel_loop3A_97 {strides = array<i32>} : memref<32x128xf32, #tpu.memory_space<vmem>>, vector<16xf32>,
          %parallel_loop3A_158 = arith.index_cast %parallel_loop3A_79 : i32 to index
          %parallel_loop3A_159 = arith.constant 32 : index
          %parallel_loop3A_160 = tpu.vector_load %arg7[%parallel_loop3A_158, %parallel_loop3A_159] {strides = array<i32>} : memref<32x128xf32, #tpu.memory_space<vmem>>, vector<16xf32>,
          tpu.vector_store %arg7[%parallel_loop3A_158, %parallel_loop3A_159], %parallel_loop3A_106 {strides = array<i32>} : memref<32x128xf32, #tpu.memory_space<vmem>>, vector<16xf32>,
          %parallel_loop3A_161 = arith.index_cast %parallel_loop3A_79 : i32 to index
          %parallel_loop3A_162 = arith.constant 48 : index
          %parallel_loop3A_163 = tpu.vector_load %arg7[%parallel_loop3A_161, %parallel_loop3A_162] {strides = array<i32>} : memref<32x128xf32, #tpu.memory_space<vmem>>, vector<16xf32>,
          tpu.vector_store %arg7[%parallel_loop3A_161, %parallel_loop3A_162], %parallel_loop3A_115 {strides = array<i32>} : memref<32x128xf32, #tpu.memory_space<vmem>>, vector<16xf32>,
          %parallel_loop3A_164 = arith.index_cast %parallel_loop3A_79 : i32 to index
          %parallel_loop3A_165 = arith.constant 64 : index
          %parallel_loop3A_166 = tpu.vector_load %arg7[%parallel_loop3A_164, %parallel_loop3A_165] {strides = array<i32>} : memref<32x128xf32, #tpu.memory_space<vmem>>, vector<16xf32>,
          tpu.vector_store %arg7[%parallel_loop3A_164, %parallel_loop3A_165], %parallel_loop3A_124 {strides = array<i32>} : memref<32x128xf32, #tpu.memory_space<vmem>>, vector<16xf32>,
          %parallel_loop3A_167 = arith.index_cast %parallel_loop3A_79 : i32 to index
          %parallel_loop3A_168 = arith.constant 80 : index
          %parallel_loop3A_169 = tpu.vector_load %arg7[%parallel_loop3A_167, %parallel_loop3A_168] {strides = array<i32>} : memref<32x128xf32, #tpu.memory_space<vmem>>, vector<16xf32>,
          tpu.vector_store %arg7[%parallel_loop3A_167, %parallel_loop3A_168], %parallel_loop3A_133 {strides = array<i32>} : memref<32x128xf32, #tpu.memory_space<vmem>>, vector<16xf32>,
          %parallel_loop3A_170 = arith.index_cast %parallel_loop3A_79 : i32 to index
          %parallel_loop3A_171 = arith.constant 96 : index
          %parallel_loop3A_172 = tpu.vector_load %arg7[%parallel_loop3A_170, %parallel_loop3A_171] {strides = array<i32>} : memref<32x128xf32, #tpu.memory_space<vmem>>, vector<16xf32>,
          tpu.vector_store %arg7[%parallel_loop3A_170, %parallel_loop3A_171], %parallel_loop3A_142 {strides = array<i32>} : memref<32x128xf32, #tpu.memory_space<vmem>>, vector<16xf32>,
          %parallel_loop3A_173 = arith.index_cast %parallel_loop3A_79 : i32 to index
          %parallel_loop3A_174 = arith.constant 112 : index
          %parallel_loop3A_175 = tpu.vector_load %arg7[%parallel_loop3A_173, %parallel_loop3A_174] {strides = array<i32>} : memref<32x128xf32, #tpu.memory_space<vmem>>, vector<16xf32>,
          tpu.vector_store %arg7[%parallel_loop3A_173, %parallel_loop3A_174], %parallel_loop3A_151 {strides = array<i32>} : memref<32x128xf32, #tpu.memory_space<vmem>>, vector<16xf32>,
        } {sc.loop_unroll_factor = 2 : i64, sc.parallel_access}
        %mul3A_74 = arith.constant 32 : i32
        %mul3A_75 = arith.muli %add3A_35, %mul3A_74 : i32
        %dma_start3A = arith.constant 0 : i32
        %dma_start3A_76 = tpu.memref_slice %arg4[%mul3A_75, %dma_start3A] : memref<250000x128xf32, #tpu.memory_space<hbm>> -> memref<32x128xf32, #tpu.memory_space<hbm>>
        %dma_start3A_77 = arith.constant 0 : i32
        %dma_start3A_78 = tpu.memref_slice %arg4[%mul3A_75, %dma_start3A_77] : memref<250000x128xf32, #tpu.memory_space<hbm>> -> memref<32x128xf32, #tpu.memory_space<hbm>>
        tpu.enqueue_dma source(%arg7 : memref<32x128xf32, #tpu.memory_space<vmem>>) target(%dma_start3A_78 : memref<32x128xf32, #tpu.memory_space<hbm>>) target_semaphore(%arg11 : memref<!tpu.dma_semaphore, #tpu.memory_space<semaphore_mem>>)
      } else {
      }
      %mul3A_41 = arith.constant 2 : i32
      %mul3A_42 = arith.muli %mul3A_41, %scan3A_28 : i32
      %add3A_43 = arith.constant 1 : i32
      %add3A_44 = arith.addi %mul3A_42, %add3A_43 : i32
      %mul3A_45 = arith.constant 32 : i32
      %mul3A_46 = arith.muli %add3A_44, %mul3A_45 : i32
      %add3A_47 = arith.addi %mul3A_46, %add3A : i32
      %lt3A_48 = arith.constant 7812 : i32
      %lt3A_49 = arith.cmpi slt, %add3A_47, %lt3A_48 : i32
      %convert_element_type3A_50 = arith.extui %lt3A_49 : i1 to i32
      %cond3A_51 = arith.constant 0 : i32
      %cond3A_52 = arith.cmpi ne, %convert_element_type3A_50, %cond3A_51 : i32
      scf.if %cond3A_52 {
        %add3A_53 = arith.constant 1 : i32
        %add3A_54 = arith.addi %add3A_44, %add3A_53 : i32
        %mul3A_55 = arith.constant 32 : i32
        %mul3A_56 = arith.muli %add3A_54, %mul3A_55 : i32
        %add3A_57 = arith.addi %mul3A_56, %add3A : i32
        %lt3A_58 = arith.constant 7812 : i32
        %lt3A_59 = arith.cmpi slt, %add3A_57, %lt3A_58 : i32
        %convert_element_type3A_60 = arith.extui %lt3A_59 : i1 to i32
        %cond3A_61 = arith.constant 0 : i32
        %cond3A_62 = arith.cmpi ne, %convert_element_type3A_60, %cond3A_61 : i32
        scf.if %cond3A_62 {
          %mul3A_79 = arith.constant 128 : i32
          %mul3A_80 = arith.muli %add3A_57, %mul3A_79 : i32
          %dma_start3A_81 = arith.constant 0 : i32
          %dma_start3A_82 = tpu.memref_slice %arg2[%dma_start3A_81, %mul3A_80] : memref<32x1000000xf32, #tpu.memory_space<hbm>> -> memref<32x128xf32, #tpu.memory_space<hbm>>
          %dma_start3A_83 = arith.constant 0 : i32
          %dma_start3A_84 = tpu.memref_slice %arg2[%dma_start3A_83, %mul3A_80] : memref<32x1000000xf32, #tpu.memory_space<hbm>> -> memref<32x128xf32, #tpu.memory_space<hbm>>
          tpu.enqueue_dma source(%dma_start3A_84 : memref<32x128xf32, #tpu.memory_space<hbm>>) target(%arg5 : memref<32x128xf32, #tpu.memory_space<vmem>>) target_semaphore(%arg9 : memref<!tpu.dma_semaphore, #tpu.memory_space<semaphore_mem>>)
        } else {
        }
        %dma_wait3A = arith.constant 0 : i32
        %dma_wait3A_63 = arith.constant 0 : i32
        %dma_wait3A_64 = tpu.memref_slice %arg2[%dma_wait3A, %dma_wait3A_63] : memref<32x1000000xf32, #tpu.memory_space<hbm>> -> memref<32x128xf32, #tpu.memory_space<hbm>>
        %dma_wait3A_65 = arith.constant 0 : i32
        %dma_wait3A_66 = arith.constant 0 : i32
        %dma_wait3A_67 = tpu.memref_slice %arg2[%dma_wait3A_65, %dma_wait3A_66] : memref<32x1000000xf32, #tpu.memory_space<hbm>> -> memref<32x128xf32, #tpu.memory_space<hbm>>
        tpu.wait_dma2 semaphore(%arg10 : memref<!tpu.dma_semaphore, #tpu.memory_space<semaphore_mem>>) src(%dma_wait3A_67 : memref<32x128xf32, #tpu.memory_space<hbm>>) dst(%arg6 : memref<32x128xf32, #tpu.memory_space<vmem>>)
        %ge3A = arith.constant 2 : i32
        %ge3A_68 = arith.cmpi sge, %add3A_44, %ge3A : i32
        %convert_element_type3A_69 = arith.extui %ge3A_68 : i1 to i32
        %cond3A_70 = arith.constant 0 : i32
        %cond3A_71 = arith.cmpi ne, %convert_element_type3A_69, %cond3A_70 : i32
        scf.if %cond3A_71 {
          %dma_wait3A_79 = arith.constant 0 : i32
          %dma_wait3A_80 = arith.constant 0 : i32
          %dma_wait3A_81 = tpu.memref_slice %arg4[%dma_wait3A_79, %dma_wait3A_80] : memref<250000x128xf32, #tpu.memory_space<hbm>> -> memref<32x128xf32, #tpu.memory_space<hbm>>
          %dma_wait3A_82 = arith.constant 0 : i32
          %dma_wait3A_83 = arith.constant 0 : i32
          %dma_wait3A_84 = tpu.memref_slice %arg4[%dma_wait3A_82, %dma_wait3A_83] : memref<250000x128xf32, #tpu.memory_space<hbm>> -> memref<32x128xf32, #tpu.memory_space<hbm>>
          tpu.wait_dma2 semaphore(%arg12 : memref<!tpu.dma_semaphore, #tpu.memory_space<semaphore_mem>>) src(%arg8 : memref<32x128xf32, #tpu.memory_space<vmem>>) dst(%dma_wait3A_84 : memref<32x128xf32, #tpu.memory_space<hbm>>)
        } else {
        }
        %parallel_loop3A = arith.constant 0 : i32
        %parallel_loop3A_72 = arith.constant 32 : i32
        %parallel_loop3A_73 = arith.constant 1 : i32
        scf.for %parallel_loop3A_79 = %parallel_loop3A to %parallel_loop3A_72 step %parallel_loop3A_73  : i32 {
          %parallel_loop3A_80 = arith.constant 0 : i32
          %parallel_loop3A_81 = vector.broadcast %parallel_loop3A_80 : i32 to vector<16xi32>
          %parallel_loop3A_82 = arith.addi %iota3A, %parallel_loop3A_81 : vector<16xi32>
          %parallel_loop3A_83 = arith.constant 4 : i32
          %parallel_loop3A_84 = arith.muli %parallel_loop3A_83, %parallel_loop3A_79 : i32
          %parallel_loop3A_85 = arith.constant 0 : i32
          %parallel_loop3A_86 = arith.addi %parallel_loop3A_84, %parallel_loop3A_85 : i32
          %parallel_loop3A_87 = vector.broadcast %parallel_loop3A_86 : i32 to vector<16xi32>
          %parallel_loop3A_88 = tpu.vector_load_idx %arg6[%parallel_loop3A_82, %parallel_loop3A_87] : memref<32x128xf32, #tpu.memory_space<vmem>>[vector<16xi32>, vector<16xi32>], vector<16xf32>,
          %parallel_loop3A_89 = arith.constant 16 : i32
          %parallel_loop3A_90 = vector.broadcast %parallel_loop3A_89 : i32 to vector<16xi32>
          %parallel_loop3A_91 = arith.addi %iota3A, %parallel_loop3A_90 : vector<16xi32>
          %parallel_loop3A_92 = arith.constant 4 : i32
          %parallel_loop3A_93 = arith.muli %parallel_loop3A_92, %parallel_loop3A_79 : i32
          %parallel_loop3A_94 = arith.constant 0 : i32
          %parallel_loop3A_95 = arith.addi %parallel_loop3A_93, %parallel_loop3A_94 : i32
          %parallel_loop3A_96 = vector.broadcast %parallel_loop3A_95 : i32 to vector<16xi32>
          %parallel_loop3A_97 = tpu.vector_load_idx %arg6[%parallel_loop3A_91, %parallel_loop3A_96] : memref<32x128xf32, #tpu.memory_space<vmem>>[vector<16xi32>, vector<16xi32>], vector<16xf32>,
          %parallel_loop3A_98 = arith.constant 0 : i32
          %parallel_loop3A_99 = vector.broadcast %parallel_loop3A_98 : i32 to vector<16xi32>
          %parallel_loop3A_100 = arith.addi %iota3A, %parallel_loop3A_99 : vector<16xi32>
          %parallel_loop3A_101 = arith.constant 4 : i32
          %parallel_loop3A_102 = arith.muli %parallel_loop3A_101, %parallel_loop3A_79 : i32
          %parallel_loop3A_103 = arith.constant 1 : i32
          %parallel_loop3A_104 = arith.addi %parallel_loop3A_102, %parallel_loop3A_103 : i32
          %parallel_loop3A_105 = vector.broadcast %parallel_loop3A_104 : i32 to vector<16xi32>
          %parallel_loop3A_106 = tpu.vector_load_idx %arg6[%parallel_loop3A_100, %parallel_loop3A_105] : memref<32x128xf32, #tpu.memory_space<vmem>>[vector<16xi32>, vector<16xi32>], vector<16xf32>,
          %parallel_loop3A_107 = arith.constant 16 : i32
          %parallel_loop3A_108 = vector.broadcast %parallel_loop3A_107 : i32 to vector<16xi32>
          %parallel_loop3A_109 = arith.addi %iota3A, %parallel_loop3A_108 : vector<16xi32>
          %parallel_loop3A_110 = arith.constant 4 : i32
          %parallel_loop3A_111 = arith.muli %parallel_loop3A_110, %parallel_loop3A_79 : i32
          %parallel_loop3A_112 = arith.constant 1 : i32
          %parallel_loop3A_113 = arith.addi %parallel_loop3A_111, %parallel_loop3A_112 : i32
          %parallel_loop3A_114 = vector.broadcast %parallel_loop3A_113 : i32 to vector<16xi32>
          %parallel_loop3A_115 = tpu.vector_load_idx %arg6[%parallel_loop3A_109, %parallel_loop3A_114] : memref<32x128xf32, #tpu.memory_space<vmem>>[vector<16xi32>, vector<16xi32>], vector<16xf32>,
          %parallel_loop3A_116 = arith.constant 0 : i32
          %parallel_loop3A_117 = vector.broadcast %parallel_loop3A_116 : i32 to vector<16xi32>
          %parallel_loop3A_118 = arith.addi %iota3A, %parallel_loop3A_117 : vector<16xi32>
          %parallel_loop3A_119 = arith.constant 4 : i32
          %parallel_loop3A_120 = arith.muli %parallel_loop3A_119, %parallel_loop3A_79 : i32
          %parallel_loop3A_121 = arith.constant 2 : i32
          %parallel_loop3A_122 = arith.addi %parallel_loop3A_120, %parallel_loop3A_121 : i32
          %parallel_loop3A_123 = vector.broadcast %parallel_loop3A_122 : i32 to vector<16xi32>
          %parallel_loop3A_124 = tpu.vector_load_idx %arg6[%parallel_loop3A_118, %parallel_loop3A_123] : memref<32x128xf32, #tpu.memory_space<vmem>>[vector<16xi32>, vector<16xi32>], vector<16xf32>,
          %parallel_loop3A_125 = arith.constant 16 : i32
          %parallel_loop3A_126 = vector.broadcast %parallel_loop3A_125 : i32 to vector<16xi32>
          %parallel_loop3A_127 = arith.addi %iota3A, %parallel_loop3A_126 : vector<16xi32>
          %parallel_loop3A_128 = arith.constant 4 : i32
          %parallel_loop3A_129 = arith.muli %parallel_loop3A_128, %parallel_loop3A_79 : i32
          %parallel_loop3A_130 = arith.constant 2 : i32
          %parallel_loop3A_131 = arith.addi %parallel_loop3A_129, %parallel_loop3A_130 : i32
          %parallel_loop3A_132 = vector.broadcast %parallel_loop3A_131 : i32 to vector<16xi32>
          %parallel_loop3A_133 = tpu.vector_load_idx %arg6[%parallel_loop3A_127, %parallel_loop3A_132] : memref<32x128xf32, #tpu.memory_space<vmem>>[vector<16xi32>, vector<16xi32>], vector<16xf32>,
          %parallel_loop3A_134 = arith.constant 0 : i32
          %parallel_loop3A_135 = vector.broadcast %parallel_loop3A_134 : i32 to vector<16xi32>
          %parallel_loop3A_136 = arith.addi %iota3A, %parallel_loop3A_135 : vector<16xi32>
          %parallel_loop3A_137 = arith.constant 4 : i32
          %parallel_loop3A_138 = arith.muli %parallel_loop3A_137, %parallel_loop3A_79 : i32
          %parallel_loop3A_139 = arith.constant 3 : i32
          %parallel_loop3A_140 = arith.addi %parallel_loop3A_138, %parallel_loop3A_139 : i32
          %parallel_loop3A_141 = vector.broadcast %parallel_loop3A_140 : i32 to vector<16xi32>
          %parallel_loop3A_142 = tpu.vector_load_idx %arg6[%parallel_loop3A_136, %parallel_loop3A_141] : memref<32x128xf32, #tpu.memory_space<vmem>>[vector<16xi32>, vector<16xi32>], vector<16xf32>,
          %parallel_loop3A_143 = arith.constant 16 : i32
          %parallel_loop3A_144 = vector.broadcast %parallel_loop3A_143 : i32 to vector<16xi32>
          %parallel_loop3A_145 = arith.addi %iota3A, %parallel_loop3A_144 : vector<16xi32>
          %parallel_loop3A_146 = arith.constant 4 : i32
          %parallel_loop3A_147 = arith.muli %parallel_loop3A_146, %parallel_loop3A_79 : i32
          %parallel_loop3A_148 = arith.constant 3 : i32
          %parallel_loop3A_149 = arith.addi %parallel_loop3A_147, %parallel_loop3A_148 : i32
          %parallel_loop3A_150 = vector.broadcast %parallel_loop3A_149 : i32 to vector<16xi32>
          %parallel_loop3A_151 = tpu.vector_load_idx %arg6[%parallel_loop3A_145, %parallel_loop3A_150] : memref<32x128xf32, #tpu.memory_space<vmem>>[vector<16xi32>, vector<16xi32>], vector<16xf32>,
          %parallel_loop3A_152 = arith.index_cast %parallel_loop3A_79 : i32 to index
          %parallel_loop3A_153 = arith.constant 0 : index
          %parallel_loop3A_154 = tpu.vector_load %arg8[%parallel_loop3A_152, %parallel_loop3A_153] {strides = array<i32>} : memref<32x128xf32, #tpu.memory_space<vmem>>, vector<16xf32>,
          tpu.vector_store %arg8[%parallel_loop3A_152, %parallel_loop3A_153], %parallel_loop3A_88 {strides = array<i32>} : memref<32x128xf32, #tpu.memory_space<vmem>>, vector<16xf32>,
          %parallel_loop3A_155 = arith.index_cast %parallel_loop3A_79 : i32 to index
          %parallel_loop3A_156 = arith.constant 16 : index
          %parallel_loop3A_157 = tpu.vector_load %arg8[%parallel_loop3A_155, %parallel_loop3A_156] {strides = array<i32>} : memref<32x128xf32, #tpu.memory_space<vmem>>, vector<16xf32>,
          tpu.vector_store %arg8[%parallel_loop3A_155, %parallel_loop3A_156], %parallel_loop3A_97 {strides = array<i32>} : memref<32x128xf32, #tpu.memory_space<vmem>>, vector<16xf32>,
          %parallel_loop3A_158 = arith.index_cast %parallel_loop3A_79 : i32 to index
          %parallel_loop3A_159 = arith.constant 32 : index
          %parallel_loop3A_160 = tpu.vector_load %arg8[%parallel_loop3A_158, %parallel_loop3A_159] {strides = array<i32>} : memref<32x128xf32, #tpu.memory_space<vmem>>, vector<16xf32>,
          tpu.vector_store %arg8[%parallel_loop3A_158, %parallel_loop3A_159], %parallel_loop3A_106 {strides = array<i32>} : memref<32x128xf32, #tpu.memory_space<vmem>>, vector<16xf32>,
          %parallel_loop3A_161 = arith.index_cast %parallel_loop3A_79 : i32 to index
          %parallel_loop3A_162 = arith.constant 48 : index
          %parallel_loop3A_163 = tpu.vector_load %arg8[%parallel_loop3A_161, %parallel_loop3A_162] {strides = array<i32>} : memref<32x128xf32, #tpu.memory_space<vmem>>, vector<16xf32>,
          tpu.vector_store %arg8[%parallel_loop3A_161, %parallel_loop3A_162], %parallel_loop3A_115 {strides = array<i32>} : memref<32x128xf32, #tpu.memory_space<vmem>>, vector<16xf32>,
          %parallel_loop3A_164 = arith.index_cast %parallel_loop3A_79 : i32 to index
          %parallel_loop3A_165 = arith.constant 64 : index
          %parallel_loop3A_166 = tpu.vector_load %arg8[%parallel_loop3A_164, %parallel_loop3A_165] {strides = array<i32>} : memref<32x128xf32, #tpu.memory_space<vmem>>, vector<16xf32>,
          tpu.vector_store %arg8[%parallel_loop3A_164, %parallel_loop3A_165], %parallel_loop3A_124 {strides = array<i32>} : memref<32x128xf32, #tpu.memory_space<vmem>>, vector<16xf32>,
          %parallel_loop3A_167 = arith.index_cast %parallel_loop3A_79 : i32 to index
          %parallel_loop3A_168 = arith.constant 80 : index
          %parallel_loop3A_169 = tpu.vector_load %arg8[%parallel_loop3A_167, %parallel_loop3A_168] {strides = array<i32>} : memref<32x128xf32, #tpu.memory_space<vmem>>, vector<16xf32>,
          tpu.vector_store %arg8[%parallel_loop3A_167, %parallel_loop3A_168], %parallel_loop3A_133 {strides = array<i32>} : memref<32x128xf32, #tpu.memory_space<vmem>>, vector<16xf32>,
          %parallel_loop3A_170 = arith.index_cast %parallel_loop3A_79 : i32 to index
          %parallel_loop3A_171 = arith.constant 96 : index
          %parallel_loop3A_172 = tpu.vector_load %arg8[%parallel_loop3A_170, %parallel_loop3A_171] {strides = array<i32>} : memref<32x128xf32, #tpu.memory_space<vmem>>, vector<16xf32>,
          tpu.vector_store %arg8[%parallel_loop3A_170, %parallel_loop3A_171], %parallel_loop3A_142 {strides = array<i32>} : memref<32x128xf32, #tpu.memory_space<vmem>>, vector<16xf32>,
          %parallel_loop3A_173 = arith.index_cast %parallel_loop3A_79 : i32 to index
          %parallel_loop3A_174 = arith.constant 112 : index
          %parallel_loop3A_175 = tpu.vector_load %arg8[%parallel_loop3A_173, %parallel_loop3A_174] {strides = array<i32>} : memref<32x128xf32, #tpu.memory_space<vmem>>, vector<16xf32>,
          tpu.vector_store %arg8[%parallel_loop3A_173, %parallel_loop3A_174], %parallel_loop3A_151 {strides = array<i32>} : memref<32x128xf32, #tpu.memory_space<vmem>>, vector<16xf32>,
        } {sc.loop_unroll_factor = 2 : i64, sc.parallel_access}
        %mul3A_74 = arith.constant 32 : i32
        %mul3A_75 = arith.muli %add3A_47, %mul3A_74 : i32
        %dma_start3A = arith.constant 0 : i32
        %dma_start3A_76 = tpu.memref_slice %arg4[%mul3A_75, %dma_start3A] : memref<250000x128xf32, #tpu.memory_space<hbm>> -> memref<32x128xf32, #tpu.memory_space<hbm>>
        %dma_start3A_77 = arith.constant 0 : i32
        %dma_start3A_78 = tpu.memref_slice %arg4[%mul3A_75, %dma_start3A_77] : memref<250000x128xf32, #tpu.memory_space<hbm>> -> memref<32x128xf32, #tpu.memory_space<hbm>>
        tpu.enqueue_dma source(%arg8 : memref<32x128xf32, #tpu.memory_space<vmem>>) target(%dma_start3A_78 : memref<32x128xf32, #tpu.memory_space<hbm>>) target_semaphore(%arg12 : memref<!tpu.dma_semaphore, #tpu.memory_space<semaphore_mem>>)
      } else {
      }
    }
    %scan3A_9 = arith.constant 123 : i32
    %add3A_10 = arith.constant 7776 : i32
    %add3A_11 = arith.addi %add3A_10, %add3A : i32
    %lt3A_12 = arith.constant 7812 : i32
    %lt3A_13 = arith.cmpi slt, %add3A_11, %lt3A_12 : i32
    %convert_element_type3A_14 = arith.extui %lt3A_13 : i1 to i32
    %cond3A_15 = arith.constant 0 : i32
    %cond3A_16 = arith.cmpi ne, %convert_element_type3A_14, %cond3A_15 : i32
    scf.if %cond3A_16 {
      %dma_wait3A = arith.constant 0 : i32
      %dma_wait3A_28 = arith.constant 0 : i32
      %dma_wait3A_29 = tpu.memref_slice %arg4[%dma_wait3A, %dma_wait3A_28] : memref<250000x128xf32, #tpu.memory_space<hbm>> -> memref<32x128xf32, #tpu.memory_space<hbm>>
      %dma_wait3A_30 = arith.constant 0 : i32
      %dma_wait3A_31 = arith.constant 0 : i32
      %dma_wait3A_32 = tpu.memref_slice %arg4[%dma_wait3A_30, %dma_wait3A_31] : memref<250000x128xf32, #tpu.memory_space<hbm>> -> memref<32x128xf32, #tpu.memory_space<hbm>>
      tpu.wait_dma2 semaphore(%arg12 : memref<!tpu.dma_semaphore, #tpu.memory_space<semaphore_mem>>) src(%arg8 : memref<32x128xf32, #tpu.memory_space<vmem>>) dst(%dma_wait3A_32 : memref<32x128xf32, #tpu.memory_space<hbm>>)
    } else {
    }
    %add3A_17 = arith.constant 7808 : i32
    %add3A_18 = arith.addi %add3A_17, %add3A : i32
    %lt3A_19 = arith.constant 7812 : i32
    %lt3A_20 = arith.cmpi slt, %add3A_18, %lt3A_19 : i32
    %convert_element_type3A_21 = arith.extui %lt3A_20 : i1 to i32
    %cond3A_22 = arith.constant 0 : i32
    %cond3A_23 = arith.cmpi ne, %convert_element_type3A_21, %cond3A_22 : i32
    scf.if %cond3A_23 {
      %dma_wait3A = arith.constant 0 : i32
      %dma_wait3A_28 = arith.constant 0 : i32
      %dma_wait3A_29 = tpu.memref_slice %arg4[%dma_wait3A, %dma_wait3A_28] : memref<250000x128xf32, #tpu.memory_space<hbm>> -> memref<32x128xf32, #tpu.memory_space<hbm>>
      %dma_wait3A_30 = arith.constant 0 : i32
      %dma_wait3A_31 = arith.constant 0 : i32
      %dma_wait3A_32 = tpu.memref_slice %arg4[%dma_wait3A_30, %dma_wait3A_31] : memref<250000x128xf32, #tpu.memory_space<hbm>> -> memref<32x128xf32, #tpu.memory_space<hbm>>
      tpu.wait_dma2 semaphore(%arg11 : memref<!tpu.dma_semaphore, #tpu.memory_space<semaphore_mem>>) src(%arg7 : memref<32x128xf32, #tpu.memory_space<vmem>>) dst(%dma_wait3A_32 : memref<32x128xf32, #tpu.memory_space<hbm>>)
    } else {
    }
    %eq3A = arith.constant 0 : i32
    %eq3A_24 = arith.cmpi eq, %add3A, %eq3A : i32
    %convert_element_type3A_25 = arith.extui %eq3A_24 : i1 to i32
    %cond3A_26 = arith.constant 0 : i32
    %cond3A_27 = arith.cmpi ne, %convert_element_type3A_25, %cond3A_26 : i32
    scf.if %cond3A_27 {
      "tpu.region"() ({
        %run_scoped3A = tpu.sem_alloc : memref<!tpu.dma_semaphore, #tpu.memory_space<semaphore_mem>>
        %dma_start3A = arith.constant 0 : i32
        %dma_start3A_28 = arith.constant 0 : i32
        %dma_start3A_29 = tpu.memref_slice %arg7[%dma_start3A, %dma_start3A_28] : memref<32x128xf32, #tpu.memory_space<vmem>> -> memref<16x128xf32, #tpu.memory_space<vmem>>
        %dma_start3A_30 = arith.constant 0 : i32
        %dma_start3A_31 = arith.constant 0 : i32
        %dma_start3A_32 = tpu.memref_slice %arg7[%dma_start3A_30, %dma_start3A_31] : memref<32x128xf32, #tpu.memory_space<vmem>> -> memref<16x128xf32, #tpu.memory_space<vmem>>
        tpu.enqueue_dma source(%arg3 : memref<16x128xf32, #tpu.memory_space<hbm>>) target(%dma_start3A_32 : memref<16x128xf32, #tpu.memory_space<vmem>>) target_semaphore(%run_scoped3A : memref<!tpu.dma_semaphore, #tpu.memory_space<semaphore_mem>>)
        %dma_wait3A = arith.constant 0 : i32
        %dma_wait3A_33 = arith.constant 0 : i32
        %dma_wait3A_34 = tpu.memref_slice %arg7[%dma_wait3A, %dma_wait3A_33] : memref<32x128xf32, #tpu.memory_space<vmem>> -> memref<16x128xf32, #tpu.memory_space<vmem>>
        %dma_wait3A_35 = arith.constant 0 : i32
        %dma_wait3A_36 = arith.constant 0 : i32
        %dma_wait3A_37 = tpu.memref_slice %arg7[%dma_wait3A_35, %dma_wait3A_36] : memref<32x128xf32, #tpu.memory_space<vmem>> -> memref<16x128xf32, #tpu.memory_space<vmem>>
        tpu.wait_dma2 semaphore(%run_scoped3A : memref<!tpu.dma_semaphore, #tpu.memory_space<semaphore_mem>>) src(%arg3 : memref<16x128xf32, #tpu.memory_space<hbm>>) dst(%dma_wait3A_37 : memref<16x128xf32, #tpu.memory_space<vmem>>)
        tpu.yield
      }) : () -> ()
      "tpu.region"() ({
        %run_scoped3A = tpu.sem_alloc : memref<!tpu.dma_semaphore, #tpu.memory_space<semaphore_mem>>
        %dma_start3A = arith.constant 0 : i32
        %dma_start3A_28 = arith.constant 0 : i32
        %dma_start3A_29 = tpu.memref_slice %arg7[%dma_start3A, %dma_start3A_28] : memref<32x128xf32, #tpu.memory_space<vmem>> -> memref<16x128xf32, #tpu.memory_space<vmem>>
        %dma_start3A_30 = arith.constant 249984 : i32
        %dma_start3A_31 = arith.constant 0 : i32
        %dma_start3A_32 = tpu.memref_slice %arg4[%dma_start3A_30, %dma_start3A_31] : memref<250000x128xf32, #tpu.memory_space<hbm>> -> memref<16x128xf32, #tpu.memory_space<hbm>>
        %dma_start3A_33 = arith.constant 249984 : i32
        %dma_start3A_34 = arith.constant 0 : i32
        %dma_start3A_35 = tpu.memref_slice %arg4[%dma_start3A_33, %dma_start3A_34] : memref<250000x128xf32, #tpu.memory_space<hbm>> -> memref<16x128xf32, #tpu.memory_space<hbm>>
        %dma_start3A_36 = arith.constant 0 : i32
        %dma_start3A_37 = arith.constant 0 : i32
        %dma_start3A_38 = tpu.memref_slice %arg7[%dma_start3A_36, %dma_start3A_37] : memref<32x128xf32, #tpu.memory_space<vmem>> -> memref<16x128xf32, #tpu.memory_space<vmem>>
        tpu.enqueue_dma source(%dma_start3A_38 : memref<16x128xf32, #tpu.memory_space<vmem>>) target(%dma_start3A_35 : memref<16x128xf32, #tpu.memory_space<hbm>>) target_semaphore(%run_scoped3A : memref<!tpu.dma_semaphore, #tpu.memory_space<semaphore_mem>>)
        %dma_wait3A = arith.constant 0 : i32
        %dma_wait3A_39 = arith.constant 0 : i32
        %dma_wait3A_40 = tpu.memref_slice %arg7[%dma_wait3A, %dma_wait3A_39] : memref<32x128xf32, #tpu.memory_space<vmem>> -> memref<16x128xf32, #tpu.memory_space<vmem>>
        %dma_wait3A_41 = arith.constant 249984 : i32
        %dma_wait3A_42 = arith.constant 0 : i32
        %dma_wait3A_43 = tpu.memref_slice %arg4[%dma_wait3A_41, %dma_wait3A_42] : memref<250000x128xf32, #tpu.memory_space<hbm>> -> memref<16x128xf32, #tpu.memory_space<hbm>>
        %dma_wait3A_44 = arith.constant 249984 : i32
        %dma_wait3A_45 = arith.constant 0 : i32
        %dma_wait3A_46 = tpu.memref_slice %arg4[%dma_wait3A_44, %dma_wait3A_45] : memref<250000x128xf32, #tpu.memory_space<hbm>> -> memref<16x128xf32, #tpu.memory_space<hbm>>
        %dma_wait3A_47 = arith.constant 0 : i32
        %dma_wait3A_48 = arith.constant 0 : i32
        %dma_wait3A_49 = tpu.memref_slice %arg7[%dma_wait3A_47, %dma_wait3A_48] : memref<32x128xf32, #tpu.memory_space<vmem>> -> memref<16x128xf32, #tpu.memory_space<vmem>>
        tpu.wait_dma2 semaphore(%run_scoped3A : memref<!tpu.dma_semaphore, #tpu.memory_space<semaphore_mem>>) src(%dma_wait3A_49 : memref<16x128xf32, #tpu.memory_space<vmem>>) dst(%dma_wait3A_46 : memref<16x128xf32, #tpu.memory_space<hbm>>)
        tpu.yield
      }) : () -> ()
    } else {
    }
    return
  }
}

#map = affine_map<(d0, d1) -> (0, 0)>
#map1 = affine_map<(d0, d1) -> (0, 0, 0)>
module attributes {stable_mosaic.version = 14 : i64} {
  func.func @ga(%arg0: i32, %arg1: i32, %arg2: memref<26x16384xi32, #tpu.memory_space<hbm>>, %arg3: memref<250000x128xf32, #tpu.memory_space<hbm>>, %arg4: memref<26x32x16384xf32, #tpu.memory_space<hbm>>, %arg5: memref<26x512xi32, #tpu.memory_space<vmem>>, %arg6: memref<128xi32, #tpu.memory_space<vmem>>, %arg7: memref<128xi32, #tpu.memory_space<vmem>>, %arg8: memref<128x128xf32, #tpu.memory_space<vmem>>, %arg9: memref<128x128xf32, #tpu.memory_space<vmem>>, %arg10: memref<32x128xf32, #tpu.memory_space<vmem>>, %arg11: memref<32x128xf32, #tpu.memory_space<vmem>>, %arg12: memref<!tpu.dma_semaphore, #tpu.memory_space<semaphore_mem>>, %arg13: memref<!tpu.dma_semaphore, #tpu.memory_space<semaphore_mem>>, %arg14: memref<!tpu.dma_semaphore, #tpu.memory_space<semaphore_mem>>, %arg15: memref<!tpu.dma_semaphore, #tpu.memory_space<semaphore_mem>>) attributes {dimension_semantics = [#tpu.dimension_semantics<core_parallel>, #tpu.dimension_semantics<subcore_parallel>], iteration_bounds = array<i64: 2, 16>, scalar_prefetch = 0 : i64, scratch_operands = 11 : i64, tpu.core_type = #tpu.core_type<sc_vector_subcore>, window_params = [{transform_indices = #map}, {transform_indices = #map}, {transform_indices = #map1}]} {
    %mul3A = arith.constant 2 : i32
    %mul3A_0 = arith.muli %arg1, %mul3A : i32
    %add3A = arith.addi %mul3A_0, %arg0 : i32
    %mul3A_1 = arith.constant 512 : i32
    %mul3A_2 = arith.muli %add3A, %mul3A_1 : i32
    "tpu.region"() ({
      %run_scoped3A = tpu.sem_alloc : memref<!tpu.dma_semaphore, #tpu.memory_space<semaphore_mem>>
      %dma_start3A_96 = arith.constant 0 : i32
      %dma_start3A_97 = tpu.memref_slice %arg2[%dma_start3A_96, %mul3A_2] : memref<26x16384xi32, #tpu.memory_space<hbm>> -> memref<26x512xi32, #tpu.memory_space<hbm>>
      %dma_start3A_98 = arith.constant 0 : i32
      %dma_start3A_99 = tpu.memref_slice %arg2[%dma_start3A_98, %mul3A_2] : memref<26x16384xi32, #tpu.memory_space<hbm>> -> memref<26x512xi32, #tpu.memory_space<hbm>>
      tpu.enqueue_dma source(%dma_start3A_99 : memref<26x512xi32, #tpu.memory_space<hbm>>) target(%arg5 : memref<26x512xi32, #tpu.memory_space<vmem>>) target_semaphore(%run_scoped3A : memref<!tpu.dma_semaphore, #tpu.memory_space<semaphore_mem>>)
      %dma_wait3A_100 = arith.constant 0 : i32
      %dma_wait3A_101 = tpu.memref_slice %arg2[%dma_wait3A_100, %mul3A_2] : memref<26x16384xi32, #tpu.memory_space<hbm>> -> memref<26x512xi32, #tpu.memory_space<hbm>>
      %dma_wait3A_102 = arith.constant 0 : i32
      %dma_wait3A_103 = tpu.memref_slice %arg2[%dma_wait3A_102, %mul3A_2] : memref<26x16384xi32, #tpu.memory_space<hbm>> -> memref<26x512xi32, #tpu.memory_space<hbm>>
      tpu.wait_dma2 semaphore(%run_scoped3A : memref<!tpu.dma_semaphore, #tpu.memory_space<semaphore_mem>>) src(%dma_wait3A_103 : memref<26x512xi32, #tpu.memory_space<hbm>>) dst(%arg5 : memref<26x512xi32, #tpu.memory_space<vmem>>)
      tpu.yield
    }) : () -> ()
    %iota3A = tpu.iota {dimensions = array<i32: 0>} : vector<16xi32>
    %get3A = arith.constant 0 : i32
    %get3A_3 = arith.index_cast %get3A : i32 to index
    %get3A_4 = arith.constant 0 : index
    %get3A_5 = tpu.vector_load %arg5[%get3A_3, %get3A_4] {strides = array<i32>} : memref<26x512xi32, #tpu.memory_space<vmem>>, vector<16xi32>,
    %get3A_6 = arith.constant 0 : i32
    %get3A_7 = arith.index_cast %get3A_6 : i32 to index
    %get3A_8 = arith.constant 16 : index
    %get3A_9 = tpu.vector_load %arg5[%get3A_7, %get3A_8] {strides = array<i32>} : memref<26x512xi32, #tpu.memory_space<vmem>>, vector<16xi32>,
    %get3A_10 = arith.constant 0 : i32
    %get3A_11 = arith.index_cast %get3A_10 : i32 to index
    %get3A_12 = arith.constant 32 : index
    %get3A_13 = tpu.vector_load %arg5[%get3A_11, %get3A_12] {strides = array<i32>} : memref<26x512xi32, #tpu.memory_space<vmem>>, vector<16xi32>,
    %get3A_14 = arith.constant 0 : i32
    %get3A_15 = arith.index_cast %get3A_14 : i32 to index
    %get3A_16 = arith.constant 48 : index
    %get3A_17 = tpu.vector_load %arg5[%get3A_15, %get3A_16] {strides = array<i32>} : memref<26x512xi32, #tpu.memory_space<vmem>>, vector<16xi32>,
    %get3A_18 = arith.constant 0 : i32
    %get3A_19 = arith.index_cast %get3A_18 : i32 to index
    %get3A_20 = arith.constant 64 : index
    %get3A_21 = tpu.vector_load %arg5[%get3A_19, %get3A_20] {strides = array<i32>} : memref<26x512xi32, #tpu.memory_space<vmem>>, vector<16xi32>,
    %get3A_22 = arith.constant 0 : i32
    %get3A_23 = arith.index_cast %get3A_22 : i32 to index
    %get3A_24 = arith.constant 80 : index
    %get3A_25 = tpu.vector_load %arg5[%get3A_23, %get3A_24] {strides = array<i32>} : memref<26x512xi32, #tpu.memory_space<vmem>>, vector<16xi32>,
    %get3A_26 = arith.constant 0 : i32
    %get3A_27 = arith.index_cast %get3A_26 : i32 to index
    %get3A_28 = arith.constant 96 : index
    %get3A_29 = tpu.vector_load %arg5[%get3A_27, %get3A_28] {strides = array<i32>} : memref<26x512xi32, #tpu.memory_space<vmem>>, vector<16xi32>,
    %get3A_30 = arith.constant 0 : i32
    %get3A_31 = arith.index_cast %get3A_30 : i32 to index
    %get3A_32 = arith.constant 112 : index
    %get3A_33 = tpu.vector_load %arg5[%get3A_31, %get3A_32] {strides = array<i32>} : memref<26x512xi32, #tpu.memory_space<vmem>>, vector<16xi32>,
    %shift_right_arithmetic3A = arith.constant 2 : i32
    %shift_right_arithmetic3A_34 = vector.broadcast %shift_right_arithmetic3A : i32 to vector<16xi32>
    %shift_right_arithmetic3A_35 = arith.shrsi %get3A_5, %shift_right_arithmetic3A_34 : vector<16xi32>
    %swap3A = arith.constant 0 : index
    %swap3A_36 = tpu.vector_load %arg6[%swap3A] {strides = array<i32>} : memref<128xi32, #tpu.memory_space<vmem>>, vector<16xi32>,
    tpu.vector_store %arg6[%swap3A], %shift_right_arithmetic3A_35 {strides = array<i32>} : memref<128xi32, #tpu.memory_space<vmem>>, vector<16xi32>,
    %shift_right_arithmetic3A_37 = arith.constant 2 : i32
    %shift_right_arithmetic3A_38 = vector.broadcast %shift_right_arithmetic3A_37 : i32 to vector<16xi32>
    %shift_right_arithmetic3A_39 = arith.shrsi %get3A_9, %shift_right_arithmetic3A_38 : vector<16xi32>
    %swap3A_40 = arith.constant 16 : index
    %swap3A_41 = tpu.vector_load %arg6[%swap3A_40] {strides = array<i32>} : memref<128xi32, #tpu.memory_space<vmem>>, vector<16xi32>,
    tpu.vector_store %arg6[%swap3A_40], %shift_right_arithmetic3A_39 {strides = array<i32>} : memref<128xi32, #tpu.memory_space<vmem>>, vector<16xi32>,
    %shift_right_arithmetic3A_42 = arith.constant 2 : i32
    %shift_right_arithmetic3A_43 = vector.broadcast %shift_right_arithmetic3A_42 : i32 to vector<16xi32>
    %shift_right_arithmetic3A_44 = arith.shrsi %get3A_13, %shift_right_arithmetic3A_43 : vector<16xi32>
    %swap3A_45 = arith.constant 32 : index
    %swap3A_46 = tpu.vector_load %arg6[%swap3A_45] {strides = array<i32>} : memref<128xi32, #tpu.memory_space<vmem>>, vector<16xi32>,
    tpu.vector_store %arg6[%swap3A_45], %shift_right_arithmetic3A_44 {strides = array<i32>} : memref<128xi32, #tpu.memory_space<vmem>>, vector<16xi32>,
    %shift_right_arithmetic3A_47 = arith.constant 2 : i32
    %shift_right_arithmetic3A_48 = vector.broadcast %shift_right_arithmetic3A_47 : i32 to vector<16xi32>
    %shift_right_arithmetic3A_49 = arith.shrsi %get3A_17, %shift_right_arithmetic3A_48 : vector<16xi32>
    %swap3A_50 = arith.constant 48 : index
    %swap3A_51 = tpu.vector_load %arg6[%swap3A_50] {strides = array<i32>} : memref<128xi32, #tpu.memory_space<vmem>>, vector<16xi32>,
    tpu.vector_store %arg6[%swap3A_50], %shift_right_arithmetic3A_49 {strides = array<i32>} : memref<128xi32, #tpu.memory_space<vmem>>, vector<16xi32>,
    %shift_right_arithmetic3A_52 = arith.constant 2 : i32
    %shift_right_arithmetic3A_53 = vector.broadcast %shift_right_arithmetic3A_52 : i32 to vector<16xi32>
    %shift_right_arithmetic3A_54 = arith.shrsi %get3A_21, %shift_right_arithmetic3A_53 : vector<16xi32>
    %swap3A_55 = arith.constant 64 : index
    %swap3A_56 = tpu.vector_load %arg6[%swap3A_55] {strides = array<i32>} : memref<128xi32, #tpu.memory_space<vmem>>, vector<16xi32>,
    tpu.vector_store %arg6[%swap3A_55], %shift_right_arithmetic3A_54 {strides = array<i32>} : memref<128xi32, #tpu.memory_space<vmem>>, vector<16xi32>,
    %shift_right_arithmetic3A_57 = arith.constant 2 : i32
    %shift_right_arithmetic3A_58 = vector.broadcast %shift_right_arithmetic3A_57 : i32 to vector<16xi32>
    %shift_right_arithmetic3A_59 = arith.shrsi %get3A_25, %shift_right_arithmetic3A_58 : vector<16xi32>
    %swap3A_60 = arith.constant 80 : index
    %swap3A_61 = tpu.vector_load %arg6[%swap3A_60] {strides = array<i32>} : memref<128xi32, #tpu.memory_space<vmem>>, vector<16xi32>,
    tpu.vector_store %arg6[%swap3A_60], %shift_right_arithmetic3A_59 {strides = array<i32>} : memref<128xi32, #tpu.memory_space<vmem>>, vector<16xi32>,
    %shift_right_arithmetic3A_62 = arith.constant 2 : i32
    %shift_right_arithmetic3A_63 = vector.broadcast %shift_right_arithmetic3A_62 : i32 to vector<16xi32>
    %shift_right_arithmetic3A_64 = arith.shrsi %get3A_29, %shift_right_arithmetic3A_63 : vector<16xi32>
    %swap3A_65 = arith.constant 96 : index
    %swap3A_66 = tpu.vector_load %arg6[%swap3A_65] {strides = array<i32>} : memref<128xi32, #tpu.memory_space<vmem>>, vector<16xi32>,
    tpu.vector_store %arg6[%swap3A_65], %shift_right_arithmetic3A_64 {strides = array<i32>} : memref<128xi32, #tpu.memory_space<vmem>>, vector<16xi32>,
    %shift_right_arithmetic3A_67 = arith.constant 2 : i32
    %shift_right_arithmetic3A_68 = vector.broadcast %shift_right_arithmetic3A_67 : i32 to vector<16xi32>
    %shift_right_arithmetic3A_69 = arith.shrsi %get3A_33, %shift_right_arithmetic3A_68 : vector<16xi32>
    %swap3A_70 = arith.constant 112 : index
    %swap3A_71 = tpu.vector_load %arg6[%swap3A_70] {strides = array<i32>} : memref<128xi32, #tpu.memory_space<vmem>>, vector<16xi32>,
    tpu.vector_store %arg6[%swap3A_70], %shift_right_arithmetic3A_69 {strides = array<i32>} : memref<128xi32, #tpu.memory_space<vmem>>, vector<16xi32>,
    %dma_start3A = arith.constant 0 : i32
    %dma_start3A_72 = arith.constant 0 : i32
    %dma_start3A_73 = tpu.memref_slice %arg3[%dma_start3A, %dma_start3A_72] : memref<250000x128xf32, #tpu.memory_space<hbm>> -> memref<250000x128xf32, #tpu.memory_space<hbm>>
    tpu.enqueue_indirect_dma source(%dma_start3A_73 : memref<250000x128xf32, #tpu.memory_space<hbm>>) target(%arg8 : memref<128x128xf32, #tpu.memory_space<vmem>>) offsets(%arg6 : memref<128xi32, #tpu.memory_space<vmem>>) semaphore(%arg12 : memref<!tpu.dma_semaphore, #tpu.memory_space<semaphore_mem>>)
    %scan3A = arith.constant 0 : i32
    %scan3A_74 = arith.constant 0 : i32
    %scan3A_75 = arith.constant 52 : i32
    %scan3A_76 = arith.addi %scan3A_74, %scan3A_75 : i32
    %scan3A_77 = arith.constant 1 : i32
    scf.for %scan3A_96 = %scan3A_74 to %scan3A_76 step %scan3A_77  : i32 {
      %mul3A_97 = arith.constant 2 : i32
      %mul3A_98 = arith.muli %mul3A_97, %scan3A_96 : i32
      %add3A_99 = arith.constant 0 : i32
      %add3A_100 = arith.addi %mul3A_98, %add3A_99 : i32
      %add3A_101 = arith.constant 1 : i32
      %add3A_102 = arith.addi %add3A_100, %add3A_101 : i32
      %lt3A = arith.constant 104 : i32
      %lt3A_103 = arith.cmpi slt, %add3A_102, %lt3A : i32
      %convert_element_type3A = arith.extui %lt3A_103 : i1 to i32
      %cond3A = arith.constant 0 : i32
      %cond3A_104 = arith.cmpi ne, %convert_element_type3A, %cond3A : i32
      scf.if %cond3A_104 {
        %add3A_516 = arith.constant 1 : i32
        %add3A_517 = arith.addi %add3A_100, %add3A_516 : i32
        %jit3A_518 = arith.constant 4 : i32
        %div3A_519 = arith.divsi %add3A_517, %jit3A_518 : i32
        %sign3A_520 = arith.constant 0 : i32
        %sign3A_521 = arith.cmpi sgt, %add3A_517, %sign3A_520 : i32
        %sign3A_522 = arith.extui %sign3A_521 : i1 to i32
        %sign3A_523 = arith.constant 0 : i32
        %sign3A_524 = arith.cmpi slt, %add3A_517, %sign3A_523 : i32
        %sign3A_525 = arith.extui %sign3A_524 : i1 to i32
        %sign3A_526 = arith.subi %sign3A_522, %sign3A_525 : i32
        %sign3A_527 = arith.constant 0 : i32
        %sign3A_528 = arith.cmpi sgt, %jit3A_518, %sign3A_527 : i32
        %sign3A_529 = arith.extui %sign3A_528 : i1 to i32
        %sign3A_530 = arith.constant 0 : i32
        %sign3A_531 = arith.cmpi slt, %jit3A_518, %sign3A_530 : i32
        %sign3A_532 = arith.extui %sign3A_531 : i1 to i32
        %sign3A_533 = arith.subi %sign3A_529, %sign3A_532 : i32
        %ne3A_534 = arith.cmpi ne, %sign3A_526, %sign3A_533 : i32
        %rem3A_535 = arith.remsi %add3A_517, %jit3A_518 : i32
        %ne3A_536 = arith.constant 0 : i32
        %ne3A_537 = arith.cmpi ne, %rem3A_535, %ne3A_536 : i32
        %and3A_538 = arith.andi %ne3A_534, %ne3A_537 : i1
        %sub3A_539 = arith.constant 1 : i32
        %sub3A_540 = arith.subi %div3A_519, %sub3A_539 : i32
        %select_n3A_541 = arith.select %and3A_538, %sub3A_540, %div3A_519 : i32
        %jit3A_542 = arith.constant 4 : i32
        %eq3A_543 = arith.constant 0 : i32
        %eq3A_544 = arith.cmpi eq, %jit3A_542, %eq3A_543 : i32
        %jit3A_545 = arith.constant 1 : i32
        %select_n3A_546 = arith.select %eq3A_544, %jit3A_545, %jit3A_542 : i32
        %rem3A_547 = arith.remsi %add3A_517, %select_n3A_546 : i32
        %ne3A_548 = arith.constant 0 : i32
        %ne3A_549 = arith.cmpi ne, %rem3A_547, %ne3A_548 : i32
        %lt3A_550 = arith.constant 0 : i32
        %lt3A_551 = arith.cmpi slt, %rem3A_547, %lt3A_550 : i32
        %lt3A_552 = arith.constant 0 : i32
        %lt3A_553 = arith.cmpi slt, %select_n3A_546, %lt3A_552 : i32
        %ne3A_554 = arith.xori %lt3A_551, %lt3A_553 : i1
        %and3A_555 = arith.andi %ne3A_554, %ne3A_549 : i1
        %add3A_556 = arith.addi %rem3A_547, %select_n3A_546 : i32
        %select_n3A_557 = arith.select %and3A_555, %add3A_556, %rem3A_547 : i32
        %mul3A_558 = arith.constant 128 : i32
        %mul3A_559 = arith.muli %select_n3A_557, %mul3A_558 : i32
        %add3A_560 = arith.constant 0 : i32
        %add3A_561 = arith.addi %mul3A_559, %add3A_560 : i32
        %get3A_562 = arith.index_cast %select_n3A_541 : i32 to index
        %get3A_563 = arith.index_cast %add3A_561 : i32 to index
        %get3A_564 = tpu.vector_load %arg5[%get3A_562, %get3A_563] {strides = array<i32>} : memref<26x512xi32, #tpu.memory_space<vmem>>, vector<16xi32>,
        %mul3A_565 = arith.constant 128 : i32
        %mul3A_566 = arith.muli %select_n3A_557, %mul3A_565 : i32
        %add3A_567 = arith.constant 16 : i32
        %add3A_568 = arith.addi %mul3A_566, %add3A_567 : i32
        %get3A_569 = arith.index_cast %select_n3A_541 : i32 to index
        %get3A_570 = arith.index_cast %add3A_568 : i32 to index
        %get3A_571 = tpu.vector_load %arg5[%get3A_569, %get3A_570] {strides = array<i32>} : memref<26x512xi32, #tpu.memory_space<vmem>>, vector<16xi32>,
        %mul3A_572 = arith.constant 128 : i32
        %mul3A_573 = arith.muli %select_n3A_557, %mul3A_572 : i32
        %add3A_574 = arith.constant 32 : i32
        %add3A_575 = arith.addi %mul3A_573, %add3A_574 : i32
        %get3A_576 = arith.index_cast %select_n3A_541 : i32 to index
        %get3A_577 = arith.index_cast %add3A_575 : i32 to index
        %get3A_578 = tpu.vector_load %arg5[%get3A_576, %get3A_577] {strides = array<i32>} : memref<26x512xi32, #tpu.memory_space<vmem>>, vector<16xi32>,
        %mul3A_579 = arith.constant 128 : i32
        %mul3A_580 = arith.muli %select_n3A_557, %mul3A_579 : i32
        %add3A_581 = arith.constant 48 : i32
        %add3A_582 = arith.addi %mul3A_580, %add3A_581 : i32
        %get3A_583 = arith.index_cast %select_n3A_541 : i32 to index
        %get3A_584 = arith.index_cast %add3A_582 : i32 to index
        %get3A_585 = tpu.vector_load %arg5[%get3A_583, %get3A_584] {strides = array<i32>} : memref<26x512xi32, #tpu.memory_space<vmem>>, vector<16xi32>,
        %mul3A_586 = arith.constant 128 : i32
        %mul3A_587 = arith.muli %select_n3A_557, %mul3A_586 : i32
        %add3A_588 = arith.constant 64 : i32
        %add3A_589 = arith.addi %mul3A_587, %add3A_588 : i32
        %get3A_590 = arith.index_cast %select_n3A_541 : i32 to index
        %get3A_591 = arith.index_cast %add3A_589 : i32 to index
        %get3A_592 = tpu.vector_load %arg5[%get3A_590, %get3A_591] {strides = array<i32>} : memref<26x512xi32, #tpu.memory_space<vmem>>, vector<16xi32>,
        %mul3A_593 = arith.constant 128 : i32
        %mul3A_594 = arith.muli %select_n3A_557, %mul3A_593 : i32
        %add3A_595 = arith.constant 80 : i32
        %add3A_596 = arith.addi %mul3A_594, %add3A_595 : i32
        %get3A_597 = arith.index_cast %select_n3A_541 : i32 to index
        %get3A_598 = arith.index_cast %add3A_596 : i32 to index
        %get3A_599 = tpu.vector_load %arg5[%get3A_597, %get3A_598] {strides = array<i32>} : memref<26x512xi32, #tpu.memory_space<vmem>>, vector<16xi32>,
        %mul3A_600 = arith.constant 128 : i32
        %mul3A_601 = arith.muli %select_n3A_557, %mul3A_600 : i32
        %add3A_602 = arith.constant 96 : i32
        %add3A_603 = arith.addi %mul3A_601, %add3A_602 : i32
        %get3A_604 = arith.index_cast %select_n3A_541 : i32 to index
        %get3A_605 = arith.index_cast %add3A_603 : i32 to index
        %get3A_606 = tpu.vector_load %arg5[%get3A_604, %get3A_605] {strides = array<i32>} : memref<26x512xi32, #tpu.memory_space<vmem>>, vector<16xi32>,
        %mul3A_607 = arith.constant 128 : i32
        %mul3A_608 = arith.muli %select_n3A_557, %mul3A_607 : i32
        %add3A_609 = arith.constant 112 : i32
        %add3A_610 = arith.addi %mul3A_608, %add3A_609 : i32
        %get3A_611 = arith.index_cast %select_n3A_541 : i32 to index
        %get3A_612 = arith.index_cast %add3A_610 : i32 to index
        %get3A_613 = tpu.vector_load %arg5[%get3A_611, %get3A_612] {strides = array<i32>} : memref<26x512xi32, #tpu.memory_space<vmem>>, vector<16xi32>,
        %shift_right_arithmetic3A_614 = arith.constant 2 : i32
        %shift_right_arithmetic3A_615 = vector.broadcast %shift_right_arithmetic3A_614 : i32 to vector<16xi32>
        %shift_right_arithmetic3A_616 = arith.shrsi %get3A_564, %shift_right_arithmetic3A_615 : vector<16xi32>
        %swap3A_617 = arith.constant 0 : index
        %swap3A_618 = tpu.vector_load %arg7[%swap3A_617] {strides = array<i32>} : memref<128xi32, #tpu.memory_space<vmem>>, vector<16xi32>,
        tpu.vector_store %arg7[%swap3A_617], %shift_right_arithmetic3A_616 {strides = array<i32>} : memref<128xi32, #tpu.memory_space<vmem>>, vector<16xi32>,
        %shift_right_arithmetic3A_619 = arith.constant 2 : i32
        %shift_right_arithmetic3A_620 = vector.broadcast %shift_right_arithmetic3A_619 : i32 to vector<16xi32>
        %shift_right_arithmetic3A_621 = arith.shrsi %get3A_571, %shift_right_arithmetic3A_620 : vector<16xi32>
        %swap3A_622 = arith.constant 16 : index
        %swap3A_623 = tpu.vector_load %arg7[%swap3A_622] {strides = array<i32>} : memref<128xi32, #tpu.memory_space<vmem>>, vector<16xi32>,
        tpu.vector_store %arg7[%swap3A_622], %shift_right_arithmetic3A_621 {strides = array<i32>} : memref<128xi32, #tpu.memory_space<vmem>>, vector<16xi32>,
        %shift_right_arithmetic3A_624 = arith.constant 2 : i32
        %shift_right_arithmetic3A_625 = vector.broadcast %shift_right_arithmetic3A_624 : i32 to vector<16xi32>
        %shift_right_arithmetic3A_626 = arith.shrsi %get3A_578, %shift_right_arithmetic3A_625 : vector<16xi32>
        %swap3A_627 = arith.constant 32 : index
        %swap3A_628 = tpu.vector_load %arg7[%swap3A_627] {strides = array<i32>} : memref<128xi32, #tpu.memory_space<vmem>>, vector<16xi32>,
        tpu.vector_store %arg7[%swap3A_627], %shift_right_arithmetic3A_626 {strides = array<i32>} : memref<128xi32, #tpu.memory_space<vmem>>, vector<16xi32>,
        %shift_right_arithmetic3A_629 = arith.constant 2 : i32
        %shift_right_arithmetic3A_630 = vector.broadcast %shift_right_arithmetic3A_629 : i32 to vector<16xi32>
        %shift_right_arithmetic3A_631 = arith.shrsi %get3A_585, %shift_right_arithmetic3A_630 : vector<16xi32>
        %swap3A_632 = arith.constant 48 : index
        %swap3A_633 = tpu.vector_load %arg7[%swap3A_632] {strides = array<i32>} : memref<128xi32, #tpu.memory_space<vmem>>, vector<16xi32>,
        tpu.vector_store %arg7[%swap3A_632], %shift_right_arithmetic3A_631 {strides = array<i32>} : memref<128xi32, #tpu.memory_space<vmem>>, vector<16xi32>,
        %shift_right_arithmetic3A_634 = arith.constant 2 : i32
        %shift_right_arithmetic3A_635 = vector.broadcast %shift_right_arithmetic3A_634 : i32 to vector<16xi32>
        %shift_right_arithmetic3A_636 = arith.shrsi %get3A_592, %shift_right_arithmetic3A_635 : vector<16xi32>
        %swap3A_637 = arith.constant 64 : index
        %swap3A_638 = tpu.vector_load %arg7[%swap3A_637] {strides = array<i32>} : memref<128xi32, #tpu.memory_space<vmem>>, vector<16xi32>,
        tpu.vector_store %arg7[%swap3A_637], %shift_right_arithmetic3A_636 {strides = array<i32>} : memref<128xi32, #tpu.memory_space<vmem>>, vector<16xi32>,
        %shift_right_arithmetic3A_639 = arith.constant 2 : i32
        %shift_right_arithmetic3A_640 = vector.broadcast %shift_right_arithmetic3A_639 : i32 to vector<16xi32>
        %shift_right_arithmetic3A_641 = arith.shrsi %get3A_599, %shift_right_arithmetic3A_640 : vector<16xi32>
        %swap3A_642 = arith.constant 80 : index
        %swap3A_643 = tpu.vector_load %arg7[%swap3A_642] {strides = array<i32>} : memref<128xi32, #tpu.memory_space<vmem>>, vector<16xi32>,
        tpu.vector_store %arg7[%swap3A_642], %shift_right_arithmetic3A_641 {strides = array<i32>} : memref<128xi32, #tpu.memory_space<vmem>>, vector<16xi32>,
        %shift_right_arithmetic3A_644 = arith.constant 2 : i32
        %shift_right_arithmetic3A_645 = vector.broadcast %shift_right_arithmetic3A_644 : i32 to vector<16xi32>
        %shift_right_arithmetic3A_646 = arith.shrsi %get3A_606, %shift_right_arithmetic3A_645 : vector<16xi32>
        %swap3A_647 = arith.constant 96 : index
        %swap3A_648 = tpu.vector_load %arg7[%swap3A_647] {strides = array<i32>} : memref<128xi32, #tpu.memory_space<vmem>>, vector<16xi32>,
        tpu.vector_store %arg7[%swap3A_647], %shift_right_arithmetic3A_646 {strides = array<i32>} : memref<128xi32, #tpu.memory_space<vmem>>, vector<16xi32>,
        %shift_right_arithmetic3A_649 = arith.constant 2 : i32
        %shift_right_arithmetic3A_650 = vector.broadcast %shift_right_arithmetic3A_649 : i32 to vector<16xi32>
        %shift_right_arithmetic3A_651 = arith.shrsi %get3A_613, %shift_right_arithmetic3A_650 : vector<16xi32>
        %swap3A_652 = arith.constant 112 : index
        %swap3A_653 = tpu.vector_load %arg7[%swap3A_652] {strides = array<i32>} : memref<128xi32, #tpu.memory_space<vmem>>, vector<16xi32>,
        tpu.vector_store %arg7[%swap3A_652], %shift_right_arithmetic3A_651 {strides = array<i32>} : memref<128xi32, #tpu.memory_space<vmem>>, vector<16xi32>,
        %dma_start3A_654 = arith.constant 0 : i32
        %dma_start3A_655 = arith.constant 0 : i32
        %dma_start3A_656 = tpu.memref_slice %arg3[%dma_start3A_654, %dma_start3A_655] : memref<250000x128xf32, #tpu.memory_space<hbm>> -> memref<250000x128xf32, #tpu.memory_space<hbm>>
        tpu.enqueue_indirect_dma source(%dma_start3A_656 : memref<250000x128xf32, #tpu.memory_space<hbm>>) target(%arg9 : memref<128x128xf32, #tpu.memory_space<vmem>>) offsets(%arg7 : memref<128xi32, #tpu.memory_space<vmem>>) semaphore(%arg13 : memref<!tpu.dma_semaphore, #tpu.memory_space<semaphore_mem>>)
      } else {
      }
      %dma_wait3A_105 = arith.constant 0 : i32
      %dma_wait3A_106 = arith.constant 0 : i32
      %dma_wait3A_107 = tpu.memref_slice %arg3[%dma_wait3A_105, %dma_wait3A_106] : memref<250000x128xf32, #tpu.memory_space<hbm>> -> memref<250000x128xf32, #tpu.memory_space<hbm>>
      tpu.wait_indirect_dma semaphore(%arg12 : memref<!tpu.dma_semaphore, #tpu.memory_space<semaphore_mem>>) src(%dma_wait3A_107 : memref<250000x128xf32, #tpu.memory_space<hbm>>) dst(%arg8 : memref<128x128xf32, #tpu.memory_space<vmem>>)
      %ge3A = arith.constant 2 : i32
      %ge3A_108 = arith.cmpi sge, %add3A_100, %ge3A : i32
      %convert_element_type3A_109 = arith.extui %ge3A_108 : i1 to i32
      %cond3A_110 = arith.constant 0 : i32
      %cond3A_111 = arith.cmpi ne, %convert_element_type3A_109, %cond3A_110 : i32
      scf.if %cond3A_111 {
        %dma_wait3A_516 = arith.constant 0 : i32
        %dma_wait3A_517 = arith.constant 0 : i32
        %dma_wait3A_518 = arith.constant 0 : i32
        %dma_wait3A_519 = tpu.memref_slice %arg4[%dma_wait3A_516, %dma_wait3A_517, %dma_wait3A_518] : memref<26x32x16384xf32, #tpu.memory_space<hbm>> -> memref<1x32x128xf32, #tpu.memory_space<hbm>>
        %dma_wait3A_520 = tpu.memref_squeeze %dma_wait3A_519 : memref<1x32x128xf32, #tpu.memory_space<hbm>> -> memref<32x128xf32, #tpu.memory_space<hbm>>
        %dma_wait3A_521 = arith.constant 0 : i32
        %dma_wait3A_522 = arith.constant 0 : i32
        %dma_wait3A_523 = tpu.memref_slice %arg4[%dma_wait3A_516, %dma_wait3A_521, %dma_wait3A_522] : memref<26x32x16384xf32, #tpu.memory_space<hbm>> -> memref<1x32x128xf32, #tpu.memory_space<hbm>>
        %dma_wait3A_524 = tpu.memref_squeeze %dma_wait3A_523 : memref<1x32x128xf32, #tpu.memory_space<hbm>> -> memref<32x128xf32, #tpu.memory_space<hbm>>
        tpu.wait_dma2 semaphore(%arg14 : memref<!tpu.dma_semaphore, #tpu.memory_space<semaphore_mem>>) src(%arg10 : memref<32x128xf32, #tpu.memory_space<vmem>>) dst(%dma_wait3A_524 : memref<32x128xf32, #tpu.memory_space<hbm>>)
      } else {
      }
      %jit3A = arith.constant 4 : i32
      %div3A = arith.divsi %add3A_100, %jit3A : i32
      %sign3A = arith.constant 0 : i32
      %sign3A_112 = arith.cmpi sgt, %add3A_100, %sign3A : i32
      %sign3A_113 = arith.extui %sign3A_112 : i1 to i32
      %sign3A_114 = arith.constant 0 : i32
      %sign3A_115 = arith.cmpi slt, %add3A_100, %sign3A_114 : i32
      %sign3A_116 = arith.extui %sign3A_115 : i1 to i32
      %sign3A_117 = arith.subi %sign3A_113, %sign3A_116 : i32
      %sign3A_118 = arith.constant 0 : i32
      %sign3A_119 = arith.cmpi sgt, %jit3A, %sign3A_118 : i32
      %sign3A_120 = arith.extui %sign3A_119 : i1 to i32
      %sign3A_121 = arith.constant 0 : i32
      %sign3A_122 = arith.cmpi slt, %jit3A, %sign3A_121 : i32
      %sign3A_123 = arith.extui %sign3A_122 : i1 to i32
      %sign3A_124 = arith.subi %sign3A_120, %sign3A_123 : i32
      %ne3A = arith.cmpi ne, %sign3A_117, %sign3A_124 : i32
      %rem3A = arith.remsi %add3A_100, %jit3A : i32
      %ne3A_125 = arith.constant 0 : i32
      %ne3A_126 = arith.cmpi ne, %rem3A, %ne3A_125 : i32
      %and3A = arith.andi %ne3A, %ne3A_126 : i1
      %sub3A = arith.constant 1 : i32
      %sub3A_127 = arith.subi %div3A, %sub3A : i32
      %select_n3A = arith.select %and3A, %sub3A_127, %div3A : i32
      %jit3A_128 = arith.constant 4 : i32
      %eq3A = arith.constant 0 : i32
      %eq3A_129 = arith.cmpi eq, %jit3A_128, %eq3A : i32
      %jit3A_130 = arith.constant 1 : i32
      %select_n3A_131 = arith.select %eq3A_129, %jit3A_130, %jit3A_128 : i32
      %rem3A_132 = arith.remsi %add3A_100, %select_n3A_131 : i32
      %ne3A_133 = arith.constant 0 : i32
      %ne3A_134 = arith.cmpi ne, %rem3A_132, %ne3A_133 : i32
      %lt3A_135 = arith.constant 0 : i32
      %lt3A_136 = arith.cmpi slt, %rem3A_132, %lt3A_135 : i32
      %lt3A_137 = arith.constant 0 : i32
      %lt3A_138 = arith.cmpi slt, %select_n3A_131, %lt3A_137 : i32
      %ne3A_139 = arith.xori %lt3A_136, %lt3A_138 : i1
      %and3A_140 = arith.andi %ne3A_139, %ne3A_134 : i1
      %add3A_141 = arith.addi %rem3A_132, %select_n3A_131 : i32
      %select_n3A_142 = arith.select %and3A_140, %add3A_141, %rem3A_132 : i32
      %mul3A_143 = arith.constant 128 : i32
      %mul3A_144 = arith.muli %select_n3A_142, %mul3A_143 : i32
      %add3A_145 = arith.constant 0 : i32
      %add3A_146 = arith.addi %mul3A_144, %add3A_145 : i32
      %get3A_147 = arith.index_cast %select_n3A : i32 to index
      %get3A_148 = arith.index_cast %add3A_146 : i32 to index
      %get3A_149 = tpu.vector_load %arg5[%get3A_147, %get3A_148] {strides = array<i32>} : memref<26x512xi32, #tpu.memory_space<vmem>>, vector<16xi32>,
      %and3A_150 = arith.constant 3 : i32
      %and3A_151 = vector.broadcast %and3A_150 : i32 to vector<16xi32>
      %and3A_152 = arith.andi %get3A_149, %and3A_151 : vector<16xi32>
      %shift_left3A = arith.constant 5 : i32
      %shift_left3A_153 = vector.broadcast %shift_left3A : i32 to vector<16xi32>
      %shift_left3A_154 = arith.shli %and3A_152, %shift_left3A_153 : vector<16xi32>
      %mul3A_155 = arith.constant 128 : i32
      %mul3A_156 = arith.muli %select_n3A_142, %mul3A_155 : i32
      %add3A_157 = arith.constant 16 : i32
      %add3A_158 = arith.addi %mul3A_156, %add3A_157 : i32
      %get3A_159 = arith.index_cast %select_n3A : i32 to index
      %get3A_160 = arith.index_cast %add3A_158 : i32 to index
      %get3A_161 = tpu.vector_load %arg5[%get3A_159, %get3A_160] {strides = array<i32>} : memref<26x512xi32, #tpu.memory_space<vmem>>, vector<16xi32>,
      %and3A_162 = arith.constant 3 : i32
      %and3A_163 = vector.broadcast %and3A_162 : i32 to vector<16xi32>
      %and3A_164 = arith.andi %get3A_161, %and3A_163 : vector<16xi32>
      %shift_left3A_165 = arith.constant 5 : i32
      %shift_left3A_166 = vector.broadcast %shift_left3A_165 : i32 to vector<16xi32>
      %shift_left3A_167 = arith.shli %and3A_164, %shift_left3A_166 : vector<16xi32>
      %mul3A_168 = arith.constant 128 : i32
      %mul3A_169 = arith.muli %select_n3A_142, %mul3A_168 : i32
      %add3A_170 = arith.constant 32 : i32
      %add3A_171 = arith.addi %mul3A_169, %add3A_170 : i32
      %get3A_172 = arith.index_cast %select_n3A : i32 to index
      %get3A_173 = arith.index_cast %add3A_171 : i32 to index
      %get3A_174 = tpu.vector_load %arg5[%get3A_172, %get3A_173] {strides = array<i32>} : memref<26x512xi32, #tpu.memory_space<vmem>>, vector<16xi32>,
      %and3A_175 = arith.constant 3 : i32
      %and3A_176 = vector.broadcast %and3A_175 : i32 to vector<16xi32>
      %and3A_177 = arith.andi %get3A_174, %and3A_176 : vector<16xi32>
      %shift_left3A_178 = arith.constant 5 : i32
      %shift_left3A_179 = vector.broadcast %shift_left3A_178 : i32 to vector<16xi32>
      %shift_left3A_180 = arith.shli %and3A_177, %shift_left3A_179 : vector<16xi32>
      %mul3A_181 = arith.constant 128 : i32
      %mul3A_182 = arith.muli %select_n3A_142, %mul3A_181 : i32
      %add3A_183 = arith.constant 48 : i32
      %add3A_184 = arith.addi %mul3A_182, %add3A_183 : i32
      %get3A_185 = arith.index_cast %select_n3A : i32 to index
      %get3A_186 = arith.index_cast %add3A_184 : i32 to index
      %get3A_187 = tpu.vector_load %arg5[%get3A_185, %get3A_186] {strides = array<i32>} : memref<26x512xi32, #tpu.memory_space<vmem>>, vector<16xi32>,
      %and3A_188 = arith.constant 3 : i32
      %and3A_189 = vector.broadcast %and3A_188 : i32 to vector<16xi32>
      %and3A_190 = arith.andi %get3A_187, %and3A_189 : vector<16xi32>
      %shift_left3A_191 = arith.constant 5 : i32
      %shift_left3A_192 = vector.broadcast %shift_left3A_191 : i32 to vector<16xi32>
      %shift_left3A_193 = arith.shli %and3A_190, %shift_left3A_192 : vector<16xi32>
      %mul3A_194 = arith.constant 128 : i32
      %mul3A_195 = arith.muli %select_n3A_142, %mul3A_194 : i32
      %add3A_196 = arith.constant 64 : i32
      %add3A_197 = arith.addi %mul3A_195, %add3A_196 : i32
      %get3A_198 = arith.index_cast %select_n3A : i32 to index
      %get3A_199 = arith.index_cast %add3A_197 : i32 to index
      %get3A_200 = tpu.vector_load %arg5[%get3A_198, %get3A_199] {strides = array<i32>} : memref<26x512xi32, #tpu.memory_space<vmem>>, vector<16xi32>,
      %and3A_201 = arith.constant 3 : i32
      %and3A_202 = vector.broadcast %and3A_201 : i32 to vector<16xi32>
      %and3A_203 = arith.andi %get3A_200, %and3A_202 : vector<16xi32>
      %shift_left3A_204 = arith.constant 5 : i32
      %shift_left3A_205 = vector.broadcast %shift_left3A_204 : i32 to vector<16xi32>
      %shift_left3A_206 = arith.shli %and3A_203, %shift_left3A_205 : vector<16xi32>
      %mul3A_207 = arith.constant 128 : i32
      %mul3A_208 = arith.muli %select_n3A_142, %mul3A_207 : i32
      %add3A_209 = arith.constant 80 : i32
      %add3A_210 = arith.addi %mul3A_208, %add3A_209 : i32
      %get3A_211 = arith.index_cast %select_n3A : i32 to index
      %get3A_212 = arith.index_cast %add3A_210 : i32 to index
      %get3A_213 = tpu.vector_load %arg5[%get3A_211, %get3A_212] {strides = array<i32>} : memref<26x512xi32, #tpu.memory_space<vmem>>, vector<16xi32>,
      %and3A_214 = arith.constant 3 : i32
      %and3A_215 = vector.broadcast %and3A_214 : i32 to vector<16xi32>
      %and3A_216 = arith.andi %get3A_213, %and3A_215 : vector<16xi32>
      %shift_left3A_217 = arith.constant 5 : i32
      %shift_left3A_218 = vector.broadcast %shift_left3A_217 : i32 to vector<16xi32>
      %shift_left3A_219 = arith.shli %and3A_216, %shift_left3A_218 : vector<16xi32>
      %mul3A_220 = arith.constant 128 : i32
      %mul3A_221 = arith.muli %select_n3A_142, %mul3A_220 : i32
      %add3A_222 = arith.constant 96 : i32
      %add3A_223 = arith.addi %mul3A_221, %add3A_222 : i32
      %get3A_224 = arith.index_cast %select_n3A : i32 to index
      %get3A_225 = arith.index_cast %add3A_223 : i32 to index
      %get3A_226 = tpu.vector_load %arg5[%get3A_224, %get3A_225] {strides = array<i32>} : memref<26x512xi32, #tpu.memory_space<vmem>>, vector<16xi32>,
      %and3A_227 = arith.constant 3 : i32
      %and3A_228 = vector.broadcast %and3A_227 : i32 to vector<16xi32>
      %and3A_229 = arith.andi %get3A_226, %and3A_228 : vector<16xi32>
      %shift_left3A_230 = arith.constant 5 : i32
      %shift_left3A_231 = vector.broadcast %shift_left3A_230 : i32 to vector<16xi32>
      %shift_left3A_232 = arith.shli %and3A_229, %shift_left3A_231 : vector<16xi32>
      %mul3A_233 = arith.constant 128 : i32
      %mul3A_234 = arith.muli %select_n3A_142, %mul3A_233 : i32
      %add3A_235 = arith.constant 112 : i32
      %add3A_236 = arith.addi %mul3A_234, %add3A_235 : i32
      %get3A_237 = arith.index_cast %select_n3A : i32 to index
      %get3A_238 = arith.index_cast %add3A_236 : i32 to index
      %get3A_239 = tpu.vector_load %arg5[%get3A_237, %get3A_238] {strides = array<i32>} : memref<26x512xi32, #tpu.memory_space<vmem>>, vector<16xi32>,
      %and3A_240 = arith.constant 3 : i32
      %and3A_241 = vector.broadcast %and3A_240 : i32 to vector<16xi32>
      %and3A_242 = arith.andi %get3A_239, %and3A_241 : vector<16xi32>
      %shift_left3A_243 = arith.constant 5 : i32
      %shift_left3A_244 = vector.broadcast %shift_left3A_243 : i32 to vector<16xi32>
      %shift_left3A_245 = arith.shli %and3A_242, %shift_left3A_244 : vector<16xi32>
      %parallel_loop3A = arith.constant 0 : i32
      %parallel_loop3A_246 = arith.constant 32 : i32
      %parallel_loop3A_247 = arith.constant 1 : i32
      scf.for %parallel_loop3A_516 = %parallel_loop3A to %parallel_loop3A_246 step %parallel_loop3A_247  : i32 {
        %parallel_loop3A_517 = arith.constant 0 : i32
        %parallel_loop3A_518 = vector.broadcast %parallel_loop3A_517 : i32 to vector<16xi32>
        %parallel_loop3A_519 = arith.addi %iota3A, %parallel_loop3A_518 : vector<16xi32>
        %parallel_loop3A_520 = vector.broadcast %parallel_loop3A_516 : i32 to vector<16xi32>
        %parallel_loop3A_521 = arith.addi %shift_left3A_154, %parallel_loop3A_520 : vector<16xi32>
        %parallel_loop3A_522 = tpu.vector_load_idx %arg8[%parallel_loop3A_519, %parallel_loop3A_521] : memref<128x128xf32, #tpu.memory_space<vmem>>[vector<16xi32>, vector<16xi32>], vector<16xf32>,
        %parallel_loop3A_523 = arith.constant 16 : i32
        %parallel_loop3A_524 = vector.broadcast %parallel_loop3A_523 : i32 to vector<16xi32>
        %parallel_loop3A_525 = arith.addi %iota3A, %parallel_loop3A_524 : vector<16xi32>
        %parallel_loop3A_526 = vector.broadcast %parallel_loop3A_516 : i32 to vector<16xi32>
        %parallel_loop3A_527 = arith.addi %shift_left3A_167, %parallel_loop3A_526 : vector<16xi32>
        %parallel_loop3A_528 = tpu.vector_load_idx %arg8[%parallel_loop3A_525, %parallel_loop3A_527] : memref<128x128xf32, #tpu.memory_space<vmem>>[vector<16xi32>, vector<16xi32>], vector<16xf32>,
        %parallel_loop3A_529 = arith.constant 32 : i32
        %parallel_loop3A_530 = vector.broadcast %parallel_loop3A_529 : i32 to vector<16xi32>
        %parallel_loop3A_531 = arith.addi %iota3A, %parallel_loop3A_530 : vector<16xi32>
        %parallel_loop3A_532 = vector.broadcast %parallel_loop3A_516 : i32 to vector<16xi32>
        %parallel_loop3A_533 = arith.addi %shift_left3A_180, %parallel_loop3A_532 : vector<16xi32>
        %parallel_loop3A_534 = tpu.vector_load_idx %arg8[%parallel_loop3A_531, %parallel_loop3A_533] : memref<128x128xf32, #tpu.memory_space<vmem>>[vector<16xi32>, vector<16xi32>], vector<16xf32>,
        %parallel_loop3A_535 = arith.constant 48 : i32
        %parallel_loop3A_536 = vector.broadcast %parallel_loop3A_535 : i32 to vector<16xi32>
        %parallel_loop3A_537 = arith.addi %iota3A, %parallel_loop3A_536 : vector<16xi32>
        %parallel_loop3A_538 = vector.broadcast %parallel_loop3A_516 : i32 to vector<16xi32>
        %parallel_loop3A_539 = arith.addi %shift_left3A_193, %parallel_loop3A_538 : vector<16xi32>
        %parallel_loop3A_540 = tpu.vector_load_idx %arg8[%parallel_loop3A_537, %parallel_loop3A_539] : memref<128x128xf32, #tpu.memory_space<vmem>>[vector<16xi32>, vector<16xi32>], vector<16xf32>,
        %parallel_loop3A_541 = arith.constant 64 : i32
        %parallel_loop3A_542 = vector.broadcast %parallel_loop3A_541 : i32 to vector<16xi32>
        %parallel_loop3A_543 = arith.addi %iota3A, %parallel_loop3A_542 : vector<16xi32>
        %parallel_loop3A_544 = vector.broadcast %parallel_loop3A_516 : i32 to vector<16xi32>
        %parallel_loop3A_545 = arith.addi %shift_left3A_206, %parallel_loop3A_544 : vector<16xi32>
        %parallel_loop3A_546 = tpu.vector_load_idx %arg8[%parallel_loop3A_543, %parallel_loop3A_545] : memref<128x128xf32, #tpu.memory_space<vmem>>[vector<16xi32>, vector<16xi32>], vector<16xf32>,
        %parallel_loop3A_547 = arith.constant 80 : i32
        %parallel_loop3A_548 = vector.broadcast %parallel_loop3A_547 : i32 to vector<16xi32>
        %parallel_loop3A_549 = arith.addi %iota3A, %parallel_loop3A_548 : vector<16xi32>
        %parallel_loop3A_550 = vector.broadcast %parallel_loop3A_516 : i32 to vector<16xi32>
        %parallel_loop3A_551 = arith.addi %shift_left3A_219, %parallel_loop3A_550 : vector<16xi32>
        %parallel_loop3A_552 = tpu.vector_load_idx %arg8[%parallel_loop3A_549, %parallel_loop3A_551] : memref<128x128xf32, #tpu.memory_space<vmem>>[vector<16xi32>, vector<16xi32>], vector<16xf32>,
        %parallel_loop3A_553 = arith.constant 96 : i32
        %parallel_loop3A_554 = vector.broadcast %parallel_loop3A_553 : i32 to vector<16xi32>
        %parallel_loop3A_555 = arith.addi %iota3A, %parallel_loop3A_554 : vector<16xi32>
        %parallel_loop3A_556 = vector.broadcast %parallel_loop3A_516 : i32 to vector<16xi32>
        %parallel_loop3A_557 = arith.addi %shift_left3A_232, %parallel_loop3A_556 : vector<16xi32>
        %parallel_loop3A_558 = tpu.vector_load_idx %arg8[%parallel_loop3A_555, %parallel_loop3A_557] : memref<128x128xf32, #tpu.memory_space<vmem>>[vector<16xi32>, vector<16xi32>], vector<16xf32>,
        %parallel_loop3A_559 = arith.constant 112 : i32
        %parallel_loop3A_560 = vector.broadcast %parallel_loop3A_559 : i32 to vector<16xi32>
        %parallel_loop3A_561 = arith.addi %iota3A, %parallel_loop3A_560 : vector<16xi32>
        %parallel_loop3A_562 = vector.broadcast %parallel_loop3A_516 : i32 to vector<16xi32>
        %parallel_loop3A_563 = arith.addi %shift_left3A_245, %parallel_loop3A_562 : vector<16xi32>
        %parallel_loop3A_564 = tpu.vector_load_idx %arg8[%parallel_loop3A_561, %parallel_loop3A_563] : memref<128x128xf32, #tpu.memory_space<vmem>>[vector<16xi32>, vector<16xi32>], vector<16xf32>,
        %parallel_loop3A_565 = arith.index_cast %parallel_loop3A_516 : i32 to index
        %parallel_loop3A_566 = arith.constant 0 : index
        %parallel_loop3A_567 = tpu.vector_load %arg10[%parallel_loop3A_565, %parallel_loop3A_566] {strides = array<i32>} : memref<32x128xf32, #tpu.memory_space<vmem>>, vector<16xf32>,
        tpu.vector_store %arg10[%parallel_loop3A_565, %parallel_loop3A_566], %parallel_loop3A_522 {strides = array<i32>} : memref<32x128xf32, #tpu.memory_space<vmem>>, vector<16xf32>,
        %parallel_loop3A_568 = arith.index_cast %parallel_loop3A_516 : i32 to index
        %parallel_loop3A_569 = arith.constant 16 : index
        %parallel_loop3A_570 = tpu.vector_load %arg10[%parallel_loop3A_568, %parallel_loop3A_569] {strides = array<i32>} : memref<32x128xf32, #tpu.memory_space<vmem>>, vector<16xf32>,
        tpu.vector_store %arg10[%parallel_loop3A_568, %parallel_loop3A_569], %parallel_loop3A_528 {strides = array<i32>} : memref<32x128xf32, #tpu.memory_space<vmem>>, vector<16xf32>,
        %parallel_loop3A_571 = arith.index_cast %parallel_loop3A_516 : i32 to index
        %parallel_loop3A_572 = arith.constant 32 : index
        %parallel_loop3A_573 = tpu.vector_load %arg10[%parallel_loop3A_571, %parallel_loop3A_572] {strides = array<i32>} : memref<32x128xf32, #tpu.memory_space<vmem>>, vector<16xf32>,
        tpu.vector_store %arg10[%parallel_loop3A_571, %parallel_loop3A_572], %parallel_loop3A_534 {strides = array<i32>} : memref<32x128xf32, #tpu.memory_space<vmem>>, vector<16xf32>,
        %parallel_loop3A_574 = arith.index_cast %parallel_loop3A_516 : i32 to index
        %parallel_loop3A_575 = arith.constant 48 : index
        %parallel_loop3A_576 = tpu.vector_load %arg10[%parallel_loop3A_574, %parallel_loop3A_575] {strides = array<i32>} : memref<32x128xf32, #tpu.memory_space<vmem>>, vector<16xf32>,
        tpu.vector_store %arg10[%parallel_loop3A_574, %parallel_loop3A_575], %parallel_loop3A_540 {strides = array<i32>} : memref<32x128xf32, #tpu.memory_space<vmem>>, vector<16xf32>,
        %parallel_loop3A_577 = arith.index_cast %parallel_loop3A_516 : i32 to index
        %parallel_loop3A_578 = arith.constant 64 : index
        %parallel_loop3A_579 = tpu.vector_load %arg10[%parallel_loop3A_577, %parallel_loop3A_578] {strides = array<i32>} : memref<32x128xf32, #tpu.memory_space<vmem>>, vector<16xf32>,
        tpu.vector_store %arg10[%parallel_loop3A_577, %parallel_loop3A_578], %parallel_loop3A_546 {strides = array<i32>} : memref<32x128xf32, #tpu.memory_space<vmem>>, vector<16xf32>,
        %parallel_loop3A_580 = arith.index_cast %parallel_loop3A_516 : i32 to index
        %parallel_loop3A_581 = arith.constant 80 : index
        %parallel_loop3A_582 = tpu.vector_load %arg10[%parallel_loop3A_580, %parallel_loop3A_581] {strides = array<i32>} : memref<32x128xf32, #tpu.memory_space<vmem>>, vector<16xf32>,
        tpu.vector_store %arg10[%parallel_loop3A_580, %parallel_loop3A_581], %parallel_loop3A_552 {strides = array<i32>} : memref<32x128xf32, #tpu.memory_space<vmem>>, vector<16xf32>,
        %parallel_loop3A_583 = arith.index_cast %parallel_loop3A_516 : i32 to index
        %parallel_loop3A_584 = arith.constant 96 : index
        %parallel_loop3A_585 = tpu.vector_load %arg10[%parallel_loop3A_583, %parallel_loop3A_584] {strides = array<i32>} : memref<32x128xf32, #tpu.memory_space<vmem>>, vector<16xf32>,
        tpu.vector_store %arg10[%parallel_loop3A_583, %parallel_loop3A_584], %parallel_loop3A_558 {strides = array<i32>} : memref<32x128xf32, #tpu.memory_space<vmem>>, vector<16xf32>,
        %parallel_loop3A_586 = arith.index_cast %parallel_loop3A_516 : i32 to index
        %parallel_loop3A_587 = arith.constant 112 : index
        %parallel_loop3A_588 = tpu.vector_load %arg10[%parallel_loop3A_586, %parallel_loop3A_587] {strides = array<i32>} : memref<32x128xf32, #tpu.memory_space<vmem>>, vector<16xf32>,
        tpu.vector_store %arg10[%parallel_loop3A_586, %parallel_loop3A_587], %parallel_loop3A_564 {strides = array<i32>} : memref<32x128xf32, #tpu.memory_space<vmem>>, vector<16xf32>,
      } {sc.loop_unroll_factor = 4 : i64, sc.parallel_access}
      %jit3A_248 = arith.constant 4 : i32
      %div3A_249 = arith.divsi %add3A_100, %jit3A_248 : i32
      %sign3A_250 = arith.constant 0 : i32
      %sign3A_251 = arith.cmpi sgt, %add3A_100, %sign3A_250 : i32
      %sign3A_252 = arith.extui %sign3A_251 : i1 to i32
      %sign3A_253 = arith.constant 0 : i32
      %sign3A_254 = arith.cmpi slt, %add3A_100, %sign3A_253 : i32
      %sign3A_255 = arith.extui %sign3A_254 : i1 to i32
      %sign3A_256 = arith.subi %sign3A_252, %sign3A_255 : i32
      %sign3A_257 = arith.constant 0 : i32
      %sign3A_258 = arith.cmpi sgt, %jit3A_248, %sign3A_257 : i32
      %sign3A_259 = arith.extui %sign3A_258 : i1 to i32
      %sign3A_260 = arith.constant 0 : i32
      %sign3A_261 = arith.cmpi slt, %jit3A_248, %sign3A_260 : i32
      %sign3A_262 = arith.extui %sign3A_261 : i1 to i32
      %sign3A_263 = arith.subi %sign3A_259, %sign3A_262 : i32
      %ne3A_264 = arith.cmpi ne, %sign3A_256, %sign3A_263 : i32
      %rem3A_265 = arith.remsi %add3A_100, %jit3A_248 : i32
      %ne3A_266 = arith.constant 0 : i32
      %ne3A_267 = arith.cmpi ne, %rem3A_265, %ne3A_266 : i32
      %and3A_268 = arith.andi %ne3A_264, %ne3A_267 : i1
      %sub3A_269 = arith.constant 1 : i32
      %sub3A_270 = arith.subi %div3A_249, %sub3A_269 : i32
      %select_n3A_271 = arith.select %and3A_268, %sub3A_270, %div3A_249 : i32
      %jit3A_272 = arith.constant 4 : i32
      %eq3A_273 = arith.constant 0 : i32
      %eq3A_274 = arith.cmpi eq, %jit3A_272, %eq3A_273 : i32
      %jit3A_275 = arith.constant 1 : i32
      %select_n3A_276 = arith.select %eq3A_274, %jit3A_275, %jit3A_272 : i32
      %rem3A_277 = arith.remsi %add3A_100, %select_n3A_276 : i32
      %ne3A_278 = arith.constant 0 : i32
      %ne3A_279 = arith.cmpi ne, %rem3A_277, %ne3A_278 : i32
      %lt3A_280 = arith.constant 0 : i32
      %lt3A_281 = arith.cmpi slt, %rem3A_277, %lt3A_280 : i32
      %lt3A_282 = arith.constant 0 : i32
      %lt3A_283 = arith.cmpi slt, %select_n3A_276, %lt3A_282 : i32
      %ne3A_284 = arith.xori %lt3A_281, %lt3A_283 : i1
      %and3A_285 = arith.andi %ne3A_284, %ne3A_279 : i1
      %add3A_286 = arith.addi %rem3A_277, %select_n3A_276 : i32
      %select_n3A_287 = arith.select %and3A_285, %add3A_286, %rem3A_277 : i32
      %mul3A_288 = arith.constant 4 : i32
      %mul3A_289 = arith.muli %mul3A_288, %add3A : i32
      %add3A_290 = arith.addi %mul3A_289, %select_n3A_287 : i32
      %mul3A_291 = arith.constant 128 : i32
      %mul3A_292 = arith.muli %add3A_290, %mul3A_291 : i32
      %dma_start3A_293 = arith.constant 0 : i32
      %dma_start3A_294 = tpu.memref_slice %arg4[%select_n3A_271, %dma_start3A_293, %mul3A_292] : memref<26x32x16384xf32, #tpu.memory_space<hbm>> -> memref<1x32x128xf32, #tpu.memory_space<hbm>>
      %dma_start3A_295 = tpu.memref_squeeze %dma_start3A_294 : memref<1x32x128xf32, #tpu.memory_space<hbm>> -> memref<32x128xf32, #tpu.memory_space<hbm>>
      %dma_start3A_296 = arith.constant 0 : i32
      %dma_start3A_297 = tpu.memref_slice %arg4[%select_n3A_271, %dma_start3A_296, %mul3A_292] : memref<26x32x16384xf32, #tpu.memory_space<hbm>> -> memref<1x32x128xf32, #tpu.memory_space<hbm>>
      %dma_start3A_298 = tpu.memref_squeeze %dma_start3A_297 : memref<1x32x128xf32, #tpu.memory_space<hbm>> -> memref<32x128xf32, #tpu.memory_space<hbm>>
      tpu.enqueue_dma source(%arg10 : memref<32x128xf32, #tpu.memory_space<vmem>>) target(%dma_start3A_298 : memref<32x128xf32, #tpu.memory_space<hbm>>) target_semaphore(%arg14 : memref<!tpu.dma_semaphore, #tpu.memory_space<semaphore_mem>>)
      %mul3A_299 = arith.constant 2 : i32
      %mul3A_300 = arith.muli %mul3A_299, %scan3A_96 : i32
      %add3A_301 = arith.constant 1 : i32
      %add3A_302 = arith.addi %mul3A_300, %add3A_301 : i32
      %add3A_303 = arith.constant 1 : i32
      %add3A_304 = arith.addi %add3A_302, %add3A_303 : i32
      %lt3A_305 = arith.constant 104 : i32
      %lt3A_306 = arith.cmpi slt, %add3A_304, %lt3A_305 : i32
      %convert_element_type3A_307 = arith.extui %lt3A_306 : i1 to i32
      %cond3A_308 = arith.constant 0 : i32
      %cond3A_309 = arith.cmpi ne, %convert_element_type3A_307, %cond3A_308 : i32
      scf.if %cond3A_309 {
        %add3A_516 = arith.constant 1 : i32
        %add3A_517 = arith.addi %add3A_302, %add3A_516 : i32
        %jit3A_518 = arith.constant 4 : i32
        %div3A_519 = arith.divsi %add3A_517, %jit3A_518 : i32
        %sign3A_520 = arith.constant 0 : i32
        %sign3A_521 = arith.cmpi sgt, %add3A_517, %sign3A_520 : i32
        %sign3A_522 = arith.extui %sign3A_521 : i1 to i32
        %sign3A_523 = arith.constant 0 : i32
        %sign3A_524 = arith.cmpi slt, %add3A_517, %sign3A_523 : i32
        %sign3A_525 = arith.extui %sign3A_524 : i1 to i32
        %sign3A_526 = arith.subi %sign3A_522, %sign3A_525 : i32
        %sign3A_527 = arith.constant 0 : i32
        %sign3A_528 = arith.cmpi sgt, %jit3A_518, %sign3A_527 : i32
        %sign3A_529 = arith.extui %sign3A_528 : i1 to i32
        %sign3A_530 = arith.constant 0 : i32
        %sign3A_531 = arith.cmpi slt, %jit3A_518, %sign3A_530 : i32
        %sign3A_532 = arith.extui %sign3A_531 : i1 to i32
        %sign3A_533 = arith.subi %sign3A_529, %sign3A_532 : i32
        %ne3A_534 = arith.cmpi ne, %sign3A_526, %sign3A_533 : i32
        %rem3A_535 = arith.remsi %add3A_517, %jit3A_518 : i32
        %ne3A_536 = arith.constant 0 : i32
        %ne3A_537 = arith.cmpi ne, %rem3A_535, %ne3A_536 : i32
        %and3A_538 = arith.andi %ne3A_534, %ne3A_537 : i1
        %sub3A_539 = arith.constant 1 : i32
        %sub3A_540 = arith.subi %div3A_519, %sub3A_539 : i32
        %select_n3A_541 = arith.select %and3A_538, %sub3A_540, %div3A_519 : i32
        %jit3A_542 = arith.constant 4 : i32
        %eq3A_543 = arith.constant 0 : i32
        %eq3A_544 = arith.cmpi eq, %jit3A_542, %eq3A_543 : i32
        %jit3A_545 = arith.constant 1 : i32
        %select_n3A_546 = arith.select %eq3A_544, %jit3A_545, %jit3A_542 : i32
        %rem3A_547 = arith.remsi %add3A_517, %select_n3A_546 : i32
        %ne3A_548 = arith.constant 0 : i32
        %ne3A_549 = arith.cmpi ne, %rem3A_547, %ne3A_548 : i32
        %lt3A_550 = arith.constant 0 : i32
        %lt3A_551 = arith.cmpi slt, %rem3A_547, %lt3A_550 : i32
        %lt3A_552 = arith.constant 0 : i32
        %lt3A_553 = arith.cmpi slt, %select_n3A_546, %lt3A_552 : i32
        %ne3A_554 = arith.xori %lt3A_551, %lt3A_553 : i1
        %and3A_555 = arith.andi %ne3A_554, %ne3A_549 : i1
        %add3A_556 = arith.addi %rem3A_547, %select_n3A_546 : i32
        %select_n3A_557 = arith.select %and3A_555, %add3A_556, %rem3A_547 : i32
        %mul3A_558 = arith.constant 128 : i32
        %mul3A_559 = arith.muli %select_n3A_557, %mul3A_558 : i32
        %add3A_560 = arith.constant 0 : i32
        %add3A_561 = arith.addi %mul3A_559, %add3A_560 : i32
        %get3A_562 = arith.index_cast %select_n3A_541 : i32 to index
        %get3A_563 = arith.index_cast %add3A_561 : i32 to index
        %get3A_564 = tpu.vector_load %arg5[%get3A_562, %get3A_563] {strides = array<i32>} : memref<26x512xi32, #tpu.memory_space<vmem>>, vector<16xi32>,
        %mul3A_565 = arith.constant 128 : i32
        %mul3A_566 = arith.muli %select_n3A_557, %mul3A_565 : i32
        %add3A_567 = arith.constant 16 : i32
        %add3A_568 = arith.addi %mul3A_566, %add3A_567 : i32
        %get3A_569 = arith.index_cast %select_n3A_541 : i32 to index
        %get3A_570 = arith.index_cast %add3A_568 : i32 to index
        %get3A_571 = tpu.vector_load %arg5[%get3A_569, %get3A_570] {strides = array<i32>} : memref<26x512xi32, #tpu.memory_space<vmem>>, vector<16xi32>,
        %mul3A_572 = arith.constant 128 : i32
        %mul3A_573 = arith.muli %select_n3A_557, %mul3A_572 : i32
        %add3A_574 = arith.constant 32 : i32
        %add3A_575 = arith.addi %mul3A_573, %add3A_574 : i32
        %get3A_576 = arith.index_cast %select_n3A_541 : i32 to index
        %get3A_577 = arith.index_cast %add3A_575 : i32 to index
        %get3A_578 = tpu.vector_load %arg5[%get3A_576, %get3A_577] {strides = array<i32>} : memref<26x512xi32, #tpu.memory_space<vmem>>, vector<16xi32>,
        %mul3A_579 = arith.constant 128 : i32
        %mul3A_580 = arith.muli %select_n3A_557, %mul3A_579 : i32
        %add3A_581 = arith.constant 48 : i32
        %add3A_582 = arith.addi %mul3A_580, %add3A_581 : i32
        %get3A_583 = arith.index_cast %select_n3A_541 : i32 to index
        %get3A_584 = arith.index_cast %add3A_582 : i32 to index
        %get3A_585 = tpu.vector_load %arg5[%get3A_583, %get3A_584] {strides = array<i32>} : memref<26x512xi32, #tpu.memory_space<vmem>>, vector<16xi32>,
        %mul3A_586 = arith.constant 128 : i32
        %mul3A_587 = arith.muli %select_n3A_557, %mul3A_586 : i32
        %add3A_588 = arith.constant 64 : i32
        %add3A_589 = arith.addi %mul3A_587, %add3A_588 : i32
        %get3A_590 = arith.index_cast %select_n3A_541 : i32 to index
        %get3A_591 = arith.index_cast %add3A_589 : i32 to index
        %get3A_592 = tpu.vector_load %arg5[%get3A_590, %get3A_591] {strides = array<i32>} : memref<26x512xi32, #tpu.memory_space<vmem>>, vector<16xi32>,
        %mul3A_593 = arith.constant 128 : i32
        %mul3A_594 = arith.muli %select_n3A_557, %mul3A_593 : i32
        %add3A_595 = arith.constant 80 : i32
        %add3A_596 = arith.addi %mul3A_594, %add3A_595 : i32
        %get3A_597 = arith.index_cast %select_n3A_541 : i32 to index
        %get3A_598 = arith.index_cast %add3A_596 : i32 to index
        %get3A_599 = tpu.vector_load %arg5[%get3A_597, %get3A_598] {strides = array<i32>} : memref<26x512xi32, #tpu.memory_space<vmem>>, vector<16xi32>,
        %mul3A_600 = arith.constant 128 : i32
        %mul3A_601 = arith.muli %select_n3A_557, %mul3A_600 : i32
        %add3A_602 = arith.constant 96 : i32
        %add3A_603 = arith.addi %mul3A_601, %add3A_602 : i32
        %get3A_604 = arith.index_cast %select_n3A_541 : i32 to index
        %get3A_605 = arith.index_cast %add3A_603 : i32 to index
        %get3A_606 = tpu.vector_load %arg5[%get3A_604, %get3A_605] {strides = array<i32>} : memref<26x512xi32, #tpu.memory_space<vmem>>, vector<16xi32>,
        %mul3A_607 = arith.constant 128 : i32
        %mul3A_608 = arith.muli %select_n3A_557, %mul3A_607 : i32
        %add3A_609 = arith.constant 112 : i32
        %add3A_610 = arith.addi %mul3A_608, %add3A_609 : i32
        %get3A_611 = arith.index_cast %select_n3A_541 : i32 to index
        %get3A_612 = arith.index_cast %add3A_610 : i32 to index
        %get3A_613 = tpu.vector_load %arg5[%get3A_611, %get3A_612] {strides = array<i32>} : memref<26x512xi32, #tpu.memory_space<vmem>>, vector<16xi32>,
        %shift_right_arithmetic3A_614 = arith.constant 2 : i32
        %shift_right_arithmetic3A_615 = vector.broadcast %shift_right_arithmetic3A_614 : i32 to vector<16xi32>
        %shift_right_arithmetic3A_616 = arith.shrsi %get3A_564, %shift_right_arithmetic3A_615 : vector<16xi32>
        %swap3A_617 = arith.constant 0 : index
        %swap3A_618 = tpu.vector_load %arg6[%swap3A_617] {strides = array<i32>} : memref<128xi32, #tpu.memory_space<vmem>>, vector<16xi32>,
        tpu.vector_store %arg6[%swap3A_617], %shift_right_arithmetic3A_616 {strides = array<i32>} : memref<128xi32, #tpu.memory_space<vmem>>, vector<16xi32>,
        %shift_right_arithmetic3A_619 = arith.constant 2 : i32
        %shift_right_arithmetic3A_620 = vector.broadcast %shift_right_arithmetic3A_619 : i32 to vector<16xi32>
        %shift_right_arithmetic3A_621 = arith.shrsi %get3A_571, %shift_right_arithmetic3A_620 : vector<16xi32>
        %swap3A_622 = arith.constant 16 : index
        %swap3A_623 = tpu.vector_load %arg6[%swap3A_622] {strides = array<i32>} : memref<128xi32, #tpu.memory_space<vmem>>, vector<16xi32>,
        tpu.vector_store %arg6[%swap3A_622], %shift_right_arithmetic3A_621 {strides = array<i32>} : memref<128xi32, #tpu.memory_space<vmem>>, vector<16xi32>,
        %shift_right_arithmetic3A_624 = arith.constant 2 : i32
        %shift_right_arithmetic3A_625 = vector.broadcast %shift_right_arithmetic3A_624 : i32 to vector<16xi32>
        %shift_right_arithmetic3A_626 = arith.shrsi %get3A_578, %shift_right_arithmetic3A_625 : vector<16xi32>
        %swap3A_627 = arith.constant 32 : index
        %swap3A_628 = tpu.vector_load %arg6[%swap3A_627] {strides = array<i32>} : memref<128xi32, #tpu.memory_space<vmem>>, vector<16xi32>,
        tpu.vector_store %arg6[%swap3A_627], %shift_right_arithmetic3A_626 {strides = array<i32>} : memref<128xi32, #tpu.memory_space<vmem>>, vector<16xi32>,
        %shift_right_arithmetic3A_629 = arith.constant 2 : i32
        %shift_right_arithmetic3A_630 = vector.broadcast %shift_right_arithmetic3A_629 : i32 to vector<16xi32>
        %shift_right_arithmetic3A_631 = arith.shrsi %get3A_585, %shift_right_arithmetic3A_630 : vector<16xi32>
        %swap3A_632 = arith.constant 48 : index
        %swap3A_633 = tpu.vector_load %arg6[%swap3A_632] {strides = array<i32>} : memref<128xi32, #tpu.memory_space<vmem>>, vector<16xi32>,
        tpu.vector_store %arg6[%swap3A_632], %shift_right_arithmetic3A_631 {strides = array<i32>} : memref<128xi32, #tpu.memory_space<vmem>>, vector<16xi32>,
        %shift_right_arithmetic3A_634 = arith.constant 2 : i32
        %shift_right_arithmetic3A_635 = vector.broadcast %shift_right_arithmetic3A_634 : i32 to vector<16xi32>
        %shift_right_arithmetic3A_636 = arith.shrsi %get3A_592, %shift_right_arithmetic3A_635 : vector<16xi32>
        %swap3A_637 = arith.constant 64 : index
        %swap3A_638 = tpu.vector_load %arg6[%swap3A_637] {strides = array<i32>} : memref<128xi32, #tpu.memory_space<vmem>>, vector<16xi32>,
        tpu.vector_store %arg6[%swap3A_637], %shift_right_arithmetic3A_636 {strides = array<i32>} : memref<128xi32, #tpu.memory_space<vmem>>, vector<16xi32>,
        %shift_right_arithmetic3A_639 = arith.constant 2 : i32
        %shift_right_arithmetic3A_640 = vector.broadcast %shift_right_arithmetic3A_639 : i32 to vector<16xi32>
        %shift_right_arithmetic3A_641 = arith.shrsi %get3A_599, %shift_right_arithmetic3A_640 : vector<16xi32>
        %swap3A_642 = arith.constant 80 : index
        %swap3A_643 = tpu.vector_load %arg6[%swap3A_642] {strides = array<i32>} : memref<128xi32, #tpu.memory_space<vmem>>, vector<16xi32>,
        tpu.vector_store %arg6[%swap3A_642], %shift_right_arithmetic3A_641 {strides = array<i32>} : memref<128xi32, #tpu.memory_space<vmem>>, vector<16xi32>,
        %shift_right_arithmetic3A_644 = arith.constant 2 : i32
        %shift_right_arithmetic3A_645 = vector.broadcast %shift_right_arithmetic3A_644 : i32 to vector<16xi32>
        %shift_right_arithmetic3A_646 = arith.shrsi %get3A_606, %shift_right_arithmetic3A_645 : vector<16xi32>
        %swap3A_647 = arith.constant 96 : index
        %swap3A_648 = tpu.vector_load %arg6[%swap3A_647] {strides = array<i32>} : memref<128xi32, #tpu.memory_space<vmem>>, vector<16xi32>,
        tpu.vector_store %arg6[%swap3A_647], %shift_right_arithmetic3A_646 {strides = array<i32>} : memref<128xi32, #tpu.memory_space<vmem>>, vector<16xi32>,
        %shift_right_arithmetic3A_649 = arith.constant 2 : i32
        %shift_right_arithmetic3A_650 = vector.broadcast %shift_right_arithmetic3A_649 : i32 to vector<16xi32>
        %shift_right_arithmetic3A_651 = arith.shrsi %get3A_613, %shift_right_arithmetic3A_650 : vector<16xi32>
        %swap3A_652 = arith.constant 112 : index
        %swap3A_653 = tpu.vector_load %arg6[%swap3A_652] {strides = array<i32>} : memref<128xi32, #tpu.memory_space<vmem>>, vector<16xi32>,
        tpu.vector_store %arg6[%swap3A_652], %shift_right_arithmetic3A_651 {strides = array<i32>} : memref<128xi32, #tpu.memory_space<vmem>>, vector<16xi32>,
        %dma_start3A_654 = arith.constant 0 : i32
        %dma_start3A_655 = arith.constant 0 : i32
        %dma_start3A_656 = tpu.memref_slice %arg3[%dma_start3A_654, %dma_start3A_655] : memref<250000x128xf32, #tpu.memory_space<hbm>> -> memref<250000x128xf32, #tpu.memory_space<hbm>>
        tpu.enqueue_indirect_dma source(%dma_start3A_656 : memref<250000x128xf32, #tpu.memory_space<hbm>>) target(%arg8 : memref<128x128xf32, #tpu.memory_space<vmem>>) offsets(%arg6 : memref<128xi32, #tpu.memory_space<vmem>>) semaphore(%arg12 : memref<!tpu.dma_semaphore, #tpu.memory_space<semaphore_mem>>)
      } else {
      }
      %dma_wait3A_310 = arith.constant 0 : i32
      %dma_wait3A_311 = arith.constant 0 : i32
      %dma_wait3A_312 = tpu.memref_slice %arg3[%dma_wait3A_310, %dma_wait3A_311] : memref<250000x128xf32, #tpu.memory_space<hbm>> -> memref<250000x128xf32, #tpu.memory_space<hbm>>
      tpu.wait_indirect_dma semaphore(%arg13 : memref<!tpu.dma_semaphore, #tpu.memory_space<semaphore_mem>>) src(%dma_wait3A_312 : memref<250000x128xf32, #tpu.memory_space<hbm>>) dst(%arg9 : memref<128x128xf32, #tpu.memory_space<vmem>>)
      %ge3A_313 = arith.constant 2 : i32
      %ge3A_314 = arith.cmpi sge, %add3A_302, %ge3A_313 : i32
      %convert_element_type3A_315 = arith.extui %ge3A_314 : i1 to i32
      %cond3A_316 = arith.constant 0 : i32
      %cond3A_317 = arith.cmpi ne, %convert_element_type3A_315, %cond3A_316 : i32
      scf.if %cond3A_317 {
        %dma_wait3A_516 = arith.constant 0 : i32
        %dma_wait3A_517 = arith.constant 0 : i32
        %dma_wait3A_518 = arith.constant 0 : i32
        %dma_wait3A_519 = tpu.memref_slice %arg4[%dma_wait3A_516, %dma_wait3A_517, %dma_wait3A_518] : memref<26x32x16384xf32, #tpu.memory_space<hbm>> -> memref<1x32x128xf32, #tpu.memory_space<hbm>>
        %dma_wait3A_520 = tpu.memref_squeeze %dma_wait3A_519 : memref<1x32x128xf32, #tpu.memory_space<hbm>> -> memref<32x128xf32, #tpu.memory_space<hbm>>
        %dma_wait3A_521 = arith.constant 0 : i32
        %dma_wait3A_522 = arith.constant 0 : i32
        %dma_wait3A_523 = tpu.memref_slice %arg4[%dma_wait3A_516, %dma_wait3A_521, %dma_wait3A_522] : memref<26x32x16384xf32, #tpu.memory_space<hbm>> -> memref<1x32x128xf32, #tpu.memory_space<hbm>>
        %dma_wait3A_524 = tpu.memref_squeeze %dma_wait3A_523 : memref<1x32x128xf32, #tpu.memory_space<hbm>> -> memref<32x128xf32, #tpu.memory_space<hbm>>
        tpu.wait_dma2 semaphore(%arg15 : memref<!tpu.dma_semaphore, #tpu.memory_space<semaphore_mem>>) src(%arg11 : memref<32x128xf32, #tpu.memory_space<vmem>>) dst(%dma_wait3A_524 : memref<32x128xf32, #tpu.memory_space<hbm>>)
      } else {
      }
      %jit3A_318 = arith.constant 4 : i32
      %div3A_319 = arith.divsi %add3A_302, %jit3A_318 : i32
      %sign3A_320 = arith.constant 0 : i32
      %sign3A_321 = arith.cmpi sgt, %add3A_302, %sign3A_320 : i32
      %sign3A_322 = arith.extui %sign3A_321 : i1 to i32
      %sign3A_323 = arith.constant 0 : i32
      %sign3A_324 = arith.cmpi slt, %add3A_302, %sign3A_323 : i32
      %sign3A_325 = arith.extui %sign3A_324 : i1 to i32
      %sign3A_326 = arith.subi %sign3A_322, %sign3A_325 : i32
      %sign3A_327 = arith.constant 0 : i32
      %sign3A_328 = arith.cmpi sgt, %jit3A_318, %sign3A_327 : i32
      %sign3A_329 = arith.extui %sign3A_328 : i1 to i32
      %sign3A_330 = arith.constant 0 : i32
      %sign3A_331 = arith.cmpi slt, %jit3A_318, %sign3A_330 : i32
      %sign3A_332 = arith.extui %sign3A_331 : i1 to i32
      %sign3A_333 = arith.subi %sign3A_329, %sign3A_332 : i32
      %ne3A_334 = arith.cmpi ne, %sign3A_326, %sign3A_333 : i32
      %rem3A_335 = arith.remsi %add3A_302, %jit3A_318 : i32
      %ne3A_336 = arith.constant 0 : i32
      %ne3A_337 = arith.cmpi ne, %rem3A_335, %ne3A_336 : i32
      %and3A_338 = arith.andi %ne3A_334, %ne3A_337 : i1
      %sub3A_339 = arith.constant 1 : i32
      %sub3A_340 = arith.subi %div3A_319, %sub3A_339 : i32
      %select_n3A_341 = arith.select %and3A_338, %sub3A_340, %div3A_319 : i32
      %jit3A_342 = arith.constant 4 : i32
      %eq3A_343 = arith.constant 0 : i32
      %eq3A_344 = arith.cmpi eq, %jit3A_342, %eq3A_343 : i32
      %jit3A_345 = arith.constant 1 : i32
      %select_n3A_346 = arith.select %eq3A_344, %jit3A_345, %jit3A_342 : i32
      %rem3A_347 = arith.remsi %add3A_302, %select_n3A_346 : i32
      %ne3A_348 = arith.constant 0 : i32
      %ne3A_349 = arith.cmpi ne, %rem3A_347, %ne3A_348 : i32
      %lt3A_350 = arith.constant 0 : i32
      %lt3A_351 = arith.cmpi slt, %rem3A_347, %lt3A_350 : i32
      %lt3A_352 = arith.constant 0 : i32
      %lt3A_353 = arith.cmpi slt, %select_n3A_346, %lt3A_352 : i32
      %ne3A_354 = arith.xori %lt3A_351, %lt3A_353 : i1
      %and3A_355 = arith.andi %ne3A_354, %ne3A_349 : i1
      %add3A_356 = arith.addi %rem3A_347, %select_n3A_346 : i32
      %select_n3A_357 = arith.select %and3A_355, %add3A_356, %rem3A_347 : i32
      %mul3A_358 = arith.constant 128 : i32
      %mul3A_359 = arith.muli %select_n3A_357, %mul3A_358 : i32
      %add3A_360 = arith.constant 0 : i32
      %add3A_361 = arith.addi %mul3A_359, %add3A_360 : i32
      %get3A_362 = arith.index_cast %select_n3A_341 : i32 to index
      %get3A_363 = arith.index_cast %add3A_361 : i32 to index
      %get3A_364 = tpu.vector_load %arg5[%get3A_362, %get3A_363] {strides = array<i32>} : memref<26x512xi32, #tpu.memory_space<vmem>>, vector<16xi32>,
      %and3A_365 = arith.constant 3 : i32
      %and3A_366 = vector.broadcast %and3A_365 : i32 to vector<16xi32>
      %and3A_367 = arith.andi %get3A_364, %and3A_366 : vector<16xi32>
      %shift_left3A_368 = arith.constant 5 : i32
      %shift_left3A_369 = vector.broadcast %shift_left3A_368 : i32 to vector<16xi32>
      %shift_left3A_370 = arith.shli %and3A_367, %shift_left3A_369 : vector<16xi32>
      %mul3A_371 = arith.constant 128 : i32
      %mul3A_372 = arith.muli %select_n3A_357, %mul3A_371 : i32
      %add3A_373 = arith.constant 16 : i32
      %add3A_374 = arith.addi %mul3A_372, %add3A_373 : i32
      %get3A_375 = arith.index_cast %select_n3A_341 : i32 to index
      %get3A_376 = arith.index_cast %add3A_374 : i32 to index
      %get3A_377 = tpu.vector_load %arg5[%get3A_375, %get3A_376] {strides = array<i32>} : memref<26x512xi32, #tpu.memory_space<vmem>>, vector<16xi32>,
      %and3A_378 = arith.constant 3 : i32
      %and3A_379 = vector.broadcast %and3A_378 : i32 to vector<16xi32>
      %and3A_380 = arith.andi %get3A_377, %and3A_379 : vector<16xi32>
      %shift_left3A_381 = arith.constant 5 : i32
      %shift_left3A_382 = vector.broadcast %shift_left3A_381 : i32 to vector<16xi32>
      %shift_left3A_383 = arith.shli %and3A_380, %shift_left3A_382 : vector<16xi32>
      %mul3A_384 = arith.constant 128 : i32
      %mul3A_385 = arith.muli %select_n3A_357, %mul3A_384 : i32
      %add3A_386 = arith.constant 32 : i32
      %add3A_387 = arith.addi %mul3A_385, %add3A_386 : i32
      %get3A_388 = arith.index_cast %select_n3A_341 : i32 to index
      %get3A_389 = arith.index_cast %add3A_387 : i32 to index
      %get3A_390 = tpu.vector_load %arg5[%get3A_388, %get3A_389] {strides = array<i32>} : memref<26x512xi32, #tpu.memory_space<vmem>>, vector<16xi32>,
      %and3A_391 = arith.constant 3 : i32
      %and3A_392 = vector.broadcast %and3A_391 : i32 to vector<16xi32>
      %and3A_393 = arith.andi %get3A_390, %and3A_392 : vector<16xi32>
      %shift_left3A_394 = arith.constant 5 : i32
      %shift_left3A_395 = vector.broadcast %shift_left3A_394 : i32 to vector<16xi32>
      %shift_left3A_396 = arith.shli %and3A_393, %shift_left3A_395 : vector<16xi32>
      %mul3A_397 = arith.constant 128 : i32
      %mul3A_398 = arith.muli %select_n3A_357, %mul3A_397 : i32
      %add3A_399 = arith.constant 48 : i32
      %add3A_400 = arith.addi %mul3A_398, %add3A_399 : i32
      %get3A_401 = arith.index_cast %select_n3A_341 : i32 to index
      %get3A_402 = arith.index_cast %add3A_400 : i32 to index
      %get3A_403 = tpu.vector_load %arg5[%get3A_401, %get3A_402] {strides = array<i32>} : memref<26x512xi32, #tpu.memory_space<vmem>>, vector<16xi32>,
      %and3A_404 = arith.constant 3 : i32
      %and3A_405 = vector.broadcast %and3A_404 : i32 to vector<16xi32>
      %and3A_406 = arith.andi %get3A_403, %and3A_405 : vector<16xi32>
      %shift_left3A_407 = arith.constant 5 : i32
      %shift_left3A_408 = vector.broadcast %shift_left3A_407 : i32 to vector<16xi32>
      %shift_left3A_409 = arith.shli %and3A_406, %shift_left3A_408 : vector<16xi32>
      %mul3A_410 = arith.constant 128 : i32
      %mul3A_411 = arith.muli %select_n3A_357, %mul3A_410 : i32
      %add3A_412 = arith.constant 64 : i32
      %add3A_413 = arith.addi %mul3A_411, %add3A_412 : i32
      %get3A_414 = arith.index_cast %select_n3A_341 : i32 to index
      %get3A_415 = arith.index_cast %add3A_413 : i32 to index
      %get3A_416 = tpu.vector_load %arg5[%get3A_414, %get3A_415] {strides = array<i32>} : memref<26x512xi32, #tpu.memory_space<vmem>>, vector<16xi32>,
      %and3A_417 = arith.constant 3 : i32
      %and3A_418 = vector.broadcast %and3A_417 : i32 to vector<16xi32>
      %and3A_419 = arith.andi %get3A_416, %and3A_418 : vector<16xi32>
      %shift_left3A_420 = arith.constant 5 : i32
      %shift_left3A_421 = vector.broadcast %shift_left3A_420 : i32 to vector<16xi32>
      %shift_left3A_422 = arith.shli %and3A_419, %shift_left3A_421 : vector<16xi32>
      %mul3A_423 = arith.constant 128 : i32
      %mul3A_424 = arith.muli %select_n3A_357, %mul3A_423 : i32
      %add3A_425 = arith.constant 80 : i32
      %add3A_426 = arith.addi %mul3A_424, %add3A_425 : i32
      %get3A_427 = arith.index_cast %select_n3A_341 : i32 to index
      %get3A_428 = arith.index_cast %add3A_426 : i32 to index
      %get3A_429 = tpu.vector_load %arg5[%get3A_427, %get3A_428] {strides = array<i32>} : memref<26x512xi32, #tpu.memory_space<vmem>>, vector<16xi32>,
      %and3A_430 = arith.constant 3 : i32
      %and3A_431 = vector.broadcast %and3A_430 : i32 to vector<16xi32>
      %and3A_432 = arith.andi %get3A_429, %and3A_431 : vector<16xi32>
      %shift_left3A_433 = arith.constant 5 : i32
      %shift_left3A_434 = vector.broadcast %shift_left3A_433 : i32 to vector<16xi32>
      %shift_left3A_435 = arith.shli %and3A_432, %shift_left3A_434 : vector<16xi32>
      %mul3A_436 = arith.constant 128 : i32
      %mul3A_437 = arith.muli %select_n3A_357, %mul3A_436 : i32
      %add3A_438 = arith.constant 96 : i32
      %add3A_439 = arith.addi %mul3A_437, %add3A_438 : i32
      %get3A_440 = arith.index_cast %select_n3A_341 : i32 to index
      %get3A_441 = arith.index_cast %add3A_439 : i32 to index
      %get3A_442 = tpu.vector_load %arg5[%get3A_440, %get3A_441] {strides = array<i32>} : memref<26x512xi32, #tpu.memory_space<vmem>>, vector<16xi32>,
      %and3A_443 = arith.constant 3 : i32
      %and3A_444 = vector.broadcast %and3A_443 : i32 to vector<16xi32>
      %and3A_445 = arith.andi %get3A_442, %and3A_444 : vector<16xi32>
      %shift_left3A_446 = arith.constant 5 : i32
      %shift_left3A_447 = vector.broadcast %shift_left3A_446 : i32 to vector<16xi32>
      %shift_left3A_448 = arith.shli %and3A_445, %shift_left3A_447 : vector<16xi32>
      %mul3A_449 = arith.constant 128 : i32
      %mul3A_450 = arith.muli %select_n3A_357, %mul3A_449 : i32
      %add3A_451 = arith.constant 112 : i32
      %add3A_452 = arith.addi %mul3A_450, %add3A_451 : i32
      %get3A_453 = arith.index_cast %select_n3A_341 : i32 to index
      %get3A_454 = arith.index_cast %add3A_452 : i32 to index
      %get3A_455 = tpu.vector_load %arg5[%get3A_453, %get3A_454] {strides = array<i32>} : memref<26x512xi32, #tpu.memory_space<vmem>>, vector<16xi32>,
      %and3A_456 = arith.constant 3 : i32
      %and3A_457 = vector.broadcast %and3A_456 : i32 to vector<16xi32>
      %and3A_458 = arith.andi %get3A_455, %and3A_457 : vector<16xi32>
      %shift_left3A_459 = arith.constant 5 : i32
      %shift_left3A_460 = vector.broadcast %shift_left3A_459 : i32 to vector<16xi32>
      %shift_left3A_461 = arith.shli %and3A_458, %shift_left3A_460 : vector<16xi32>
      %parallel_loop3A_462 = arith.constant 0 : i32
      %parallel_loop3A_463 = arith.constant 32 : i32
      %parallel_loop3A_464 = arith.constant 1 : i32
      scf.for %parallel_loop3A_516 = %parallel_loop3A_462 to %parallel_loop3A_463 step %parallel_loop3A_464  : i32 {
        %parallel_loop3A_517 = arith.constant 0 : i32
        %parallel_loop3A_518 = vector.broadcast %parallel_loop3A_517 : i32 to vector<16xi32>
        %parallel_loop3A_519 = arith.addi %iota3A, %parallel_loop3A_518 : vector<16xi32>
        %parallel_loop3A_520 = vector.broadcast %parallel_loop3A_516 : i32 to vector<16xi32>
        %parallel_loop3A_521 = arith.addi %shift_left3A_370, %parallel_loop3A_520 : vector<16xi32>
        %parallel_loop3A_522 = tpu.vector_load_idx %arg9[%parallel_loop3A_519, %parallel_loop3A_521] : memref<128x128xf32, #tpu.memory_space<vmem>>[vector<16xi32>, vector<16xi32>], vector<16xf32>,
        %parallel_loop3A_523 = arith.constant 16 : i32
        %parallel_loop3A_524 = vector.broadcast %parallel_loop3A_523 : i32 to vector<16xi32>
        %parallel_loop3A_525 = arith.addi %iota3A, %parallel_loop3A_524 : vector<16xi32>
        %parallel_loop3A_526 = vector.broadcast %parallel_loop3A_516 : i32 to vector<16xi32>
        %parallel_loop3A_527 = arith.addi %shift_left3A_383, %parallel_loop3A_526 : vector<16xi32>
        %parallel_loop3A_528 = tpu.vector_load_idx %arg9[%parallel_loop3A_525, %parallel_loop3A_527] : memref<128x128xf32, #tpu.memory_space<vmem>>[vector<16xi32>, vector<16xi32>], vector<16xf32>,
        %parallel_loop3A_529 = arith.constant 32 : i32
        %parallel_loop3A_530 = vector.broadcast %parallel_loop3A_529 : i32 to vector<16xi32>
        %parallel_loop3A_531 = arith.addi %iota3A, %parallel_loop3A_530 : vector<16xi32>
        %parallel_loop3A_532 = vector.broadcast %parallel_loop3A_516 : i32 to vector<16xi32>
        %parallel_loop3A_533 = arith.addi %shift_left3A_396, %parallel_loop3A_532 : vector<16xi32>
        %parallel_loop3A_534 = tpu.vector_load_idx %arg9[%parallel_loop3A_531, %parallel_loop3A_533] : memref<128x128xf32, #tpu.memory_space<vmem>>[vector<16xi32>, vector<16xi32>], vector<16xf32>,
        %parallel_loop3A_535 = arith.constant 48 : i32
        %parallel_loop3A_536 = vector.broadcast %parallel_loop3A_535 : i32 to vector<16xi32>
        %parallel_loop3A_537 = arith.addi %iota3A, %parallel_loop3A_536 : vector<16xi32>
        %parallel_loop3A_538 = vector.broadcast %parallel_loop3A_516 : i32 to vector<16xi32>
        %parallel_loop3A_539 = arith.addi %shift_left3A_409, %parallel_loop3A_538 : vector<16xi32>
        %parallel_loop3A_540 = tpu.vector_load_idx %arg9[%parallel_loop3A_537, %parallel_loop3A_539] : memref<128x128xf32, #tpu.memory_space<vmem>>[vector<16xi32>, vector<16xi32>], vector<16xf32>,
        %parallel_loop3A_541 = arith.constant 64 : i32
        %parallel_loop3A_542 = vector.broadcast %parallel_loop3A_541 : i32 to vector<16xi32>
        %parallel_loop3A_543 = arith.addi %iota3A, %parallel_loop3A_542 : vector<16xi32>
        %parallel_loop3A_544 = vector.broadcast %parallel_loop3A_516 : i32 to vector<16xi32>
        %parallel_loop3A_545 = arith.addi %shift_left3A_422, %parallel_loop3A_544 : vector<16xi32>
        %parallel_loop3A_546 = tpu.vector_load_idx %arg9[%parallel_loop3A_543, %parallel_loop3A_545] : memref<128x128xf32, #tpu.memory_space<vmem>>[vector<16xi32>, vector<16xi32>], vector<16xf32>,
        %parallel_loop3A_547 = arith.constant 80 : i32
        %parallel_loop3A_548 = vector.broadcast %parallel_loop3A_547 : i32 to vector<16xi32>
        %parallel_loop3A_549 = arith.addi %iota3A, %parallel_loop3A_548 : vector<16xi32>
        %parallel_loop3A_550 = vector.broadcast %parallel_loop3A_516 : i32 to vector<16xi32>
        %parallel_loop3A_551 = arith.addi %shift_left3A_435, %parallel_loop3A_550 : vector<16xi32>
        %parallel_loop3A_552 = tpu.vector_load_idx %arg9[%parallel_loop3A_549, %parallel_loop3A_551] : memref<128x128xf32, #tpu.memory_space<vmem>>[vector<16xi32>, vector<16xi32>], vector<16xf32>,
        %parallel_loop3A_553 = arith.constant 96 : i32
        %parallel_loop3A_554 = vector.broadcast %parallel_loop3A_553 : i32 to vector<16xi32>
        %parallel_loop3A_555 = arith.addi %iota3A, %parallel_loop3A_554 : vector<16xi32>
        %parallel_loop3A_556 = vector.broadcast %parallel_loop3A_516 : i32 to vector<16xi32>
        %parallel_loop3A_557 = arith.addi %shift_left3A_448, %parallel_loop3A_556 : vector<16xi32>
        %parallel_loop3A_558 = tpu.vector_load_idx %arg9[%parallel_loop3A_555, %parallel_loop3A_557] : memref<128x128xf32, #tpu.memory_space<vmem>>[vector<16xi32>, vector<16xi32>], vector<16xf32>,
        %parallel_loop3A_559 = arith.constant 112 : i32
        %parallel_loop3A_560 = vector.broadcast %parallel_loop3A_559 : i32 to vector<16xi32>
        %parallel_loop3A_561 = arith.addi %iota3A, %parallel_loop3A_560 : vector<16xi32>
        %parallel_loop3A_562 = vector.broadcast %parallel_loop3A_516 : i32 to vector<16xi32>
        %parallel_loop3A_563 = arith.addi %shift_left3A_461, %parallel_loop3A_562 : vector<16xi32>
        %parallel_loop3A_564 = tpu.vector_load_idx %arg9[%parallel_loop3A_561, %parallel_loop3A_563] : memref<128x128xf32, #tpu.memory_space<vmem>>[vector<16xi32>, vector<16xi32>], vector<16xf32>,
        %parallel_loop3A_565 = arith.index_cast %parallel_loop3A_516 : i32 to index
        %parallel_loop3A_566 = arith.constant 0 : index
        %parallel_loop3A_567 = tpu.vector_load %arg11[%parallel_loop3A_565, %parallel_loop3A_566] {strides = array<i32>} : memref<32x128xf32, #tpu.memory_space<vmem>>, vector<16xf32>,
        tpu.vector_store %arg11[%parallel_loop3A_565, %parallel_loop3A_566], %parallel_loop3A_522 {strides = array<i32>} : memref<32x128xf32, #tpu.memory_space<vmem>>, vector<16xf32>,
        %parallel_loop3A_568 = arith.index_cast %parallel_loop3A_516 : i32 to index
        %parallel_loop3A_569 = arith.constant 16 : index
        %parallel_loop3A_570 = tpu.vector_load %arg11[%parallel_loop3A_568, %parallel_loop3A_569] {strides = array<i32>} : memref<32x128xf32, #tpu.memory_space<vmem>>, vector<16xf32>,
        tpu.vector_store %arg11[%parallel_loop3A_568, %parallel_loop3A_569], %parallel_loop3A_528 {strides = array<i32>} : memref<32x128xf32, #tpu.memory_space<vmem>>, vector<16xf32>,
        %parallel_loop3A_571 = arith.index_cast %parallel_loop3A_516 : i32 to index
        %parallel_loop3A_572 = arith.constant 32 : index
        %parallel_loop3A_573 = tpu.vector_load %arg11[%parallel_loop3A_571, %parallel_loop3A_572] {strides = array<i32>} : memref<32x128xf32, #tpu.memory_space<vmem>>, vector<16xf32>,
        tpu.vector_store %arg11[%parallel_loop3A_571, %parallel_loop3A_572], %parallel_loop3A_534 {strides = array<i32>} : memref<32x128xf32, #tpu.memory_space<vmem>>, vector<16xf32>,
        %parallel_loop3A_574 = arith.index_cast %parallel_loop3A_516 : i32 to index
        %parallel_loop3A_575 = arith.constant 48 : index
        %parallel_loop3A_576 = tpu.vector_load %arg11[%parallel_loop3A_574, %parallel_loop3A_575] {strides = array<i32>} : memref<32x128xf32, #tpu.memory_space<vmem>>, vector<16xf32>,
        tpu.vector_store %arg11[%parallel_loop3A_574, %parallel_loop3A_575], %parallel_loop3A_540 {strides = array<i32>} : memref<32x128xf32, #tpu.memory_space<vmem>>, vector<16xf32>,
        %parallel_loop3A_577 = arith.index_cast %parallel_loop3A_516 : i32 to index
        %parallel_loop3A_578 = arith.constant 64 : index
        %parallel_loop3A_579 = tpu.vector_load %arg11[%parallel_loop3A_577, %parallel_loop3A_578] {strides = array<i32>} : memref<32x128xf32, #tpu.memory_space<vmem>>, vector<16xf32>,
        tpu.vector_store %arg11[%parallel_loop3A_577, %parallel_loop3A_578], %parallel_loop3A_546 {strides = array<i32>} : memref<32x128xf32, #tpu.memory_space<vmem>>, vector<16xf32>,
        %parallel_loop3A_580 = arith.index_cast %parallel_loop3A_516 : i32 to index
        %parallel_loop3A_581 = arith.constant 80 : index
        %parallel_loop3A_582 = tpu.vector_load %arg11[%parallel_loop3A_580, %parallel_loop3A_581] {strides = array<i32>} : memref<32x128xf32, #tpu.memory_space<vmem>>, vector<16xf32>,
        tpu.vector_store %arg11[%parallel_loop3A_580, %parallel_loop3A_581], %parallel_loop3A_552 {strides = array<i32>} : memref<32x128xf32, #tpu.memory_space<vmem>>, vector<16xf32>,
        %parallel_loop3A_583 = arith.index_cast %parallel_loop3A_516 : i32 to index
        %parallel_loop3A_584 = arith.constant 96 : index
        %parallel_loop3A_585 = tpu.vector_load %arg11[%parallel_loop3A_583, %parallel_loop3A_584] {strides = array<i32>} : memref<32x128xf32, #tpu.memory_space<vmem>>, vector<16xf32>,
        tpu.vector_store %arg11[%parallel_loop3A_583, %parallel_loop3A_584], %parallel_loop3A_558 {strides = array<i32>} : memref<32x128xf32, #tpu.memory_space<vmem>>, vector<16xf32>,
        %parallel_loop3A_586 = arith.index_cast %parallel_loop3A_516 : i32 to index
        %parallel_loop3A_587 = arith.constant 112 : index
        %parallel_loop3A_588 = tpu.vector_load %arg11[%parallel_loop3A_586, %parallel_loop3A_587] {strides = array<i32>} : memref<32x128xf32, #tpu.memory_space<vmem>>, vector<16xf32>,
        tpu.vector_store %arg11[%parallel_loop3A_586, %parallel_loop3A_587], %parallel_loop3A_564 {strides = array<i32>} : memref<32x128xf32, #tpu.memory_space<vmem>>, vector<16xf32>,
      } {sc.loop_unroll_factor = 4 : i64, sc.parallel_access}
      %jit3A_465 = arith.constant 4 : i32
      %div3A_466 = arith.divsi %add3A_302, %jit3A_465 : i32
      %sign3A_467 = arith.constant 0 : i32
      %sign3A_468 = arith.cmpi sgt, %add3A_302, %sign3A_467 : i32
      %sign3A_469 = arith.extui %sign3A_468 : i1 to i32
      %sign3A_470 = arith.constant 0 : i32
      %sign3A_471 = arith.cmpi slt, %add3A_302, %sign3A_470 : i32
      %sign3A_472 = arith.extui %sign3A_471 : i1 to i32
      %sign3A_473 = arith.subi %sign3A_469, %sign3A_472 : i32
      %sign3A_474 = arith.constant 0 : i32
      %sign3A_475 = arith.cmpi sgt, %jit3A_465, %sign3A_474 : i32
      %sign3A_476 = arith.extui %sign3A_475 : i1 to i32
      %sign3A_477 = arith.constant 0 : i32
      %sign3A_478 = arith.cmpi slt, %jit3A_465, %sign3A_477 : i32
      %sign3A_479 = arith.extui %sign3A_478 : i1 to i32
      %sign3A_480 = arith.subi %sign3A_476, %sign3A_479 : i32
      %ne3A_481 = arith.cmpi ne, %sign3A_473, %sign3A_480 : i32
      %rem3A_482 = arith.remsi %add3A_302, %jit3A_465 : i32
      %ne3A_483 = arith.constant 0 : i32
      %ne3A_484 = arith.cmpi ne, %rem3A_482, %ne3A_483 : i32
      %and3A_485 = arith.andi %ne3A_481, %ne3A_484 : i1
      %sub3A_486 = arith.constant 1 : i32
      %sub3A_487 = arith.subi %div3A_466, %sub3A_486 : i32
      %select_n3A_488 = arith.select %and3A_485, %sub3A_487, %div3A_466 : i32
      %jit3A_489 = arith.constant 4 : i32
      %eq3A_490 = arith.constant 0 : i32
      %eq3A_491 = arith.cmpi eq, %jit3A_489, %eq3A_490 : i32
      %jit3A_492 = arith.constant 1 : i32
      %select_n3A_493 = arith.select %eq3A_491, %jit3A_492, %jit3A_489 : i32
      %rem3A_494 = arith.remsi %add3A_302, %select_n3A_493 : i32
      %ne3A_495 = arith.constant 0 : i32
      %ne3A_496 = arith.cmpi ne, %rem3A_494, %ne3A_495 : i32
      %lt3A_497 = arith.constant 0 : i32
      %lt3A_498 = arith.cmpi slt, %rem3A_494, %lt3A_497 : i32
      %lt3A_499 = arith.constant 0 : i32
      %lt3A_500 = arith.cmpi slt, %select_n3A_493, %lt3A_499 : i32
      %ne3A_501 = arith.xori %lt3A_498, %lt3A_500 : i1
      %and3A_502 = arith.andi %ne3A_501, %ne3A_496 : i1
      %add3A_503 = arith.addi %rem3A_494, %select_n3A_493 : i32
      %select_n3A_504 = arith.select %and3A_502, %add3A_503, %rem3A_494 : i32
      %mul3A_505 = arith.constant 4 : i32
      %mul3A_506 = arith.muli %mul3A_505, %add3A : i32
      %add3A_507 = arith.addi %mul3A_506, %select_n3A_504 : i32
      %mul3A_508 = arith.constant 128 : i32
      %mul3A_509 = arith.muli %add3A_507, %mul3A_508 : i32
      %dma_start3A_510 = arith.constant 0 : i32
      %dma_start3A_511 = tpu.memref_slice %arg4[%select_n3A_488, %dma_start3A_510, %mul3A_509] : memref<26x32x16384xf32, #tpu.memory_space<hbm>> -> memref<1x32x128xf32, #tpu.memory_space<hbm>>
      %dma_start3A_512 = tpu.memref_squeeze %dma_start3A_511 : memref<1x32x128xf32, #tpu.memory_space<hbm>> -> memref<32x128xf32, #tpu.memory_space<hbm>>
      %dma_start3A_513 = arith.constant 0 : i32
      %dma_start3A_514 = tpu.memref_slice %arg4[%select_n3A_488, %dma_start3A_513, %mul3A_509] : memref<26x32x16384xf32, #tpu.memory_space<hbm>> -> memref<1x32x128xf32, #tpu.memory_space<hbm>>
      %dma_start3A_515 = tpu.memref_squeeze %dma_start3A_514 : memref<1x32x128xf32, #tpu.memory_space<hbm>> -> memref<32x128xf32, #tpu.memory_space<hbm>>
      tpu.enqueue_dma source(%arg11 : memref<32x128xf32, #tpu.memory_space<vmem>>) target(%dma_start3A_515 : memref<32x128xf32, #tpu.memory_space<hbm>>) target_semaphore(%arg15 : memref<!tpu.dma_semaphore, #tpu.memory_space<semaphore_mem>>)
    }
    %scan3A_78 = arith.constant 52 : i32
    %dma_wait3A = arith.constant 0 : i32
    %dma_wait3A_79 = arith.constant 0 : i32
    %dma_wait3A_80 = arith.constant 0 : i32
    %dma_wait3A_81 = tpu.memref_slice %arg4[%dma_wait3A, %dma_wait3A_79, %dma_wait3A_80] : memref<26x32x16384xf32, #tpu.memory_space<hbm>> -> memref<1x32x128xf32, #tpu.memory_space<hbm>>
    %dma_wait3A_82 = tpu.memref_squeeze %dma_wait3A_81 : memref<1x32x128xf32, #tpu.memory_space<hbm>> -> memref<32x128xf32, #tpu.memory_space<hbm>>
    %dma_wait3A_83 = arith.constant 0 : i32
    %dma_wait3A_84 = arith.constant 0 : i32
    %dma_wait3A_85 = tpu.memref_slice %arg4[%dma_wait3A, %dma_wait3A_83, %dma_wait3A_84] : memref<26x32x16384xf32, #tpu.memory_space<hbm>> -> memref<1x32x128xf32, #tpu.memory_space<hbm>>
    %dma_wait3A_86 = tpu.memref_squeeze %dma_wait3A_85 : memref<1x32x128xf32, #tpu.memory_space<hbm>> -> memref<32x128xf32, #tpu.memory_space<hbm>>
    tpu.wait_dma2 semaphore(%arg14 : memref<!tpu.dma_semaphore, #tpu.memory_space<semaphore_mem>>) src(%arg10 : memref<32x128xf32, #tpu.memory_space<vmem>>) dst(%dma_wait3A_86 : memref<32x128xf32, #tpu.memory_space<hbm>>)
    %dma_wait3A_87 = arith.constant 0 : i32
    %dma_wait3A_88 = arith.constant 0 : i32
    %dma_wait3A_89 = arith.constant 0 : i32
    %dma_wait3A_90 = tpu.memref_slice %arg4[%dma_wait3A_87, %dma_wait3A_88, %dma_wait3A_89] : memref<26x32x16384xf32, #tpu.memory_space<hbm>> -> memref<1x32x128xf32, #tpu.memory_space<hbm>>
    %dma_wait3A_91 = tpu.memref_squeeze %dma_wait3A_90 : memref<1x32x128xf32, #tpu.memory_space<hbm>> -> memref<32x128xf32, #tpu.memory_space<hbm>>
    %dma_wait3A_92 = arith.constant 0 : i32
    %dma_wait3A_93 = arith.constant 0 : i32
    %dma_wait3A_94 = tpu.memref_slice %arg4[%dma_wait3A_87, %dma_wait3A_92, %dma_wait3A_93] : memref<26x32x16384xf32, #tpu.memory_space<hbm>> -> memref<1x32x128xf32, #tpu.memory_space<hbm>>
    %dma_wait3A_95 = tpu.memref_squeeze %dma_wait3A_94 : memref<1x32x128xf32, #tpu.memory_space<hbm>> -> memref<32x128xf32, #tpu.memory_space<hbm>>
    tpu.wait_dma2 semaphore(%arg15 : memref<!tpu.dma_semaphore, #tpu.memory_space<semaphore_mem>>) src(%arg11 : memref<32x128xf32, #tpu.memory_space<vmem>>) dst(%dma_wait3A_95 : memref<32x128xf32, #tpu.memory_space<hbm>>)
    return
  }
}

</mosaic_0001>

<sc_bundles>
// kernel: kernel.4.cloned.1.call-start
scs
__scs_entry_jumppad:
0x0: {  	(pc) =	sbr.rel $0x88, $3  }
0x1: {  	(tag) =	ssettag $0x0;
	lr =	simm.s32 $0x1  }
0x2: {  	[smem:$0x3F9F] =	sst lr;
	_ =	strace $0xD0000000  }
0x3: {  	_ = 	snop  }
0x4: {  	_ = 	snop  }
0x5: {  	_ = 	snop  }
0x6: {  	_ = 	snop  }
0x7: {  	_ = 	snop  }
__scs_overlays_trampoline_lowered:
0x8: {  	[smem:$0x3FAE] =	sst s0  }
0x9: {  	[smem:$0x3FAF] =	sst s1  }
0xa: {  	[smem:$0x3FB0] =	sst s2  }
0xb: {  	[smem:$0x3FB1] =	sst s3  }
0xc: {  	[smem:$0x3FB2] =	sst s4  }
0xd: {  	[smem:$0x3FB3] =	sst s5  }
0xe: {  	[smem:$0x3FB4] =	sst s6  }
0xf: {  	[smem:$0x3FB5] =	sst s7  }
0x10: {  	[smem:$0x3FB6] =	sst s8  }
0x11: {  	[smem:$0x3FB7] =	sst s9;
	s0 =	simm.s32 @!p0 $0x0  }
0x12: {  	s1 =	sld [smem:$0x3F9D];
	s0 =	simm.s32 @p0 $0x1  }
0x13: {  	[smem:$0x3FB8] =	sst s0;
	s0 =	simm.s32 @!p1 $0x0  }
0x14: {  	s2 =	sld [smem:$0x3F9C];
	s0 =	simm.s32 @p1 $0x1  }
0x15: {  	[smem:$0x3FB9] =	sst s0;
	s0 =	simm.s32 @!p2 $0x0  }
0x16: {  	s3 =	sld [smem:$0x3FDB];
	s0 =	simm.s32 @p2 $0x1  }
0x17: {  	s4 =	simm.s32 $0x1BF5;
	[smem:$0x3FBB] =	sst s0  }
0x18: {  	s0 =	sld [smem:$0x3F9E];
	_ =	swait.ge [sflag:s4], $0x0  }
0x19: {  	s7 =	sld [smem:$0x3F9F]  }
0x1a: {  	s8 =	sadd.s32 $0xFFFFE003, lr  }
0x1b: {  	s9 =	sadd.s32 $0xFFFFFEF7, lr;
	s5 =	simm.s32 $0xFFFFFFFF;
	p2 =	slt.u32 s8, $0xFFFFF086  }
0x1c: {  	p1 =	slt.u32 s9, $0xF7A;
	s5 =	simm.s32 @!p2 $0x0  }
0x1d: {  	s5 =	simm.s32 @p1 $0x1;
	p0 =	seq.s32 s7, s2  }
0x1e: {  	s7 =	smul.u32 @!p0 $0xF7A, s2;
	p2 =	seq.s32 @!p0 s5, $0x0  }
0x1f: {  	s9 =	smul.u32 $0xF7A, s1;
	s8 =	simm.s32 @!p0 $0x1BF5;
	p2 =	por !p2, p0  }
0x20: {  	[sflag:s8] =	ssyncset.s32 @!p0 $0xFFFFF086;
	s6 =	sadd.s32 @!p0 s3, s7;
	s7 =	simm.s32 @!p0 $0x108  }
0x21: {  	s3 =	sadd.s32 s3, s9;
	s6 =	sadd.s32 @!p0 $0x88, s6;
	s7 =	simm.s32 @p2 $0x1082  }
0x22: {  	[simem:s7], [sflag:s8] =	dma.local @!p0 [hbm:s6], $0xF7A  }
0x23: {  	s9 =	sor.u32 $0xD0000000, s2;
	s6 =	simm.s32 $0x108;
	_ =	swait.ge @!p0 [sflag:s8], $0x0  }
0x24: {  	s3 =	sadd.s32 $0x88, s3;
	s6 =	simm.s32 @!p1 $0x1082;
	[sflag:s4] =	ssyncset.s32 $0xFFFFF086  }
0x25: {  	[simem:s6], [sflag:s4] =	dma.local [hbm:s3], $0xF7A  }
0x26: {  	[smem:$0x3F9F] =	sst s1;
	(tag) =	ssettag s2;
	_ =	strace s9  }
0x27: {  	s1 =	sld [smem:$0x3FAF]  }
0x28: {  	s2 =	sld [smem:$0x3FB0]  }
0x29: {  	s4 =	sld [smem:$0x3FB2]  }
0x2a: {  	p0 =	seq.s32 s5, $0x0;
	s5 =	sld [smem:$0x3FB3]  }
0x2b: {  	s6 =	sld [smem:$0x3FB4]  }
0x2c: {  	s7 =	sld [smem:$0x3FB5]  }
0x2d: {  	s3 =	simm.s32 $0x108;
	s8 =	sld [smem:$0x3FB6]  }
0x2e: {  	s3 =	simm.s32 @!p0 $0x1082;
	s9 =	sld [smem:$0x3FB7]  }
0x2f: {  	lr =	sadd.s32 s0, s3;
	s0 =	sld [smem:$0x3FAE]  }
0x30: {  	s3 =	sld [smem:$0x3FB1]  }
0x31: {  	[smem:$0x3FBA] =	sst s10  }
0x32: {  	s10 =	sld [smem:$0x3FB8];
	_ =	sdelay $0x3  }
0x33: {  	p0 =	seq.s32 s10, $0x1;
	s10 =	sld [smem:$0x3FBA];
	_ =	sdelay $0x3  }
0x34: {  	[smem:$0x3FBA] =	sst s10  }
0x35: {  	s10 =	sld [smem:$0x3FB9];
	_ =	sdelay $0x3  }
0x36: {  	p1 =	seq.s32 s10, $0x1;
	s10 =	sld [smem:$0x3FBA];
	_ =	sdelay $0x3  }
0x37: {  	[smem:$0x3FBA] =	sst s10  }
0x38: {  	s10 =	sld [smem:$0x3FBB]  }
0x39: {  	_ = 	snop;
	(pc) =	sbr.ind lr, $3  }
0x3a: {  	_ = 	snop  }
0x3b: {  	_ = 	snop  }
0x3c: {  	p2 =	seq.s32 s10, $0x1;
	s10 =	sld [smem:$0x3FBA]  }
0x3d: {  	_ =	shalt  }
0x3e: {  	_ =	shalt  }
0x3f: {  	_ =	shalt  }
0x40: {  	_ =	shalt  }
0x41: {  	_ =	shalt  }
0x42: {  	_ =	shalt  }
0x43: {  	_ =	shalt  }
0x44: {  	_ =	shalt  }
0x45: {  	_ =	shalt  }
0x46: {  	_ =	shalt  }
0x47: {  	_ =	shalt  }
0x48: {  	_ =	shalt  }
0x49: {  	_ =	shalt  }
0x4a: {  	_ =	shalt  }
0x4b: {  	_ =	shalt  }
0x4c: {  	_ =	shalt  }
0x4d: {  	_ =	shalt  }
0x4e: {  	_ =	shalt  }
0x4f: {  	_ =	shalt  }
0x50: {  	_ =	shalt  }
0x51: {  	_ =	shalt  }
0x52: {  	_ =	shalt  }
0x53: {  	_ =	shalt  }
0x54: {  	_ =	shalt  }
0x55: {  	_ =	shalt  }
0x56: {  	_ =	shalt  }
0x57: {  	_ =	shalt  }
0x58: {  	_ =	shalt  }
0x59: {  	_ =	shalt  }
0x5a: {  	_ =	shalt  }
0x5b: {  	_ =	shalt  }
0x5c: {  	_ =	shalt  }
0x5d: {  	_ =	shalt  }
0x5e: {  	_ =	shalt  }
0x5f: {  	_ =	shalt  }
0x60: {  	_ =	shalt  }
0x61: {  	_ =	shalt  }
0x62: {  	_ =	shalt  }
0x63: {  	_ =	shalt  }
0x64: {  	_ =	shalt  }
0x65: {  	_ =	shalt  }
0x66: {  	_ =	shalt  }
0x67: {  	_ =	shalt  }
0x68: {  	_ =	shalt  }
0x69: {  	_ =	shalt  }
0x6a: {  	_ =	shalt  }
0x6b: {  	_ =	shalt  }
0x6c: {  	_ =	shalt  }
0x6d: {  	_ =	shalt  }
0x6e: {  	_ =	shalt  }
0x6f: {  	_ =	shalt  }
0x70: {  	_ =	shalt  }
0x71: {  	_ =	shalt  }
0x72: {  	_ =	shalt  }
0x73: {  	_ =	shalt  }
0x74: {  	_ =	shalt  }
0x75: {  	_ =	shalt  }
0x76: {  	_ =	shalt  }
0x77: {  	_ =	shalt  }
0x78: {  	_ =	shalt  }
0x79: {  	_ =	shalt  }
0x7a: {  	_ =	shalt  }
0x7b: {  	_ =	shalt  }
0x7c: {  	_ =	shalt  }
0x7d: {  	_ =	shalt  }
0x7e: {  	_ =	shalt  }
0x7f: {  	_ =	shalt  }
0x80: {  	_ =	shalt  }
0x81: {  	_ =	shalt  }
0x82: {  	_ =	shalt  }
0x83: {  	_ =	shalt  }
0x84: {  	_ =	shalt  }
0x85: {  	_ =	shalt  }
0x86: {  	_ =	shalt  }
0x87: {  	_ =	shalt  }
.Lfunc_end0:
.L_simem_size_0:
called_computation_lowered:
.L_overlay_start_0:
0x88: {  	s2 =	sld [smem:$0x3FD9]  }
0x89: {  	s3 =	sld [smem:$0x3FFE];
	_ =	sdelay $0x1  }
0x8a: {  	s1 =	srdreg.scid  }
0x8b: {  	s0 =	sand.u32 $0x1, s1  }
0x8c: {  	s17 =	sshll.u32 s0, $0xA;
	s2 =	sadd.s32 s3, s2  }
0x8d: {  	s2 =	sadd.s32 s2, s17  }
0x8e: {  	[smem:$0x3FC6] =	sst s2  }
0x8f: {  	_ = 	snop  }
0x90: {  	s2 =	sld [smem:$0x3FC8]  }
0x91: {  	s18 =	sld [smem:$0x3FD0];
	(tm) =	ssettm $0x1  }
0x92: {  	s4 =	sld [smem:$0x3FFB];
	_ =	sdelay $0x3  }
0x93: {  	_ =	strace s4  }
0x94: {  	s4 =	sld [smem:$0x3FFC];
	_ =	sdelay $0x3  }
0x95: {  	_ =	strace s4  }
0x96: {  	s4 =	sld [smem:$0x3FFD];
	_ =	sdelay $0x3  }
0x97: {  	_ =	strace s4  }
0x98: {  	_ =	strace $0x8FFFFFFF  }
0x99: {  	s19 =	sld [smem:$0x3FDB];
	_ =	sdelay $0x1  }
0x9a: {  	s5 =	simm.s32 $_scs_section_size  }
0x9b: {  	s6 =	simm.s32 $_size__tile_overlayer_lowered;
	s7 =	simm.s32 $_tile_overlayer_lowered  }
0x9c: {  	s22 =	simm.s32 $0x1BFF;
	s21 =	sshll.u32 s7, $0x1;
	s4 =	sadd.s32 s5, s19  }
0x9d: {  	s8 =	simm.s32 $0x0;
	s20 =	sshll.u32 s6, $0x1;
	s6 =	sadd.s32 s21, s4  }
0x9e: {  	[timem:s8], [sflag:s22] =	dma.local [hbm:s6], s20  }
0x9f: {  	_ =	swait.ge [sflag:s22], s20  }
0xa0: {  	s5 =	ssub.s32 $0x0, s20;
	[sflag:s22] =	ssyncset.done $0x0  }
0xa1: {  	[sflag:s22] =	ssyncadd.s32 s5;
	_ =	sdelay $0x1  }
0xa2: {  	s23 =	simm.s32 $0x1B8B  }
0xa3: {  	_ =	swait.ge [sflag:s23], $0x1  }
0xa4: {  	[sflag:s23] =	ssyncset.done $0x0  }
0xa5: {  	s25 =	simm.s32 $0x1B8E;
	s24 =	sld [smem:$0x3FFE];
	[sflag:s23] =	ssyncadd.s32 $0xFFFFFFFF  }
0xa6: {  	s26 =	simm.s32 $execute0_lowered;
	[smem:$0x3FD2] =	sst s25  }
0xa7: {  	s6 =	sshll.u32 s26, $0x1;
	_ =	strace $0x80000046;
	[dreg:$0x1] =	wrdreg $0xFFFFFFFF  }
0xa8: {  	s28 =	simm.s32 $_size_execute0_lowered;
	s4 =	sadd.s32 s4, s6;
	[dreg:$0x0] =	wrdreg $0x0  }
0xa9: {  	s6 =	sshll.u32 s28, $0x1;
	[dreg:$0x2] =	wrdreg s4  }
0xaa: {  	[dreg:$0x3] =	wrdreg s6  }
0xab: {  	[dreg:$0x4] =	wrdreg $0xC0  }
0xac: {  	_ =	task [dreg:s8], $0x5FFFF  }
0xad: {  	[dreg:$0x1] =	wrdreg $0xFFFFFFFF  }
0xae: {  	[dreg:$0x0] =	wrdreg $0x60  }
0xaf: {  	[dreg:$0x2] =	wrdreg s2  }
0xb0: {  	[dreg:$0x3] =	wrdreg s18  }
0xb1: {  	[dreg:$0x4] =	wrdreg s24  }
0xb2: {  	[dreg:$0x5] =	wrdreg $0x9  }
0xb3: {  	_ =	task.clear_ibuf [dreg:s8], $0x6FFFF;
	_ =	strace $0x90000046  }
0xb4: {  	s29 =	simm.s32 $0x9;
	_ =	strace $0x80000048  }
0xb5: {  	_ =	swait.ge [sflag:s29], $0x1  }
0xb6: {  	[sflag:s29] =	ssyncadd.s32 $0xFFFFFFFF  }
0xb7: {  	_ =	strace $0x90000048  }
0xb8: {  	_ =	sfence  }
0xb9: {  	s30 =	sld [smem:$0x0];
	_ =	sdelay $0x2  }
0xba: {  	s31 =	sshll.u32 s1, $0xD;
	s1 =	sshrl.u32 s1, $0x2  }
0xbb: {  	s3 =	sand.u32 $0x4000, s31;
	s1 =	sadd.s32 s1, s30  }
0xbc: {  	s0 =	sor.u32 s3, s0;
	s1 =	sshll.u32 s1, $0x11  }
0xbd: {  	s0 =	sor.u32 s1, s0  }
0xbe: {  	s0 =	sadd.s32 $0x8F2B, s0  }
0xbf: {  	[sflag:s0] =	ssyncadd.remote.s32 $0x1  }
0xc0: {  	_ =	sfence.sel $0xFFFF  }
0xc1: {  	[dreg:$0x0] =	wrdreg $0xFFFFFFFF;
	(pc) =	sbr.abs _section_cstart, $3  }
0xc2: {  	[dreg:$0x1] =	wrdreg $0xFFFFFFFF  }
0xc3: {  	_ =	task.clear_ibuf [dreg:s8], $0x2FFFF;
	_ =	strace $0x9FFFFFFF  }
0xc4: {  	(tm) =	ssettm $0x7FFFFFFF  }
0xc5: {  	_ =	shalt  }
tec
execute0_lowered:
.L_overlay_start_1:
0x0: {  	(tag) =	ssettag $0x1  }
0x1: {  	s1 =	rddreg [dreg:$0x0]  }
0x2: {  	s2 =	rddreg [dreg:$0x1]  }
0x3: {  	s9 =	rddreg [dreg:$0x2];
	s5 =	srdreg.scid;
	s4 =	simm.s32 $0x0  }
0x4: {  	s3 =	stileid.u32;
	s11 =	simm.s32 $0x400;
	s12 =	simm.s32 $0x7A1400  }
0x5: {  	s13 =	simm.s32 $0x1;
	s14 =	simm.s32 $0x2000;
	s15 =	simm.s32 $0x2  }
0x6: {  	s16 =	simm.s32 $0x1000;
	s17 =	simm.s32 $0x3000;
	s18 =	simm.s32 $0x4  }
0x7: {  	s19 =	simm.s32 $0x0;
	s5 =	sand.u32 $0x1, s5;
	[smem:$0x7FF] =	sst s4  }
.Ltmp0:
0x8: {  	s6 =	sshll.u32 s3, $0x1;
	p0 =	sgt.u32 s3, $0x1;
	(pc) =	sbr.rel .LBB2_1-.Ltmp0, $4  }
0x9: {  	v0 =	vlaneseq.u32;
	s7 =	ssub.s32 $0x2, s5;
	_ =	strace $0x80000047;
	s5 =	sor.u32 s5, s6  }
0xa: {  	v0 =	vmul.u32 $0x80, v0;
	s6 =	sadd.s32 $0x800, s9;
	s9 =	sadd.s32 $0x3D1000, s9;
	s8 =	sshrl.u32 s7, $0x1  }
0xb: {  	s31 =	sshll.u32 s5, $0x7;
	p1 =	sne.s32 s5, $0x0;
	s10 =	ssub.s32 s7, s8  }
0xc: {  	v1 =	vor.u32 $0x800, v0;
	s7 =	sadd.s32 s1, s31;
	s8 =	sor.u32 $0x40, s5;
	s10 =	smax.u32 s10, $0x1  }
.LBB2_10:
0xd: {  	_ =	swait.ge [sflag:s18], $0x1000  }
0xe: {  	[sflag:s18] =	ssyncset.done $0x0  }
0xf: {  	s0 =	simm.s32 @!p0 $0x3;
	[sflag:s18] =	ssyncadd.s32 $0xFFFFF000  }
0x10: {  	_ =	swait.ge @!p0 [sflag:s0], $0x1000  }
0x11: {  	s20 =	simm.s32 @!p1 $0x2000;
	[sflag:s0] =	ssyncset.done @!p0 $0x0  }
0x12: {  	s21 =	simm.s32 @!p1 $0x5;
	[sflag:s0] =	ssyncadd.s32 @!p0 $0xFFFFF000;
	s0 =	simm.s32 @!p1 $0x0  }
0x13: {  	[tilespmem:s20], [sflag:$0x5] =	stream.linear.gather @!p1 [hbm4b:s2+s0], $0x800, $0x38;
	[tilespmem:$0x4000] =	vst v63  }
0x14: {  	s19 =	sadd.s32 $0x1, s19;
	_ =	swait.ge @!p1 [sflag:s21], $0x800  }
0x15: {  	p2 =	sne.s32 s19, s10;
	[sflag:s21] =	ssyncset.done @!p1 $0x0  }
.Ltmp1:
0x16: {  	[sflag:s21] =	ssyncadd.s32 @!p1 $0xFFFFF800;
	(pc) =	sbr.rel @!p2 .LBB2_11-.Ltmp1, $4  }
0x17: {  	[hbm4b:s9+s0] =	stream.linear.scatter @!p1 [tilespmem:s20], [sflag:$0x5], $0x800, $0x38;
	[tilespmem:$0x4000] =	vst v63  }
0x18: {  	_ =	swait.ge @!p1 [sflag:s21], $0x800  }
0x19: {  	[sflag:s21] =	ssyncset.done @!p1 $0x0  }
0x1a: {  	[sflag:s21] =	ssyncadd.s32 @!p1 $0xFFFFF800  }
.LBB2_1:
.Ltmp2:
0x1b: {  	(pc) =	sbr.rel .LBB2_2-.Ltmp2, $3  }
0x1c: {  	_ =	sdelay $0x1  }
0x1d: {  	[tilespmem:s4], [sflag:$0x1] =	stream.strided.gather [hbm4b:s7+s11], $0x1000, s12, s11, $0x38;
	[tilespmem:$0x4000] =	vst v63  }
0x1e: {  	s20 =	simm.s32 $0x0  }
.LBB2_9:
0x1f: {  	s20 =	sadd.s32 $0x1, s20  }
0x20: {  	p2 =	sne.s32 s20, $0x7B  }
.Ltmp3:
0x21: {  	_ = 	snop;
	(pc) =	sbr.rel @!p2 .LBB2_10-.Ltmp3, $1  }
0x22: {  	_ =	sdelay $0x3  }
.LBB2_2:
0x23: {  	s22 =	sshll.u32 s20, $0x6  }
0x24: {  	s23 =	sor.u32 s5, s22  }
0x25: {  	p2 =	sgt.u32 s23, $0x1E83  }
.Ltmp4:
0x26: {  	_ = 	snop;
	(pc) =	sbr.rel @p2 .LBB2_9-.Ltmp4, $1  }
0x27: {  	_ =	sdelay $0x3  }
0x28: {  	s21 =	sor.u32 $0x20, s23;
	s25 =	simm.s32 $0x5  }
0x29: {  	s28 =	simm.s32 $0x1;
	s30 =	simm.s32 $0x4;
	p3 =	sgt.u32 s21, $0x1E83  }
0x2a: {  	v2 =	vmov s25;
	v3 =	vmov s28;
	s28 =	simm.s32 $0x2;
	s24 =	sshll.u32 @!p3 s21, $0x7;
	s26 =	simm.s32 @!p3 $0x400  }
0x2b: {  	s25 =	simm.s32 @!p3 $0x7A1400;
	s29 =	simm.s32 @!p3 $0x1000;
	v2 =	vand.u32 $0x7D, v2;
	s24 =	sadd.s32 @!p3 s1, s24  }
0x2c: {  	v3 =	vand.u32 $0x79, v3;
	v2 =	vbroadcast v2, $0x0;
	[tilespmem:s29], [sflag:$0x2] =	stream.strided.gather @!p3 [hbm4b:s24+s26], $0x1000, s25, s26, $0x38;
	[tilespmem:$0x4000] =	vst v63  }
0x2d: {  	v8 =	vmov s30;
	v4 =	vmov s28;
	v5 =	vbroadcast v3, $0x0;
	s29 =	simm.s32 $0x3;
	_ =	swait.ge [sflag:s13], $0x1000  }
0x2e: {  	p2 =	seq.s32 s20, $0x0;
	v4 =	vand.u32 $0x7A, v4;
	v3 =	vmov s29;
	v6 =	vor.u32 v1, v2;
	[sflag:s13] =	ssyncset.done $0x0  }
0x2f: {  	v4 =	vbroadcast v4, $0x0;
	s25 =	simm.s32 @!p2 $0x3;
	v7 =	vor.u32 v1, v5;
	v3 =	vand.u32 $0x7B, v3;
	[sflag:s13] =	ssyncadd.s32 $0xFFFFF000  }
0x30: {  	s31 =	simm.s32 $0x6;
	v2 =	vor.u32 v0, v2;
	v9 =	vbroadcast v3, $0x0;
	v3 =	vand.u32 $0x7C, v8;
	_ =	swait.ge @!p2 [sflag:s25], $0x1000  }
0x31: {  	v10 =	vor.u32 v1, v4;
	v8 =	vmov s31;
	v3 =	vbroadcast v3, $0x0;
	[sflag:s25] =	ssyncset.done @!p2 $0x0  }
0x32: {  	s0 =	simm.s32 $0x7;
	v8 =	vand.u32 $0x7E, v8;
	v11 =	vor.u32 v0, v9;
	[sflag:s25] =	ssyncadd.s32 @!p2 $0xFFFFF000  }
0x33: {  	v12 =	vmov s0;
	v8 =	vbroadcast v8, $0x0;
	v13 =	vor.u32 v0, v3;
	v14 =	vld.idx.msk [tilespmem:v6+s4+$0x0], $0xffff  }
0x34: {  	s26 =	simm.s32 $0x0;
	v6 =	vand.u32 $0x7F, v12;
	v25 =	vld.idx.msk [tilespmem:v7+s4+$0x0], $0xffff;
	v7 =	vor.u32 v1, v3  }
0x35: {  	v3 =	vmov s26;
	v12 =	vor.u32 v1, v8;
	v17 =	vld.idx.msk [tilespmem:v2+s4+$0x0], $0xffff;
	v6 =	vbroadcast v6, $0x0  }
0x36: {  	v16 =	vor.u32 v0, v5;
	v5 =	vor.u32 v0, v8;
	v2 =	vand.u32 $0x78, v3;
	v3 =	vld.idx.msk [tilespmem:v10+s4+$0x0], $0xffff  }
0x37: {  	s0 =	simm.s32 $0xE;
	v2 =	vbroadcast v2, $0x0;
	v10 =	vor.u32 v1, v6;
	v18 =	vld.idx.msk [tilespmem:v11+s4+$0x0], $0xffff  }
0x38: {  	v20 =	vmov s0;
	s29 =	simm.s32 $0x8;
	v4 =	vor.u32 v0, v4;
	v6 =	vor.u32 v0, v6;
	v13 =	vld.idx.msk [tilespmem:v13+s4+$0x0], $0xffff  }
0x39: {  	s30 =	simm.s32 $0xA;
	s31 =	simm.s32 $0xD;
	v8 =	vor.u32 v1, v9;
	v9 =	vmov s29;
	v15 =	vor.u32 v1, v2;
	v19 =	vld.idx.msk [tilespmem:v7+s4+$0x0], $0xffff  }
0x3a: {  	s28 =	simm.s32 $0x9;
	v11 =	vmov s31;
	v7 =	vand.u32 $0x78, v9;
	v9 =	vmov s30;
	v12 =	vld.idx.msk [tilespmem:v12+s4+$0x0], $0xffff  }
0x3b: {  	v21 =	vmov s28;
	v11 =	vand.u32 $0x7D, v11;
	v23 =	vld.idx.msk [tilespmem:v5+s4+$0x0], $0xffff;
	v5 =	vand.u32 $0x7A, v9  }
0x3c: {  	s24 =	simm.s32 $0x2080;
	v22 =	vld.idx.msk [tilespmem:v10+s4+$0x0], $0xffff;
	v10 =	vand.u32 $0x7E, v20;
	v20 =	vand.u32 $0x79, v21;
	v21 =	vbroadcast v11, $0x0  }
0x3d: {  	s29 =	simm.s32 $0xB;
	v2 =	vor.u32 v0, v2;
	v5 =	vbroadcast v5, $0x0;
	v11 =	vld.idx.msk [tilespmem:v6+s4+$0x0], $0xffff;
	[tilespmem:s24+$0x30] =	vst v14;
	v24 =	vbroadcast v10, $0x0  }
0x3e: {  	s30 =	simm.s32 $0xC;
	v20 =	vbroadcast v20, $0x0;
	v10 =	vld.idx.msk [tilespmem:v15+s4+$0x0], $0xffff;
	[tilespmem:s24+$0x0] =	vst v13;
	v13 =	vmov s29;
	v26 =	vor.u32 v1, v21  }
0x3f: {  	v14 =	vmov s30;
	v15 =	vld.idx.msk [tilespmem:v4+s4+$0x0], $0xffff;
	[tilespmem:s24+$0x10] =	vst v19;
	v13 =	vand.u32 $0x7B, v13;
	v19 =	vor.u32 v0, v21  }
0x40: {  	v27 =	vor.u32 v1, v20;
	v4 =	vbroadcast v13, $0x0;
	v13 =	vld.idx.msk [tilespmem:v8+s4+$0x0], $0xffff;
	v8 =	vand.u32 $0x7C, v14  }
0x41: {  	v16 =	vld.idx.msk [tilespmem:v16+s4+$0x0], $0xffff;
	s31 =	simm.s32 $0xF;
	v9 =	vbroadcast v7, $0x0;
	v21 =	vor.u32 v1, v5;
	[tilespmem:s24+$0x50] =	vst v12;
	v8 =	vbroadcast v8, $0x0  }
0x42: {  	v6 =	vld.idx.msk [tilespmem:v2+s4+$0x0], $0xffff;
	[tilespmem:s24+$0x40] =	vst v23;
	v2 =	vor.u32 v0, v20;
	v14 =	vmov s31;
	v20 =	vor.u32 v0, v4  }
0x43: {  	v7 =	vor.u32 v1, v24;
	[tilespmem:s24+$0x70] =	vst v22;
	v22 =	vand.u32 $0x7F, v14;
	v23 =	vor.u32 v0, v8;
	v12 =	vld.idx.msk [tilespmem:v26+s4+$0x0], $0xffff  }
0x44: {  	[tilespmem:s24+$0x20] =	vst v17;
	v14 =	vor.u32 v0, v24;
	v24 =	vbroadcast v22, $0x0;
	v22 =	vor.u32 v1, v8;
	v8 =	vld.idx.msk [tilespmem:v19+s4+$0x0], $0xffff  }
0x45: {  	v5 =	vor.u32 v0, v5;
	[tilespmem:s24+$0xFFFFFFE0] =	vst v18;
	v18 =	vor.u32 v1, v9;
	v17 =	vld.idx.msk [tilespmem:v27+s4+$0x0], $0xffff  }
0x46: {  	s28 =	simm.s32 $0x10;
	s25 =	simm.s32 $0x2180;
	s26 =	simm.s32 $0x2;
	[tilespmem:s24+$0xFFFFFFB0] =	vst v25;
	v4 =	vor.u32 v1, v4;
	v19 =	vld.idx.msk [tilespmem:v21+s4+$0x0], $0xffff;
	v21 =	vor.u32 v1, v24  }
.LBB2_4:
0x47: {  	v25 =	vmov s28;
	s29 =	sadd.s32 $0x2, s28;
	s30 =	sadd.s32 $0x5, s28;
	s31 =	sadd.s32 $0x6, s28;
	v26 =	vor.u32 v0, v9;
	v27 =	vld.idx.msk [tilespmem:v20+s4+$0x0], $0xffff;
	v20 =	vor.u32 v0, v24;
	[tilespmem:s24+$0xFFFFFFD0] =	vst v3  }
0x48: {  	s0 =	sadd.s32 $0x1, s28;
	s26 =	sadd.s32 $0x2, s26;
	v3 =	vand.u32 $0x78, v25;
	v9 =	vmov s29;
	v24 =	vmov s31;
	v23 =	vld.idx.msk [tilespmem:v23+s4+$0x0], $0xffff;
	[tilespmem:s24+$0x60] =	vst v11  }
0x49: {  	v11 =	vmov s0;
	v25 =	vmov s30;
	p4 =	slt.u32 s26, $0x1E;
	v9 =	vand.u32 $0x7A, v9;
	v22 =	vld.idx.msk [tilespmem:v22+s4+$0x0], $0xffff;
	[tilespmem:s24+$0xFFFFFFC0] =	vst v15  }
0x4a: {  	v24 =	vand.u32 $0x7E, v24;
	v28 =	vmovc v17;
	v15 =	vbroadcast v9, $0x0;
	v9 =	vand.u32 $0x7D, v25;
	v25 =	vld.idx.msk [tilespmem:v7+s4+$0x0], $0xffff;
	[tilespmem:s24+$0xFFFFFF90] =	vst v10  }
0x4b: {  	v7 =	vand.u32 $0x79, v11;
	v24 =	vbroadcast v24, $0x0;
	v17 =	vbroadcast v9, $0x0;
	v21 =	vld.idx.msk [tilespmem:v21+s4+$0x0], $0xffff;
	[tilespmem:s24+$0xFFFFFFA0] =	vst v16  }
0x4c: {  	s0 =	sadd.s32 $0x3, s28;
	v9 =	vbroadcast v3, $0x0;
	v10 =	vbroadcast v7, $0x0;
	v3 =	vmov v19;
	v29 =	vld.idx.msk [tilespmem:v14+s4+$0x0], $0xffff;
	[tilespmem:s24+$0xFFFFFF80] =	vst v6  }
0x4d: {  	v6 =	vmov s0;
	v7 =	vor.u32 v1, v24;
	v19 =	vor.u32 v1, v17;
	v11 =	vld.idx.msk [tilespmem:v20+s4+$0x0], $0xffff;
	[tilespmem:s24+$0xFFFFFFF0] =	vst v13;
	s24 =	smov.u32 s25  }
0x4e: {  	s0 =	sadd.s32 $0x4, s28;
	v30 =	vor.u32 v0, v10;
	v31 =	vor.u32 v1, v10;
	v6 =	vand.u32 $0x7B, v6;
	v10 =	vld.idx.msk [tilespmem:v18+s4+$0x0], $0xffff;
	[tilespmem:s25+$0x0] =	vst v23  }
0x4f: {  	v13 =	vmov s0;
	v18 =	vor.u32 v0, v15;
	v16 =	vbroadcast v6, $0x0;
	v6 =	vld.idx.msk [tilespmem:v26+s4+$0x0], $0xffff;
	[tilespmem:s25+$0x10] =	vst v22  }
0x50: {  	v32 =	vor.u32 v0, v17;
	v13 =	vand.u32 $0x7C, v13;
	v26 =	vor.u32 v1, v15;
	v15 =	vld.idx.msk [tilespmem:v5+s4+$0x0], $0xffff;
	[tilespmem:s25+$0x30] =	vst v12  }
0x51: {  	v14 =	vor.u32 v0, v24;
	s0 =	sadd.s32 $0x7, s28;
	v22 =	vbroadcast v13, $0x0;
	v20 =	vor.u32 v0, v16;
	v13 =	vld.idx.msk [tilespmem:v4+s4+$0x0], $0xffff;
	[tilespmem:s25+$0x50] =	vst v25  }
.Ltmp5:
0x52: {  	v17 =	vmov s0;
	v5 =	vmovc v18;
	v4 =	vor.u32 v1, v16;
	v16 =	vld.idx.msk [tilespmem:v2+s4+$0x0], $0xffff;
	[tilespmem:s25+$0x70] =	vst v21;
	v2 =	vmov v30;
	(pc) =	sbr.rel @p4 .LBB2_4-.Ltmp5, $4  }
0x53: {  	v18 =	vand.u32 $0x7F, v17;
	v23 =	vor.u32 v0, v22;
	v12 =	vld.idx.msk [tilespmem:v19+s4+$0x0], $0xffff;
	[tilespmem:s25+$0x20] =	vst v8  }
0x54: {  	v22 =	vor.u32 v1, v22;
	v24 =	vbroadcast v18, $0x0;
	v17 =	vld.idx.msk [tilespmem:v31+s4+$0x0], $0xffff;
	[tilespmem:s25+$0x40] =	vst v29  }
0x55: {  	v8 =	vld.idx.msk [tilespmem:v32+s4+$0x0], $0xffff;
	[tilespmem:s25+$0xFFFFFFE0] =	vst v27  }
0x56: {  	s28 =	sadd.s32 $0x8, s28;
	v18 =	vor.u32 v1, v9;
	v21 =	vor.u32 v1, v24;
	s25 =	sadd.s32 $0x100, s25;
	v19 =	vld.idx.msk [tilespmem:v26+s4+$0x0], $0xffff;
	[tilespmem:s24+$0xFFFFFFB0] =	vst v28  }
0x57: {  	_ =	sdelay $0x1  }
0x58: {  	[tilespmem:s24+$0xFFFFFFD0] =	vst v3  }
0x59: {  	[tilespmem:s24+$0x60] =	vst v11  }
0x5a: {  	v3 =	vor.u32 v0, v24;
	v23 =	vld.idx.msk [tilespmem:v23+s4+$0x0], $0xffff;
	[tilespmem:s24+$0xFFFFFFC0] =	vst v15  }
0x5b: {  	v60 =	vld.idx.msk [tilespmem:v22+s4+$0x0], $0xffff;
	[tilespmem:s24+$0xFFFFFF90] =	vst v10  }
0x5c: {  	v7 =	vld.idx.msk [tilespmem:v7+s4+$0x0], $0xffff;
	[tilespmem:s24+$0xFFFFFFA0] =	vst v16  }
0x5d: {  	v61 =	vld.idx.msk [tilespmem:v21+s4+$0x0], $0xffff;
	[tilespmem:s24+$0xFFFFFF80] =	vst v6  }
0x5e: {  	v14 =	vld.idx.msk [tilespmem:v14+s4+$0x0], $0xffff;
	[tilespmem:s24+$0xFFFFFFF0] =	vst v13  }
0x5f: {  	v3 =	vld.idx.msk [tilespmem:v3+s4+$0x0], $0xffff;
	[tilespmem:s25+$0x0] =	vst v23  }
0x60: {  	[tilespmem:s25+$0x10] =	vst v60  }
0x61: {  	v9 =	vor.u32 v0, v9;
	v62 =	vld.idx.msk [tilespmem:v20+s4+$0x0], $0xffff;
	[tilespmem:s25+$0x30] =	vst v12  }
0x62: {  	v63 =	vld.idx.msk [tilespmem:v18+s4+$0x0], $0xffff;
	[tilespmem:s25+$0x50] =	vst v7  }
0x63: {  	v5 =	vld.idx.msk [tilespmem:v5+s4+$0x0], $0xffff;
	[tilespmem:s25+$0x70] =	vst v61  }
0x64: {  	v4 =	vld.idx.msk [tilespmem:v4+s4+$0x0], $0xffff;
	[tilespmem:s25+$0x20] =	vst v8  }
0x65: {  	v2 =	vld.idx.msk [tilespmem:v2+s4+$0x0], $0xffff;
	[tilespmem:s25+$0x40] =	vst v14  }
0x66: {  	v9 =	vld.idx.msk [tilespmem:v9+s4+$0x0], $0xffff;
	[tilespmem:s25+$0xFFFFFFE0] =	vst v62  }
0x67: {  	[tilespmem:s25+$0xFFFFFFB0] =	vst v17  }
0x68: {  	[tilespmem:s25+$0xFFFFFFD0] =	vst v19  }
0x69: {  	[tilespmem:s25+$0xFFFFFFC0] =	vst v5  }
0x6a: {  	[tilespmem:s25+$0xFFFFFF90] =	vst v63  }
.Ltmp6:
0x6b: {  	[tilespmem:s25+$0xFFFFFFA0] =	vst v2;
	(pc) =	sbr.rel @p3 .LBB2_9-.Ltmp6, $4  }
0x6c: {  	[tilespmem:s25+$0xFFFFFFF0] =	vst v4  }
0x6d: {  	s0 =	sshll.u32 s23, $0x9;
	[tilespmem:s25+$0x60] =	vst v3  }
0x6e: {  	s0 =	sadd.s32 s6, s0;
	[tilespmem:s25+$0xFFFFFF80] =	vst v9  }
0x6f: {  	[hbm4b:s0+s4] =	stream.linear.scatter [tilespmem:s14], [sflag:$0x3], $0x1000, $0x38;
	[tilespmem:$0x4000] =	vst v63  }
0x70: {  	s0 =	sadd.s32 s8, s22;
	s25 =	simm.s32 $0x5;
	s24 =	simm.s32 $0x1  }
0x71: {  	s26 =	simm.s32 $0x2;
	s28 =	simm.s32 $0x3;
	p3 =	sgt.u32 s0, $0x1E83  }
0x72: {  	s29 =	simm.s32 $0x4;
	v2 =	vmov s25;
	s0 =	sshll.u32 @!p3 s0, $0x7;
	s23 =	simm.s32 @!p3 $0x400  }
0x73: {  	v3 =	vmov s24;
	s22 =	simm.s32 @!p3 $0x7A1400;
	s25 =	simm.s32 @!p3 $0x0;
	v2 =	vand.u32 $0x7D, v2;
	s0 =	sadd.s32 @!p3 s1, s0  }
0x74: {  	v4 =	vmov s26;
	v3 =	vand.u32 $0x79, v3;
	v2 =	vbroadcast v2, $0x0;
	[tilespmem:s25], [sflag:$0x1] =	stream.strided.gather @!p3 [hbm4b:s0+s23], $0x1000, s22, s23, $0x38;
	[tilespmem:$0x4000] =	vst v63  }
0x75: {  	v8 =	vmov s29;
	v5 =	vbroadcast v3, $0x0;
	v3 =	vmov s28;
	_ =	swait.ge [sflag:s15], $0x1000  }
0x76: {  	v4 =	vand.u32 $0x7A, v4;
	v3 =	vand.u32 $0x7B, v3;
	v6 =	vor.u32 v1, v2;
	[sflag:s15] =	ssyncset.done $0x0  }
0x77: {  	s30 =	simm.s32 $0x6;
	v4 =	vbroadcast v4, $0x0;
	s22 =	simm.s32 @!p2 $0x4;
	v7 =	vor.u32 v1, v5;
	v9 =	vbroadcast v3, $0x0;
	[sflag:s15] =	ssyncadd.s32 $0xFFFFF000  }
0x78: {  	v3 =	vand.u32 $0x7C, v8;
	v2 =	vor.u32 v0, v2;
	v8 =	vmov s30;
	_ =	swait.ge @!p2 [sflag:s22], $0x1000  }
0x79: {  	v10 =	vor.u32 v1, v4;
	v3 =	vbroadcast v3, $0x0;
	v8 =	vand.u32 $0x7E, v8;
	[sflag:s22] =	ssyncset.done @!p2 $0x0  }
0x7a: {  	s31 =	simm.s32 $0x7;
	v11 =	vor.u32 v0, v9;
	v8 =	vbroadcast v8, $0x0;
	[sflag:s22] =	ssyncadd.s32 @!p2 $0xFFFFF000  }
0x7b: {  	v12 =	vmov s31;
	v13 =	vor.u32 v0, v3;
	v14 =	vld.idx.msk [tilespmem:v6+s16+$0x0], $0xffff  }
0x7c: {  	v16 =	vor.u32 v0, v5;
	v5 =	vor.u32 v0, v8;
	s22 =	simm.s32 $0x0;
	v6 =	vand.u32 $0x7F, v12;
	v25 =	vld.idx.msk [tilespmem:v7+s16+$0x0], $0xffff  }
0x7d: {  	v7 =	vor.u32 v1, v3;
	v3 =	vmov s22;
	v17 =	vld.idx.msk [tilespmem:v2+s16+$0x0], $0xffff;
	v6 =	vbroadcast v6, $0x0  }
0x7e: {  	v12 =	vor.u32 v1, v8;
	v2 =	vand.u32 $0x78, v3;
	v3 =	vld.idx.msk [tilespmem:v10+s16+$0x0], $0xffff  }
0x7f: {  	s26 =	simm.s32 $0xE;
	v18 =	vld.idx.msk [tilespmem:v11+s16+$0x0], $0xffff;
	v2 =	vbroadcast v2, $0x0;
	v10 =	vor.u32 v1, v6  }
0x80: {  	v20 =	vmov s26;
	s23 =	simm.s32 $0x8;
	v4 =	vor.u32 v0, v4;
	v13 =	vld.idx.msk [tilespmem:v13+s16+$0x0], $0xffff;
	v6 =	vor.u32 v0, v6  }
0x81: {  	s24 =	simm.s32 $0xA;
	s25 =	simm.s32 $0xD;
	v8 =	vor.u32 v1, v9;
	v9 =	vmov s23;
	v23 =	vld.idx.msk [tilespmem:v5+s16+$0x0], $0xffff;
	v15 =	vor.u32 v1, v2  }
0x82: {  	s28 =	simm.s32 $0x9;
	v11 =	vmov s25;
	v19 =	vld.idx.msk [tilespmem:v7+s16+$0x0], $0xffff;
	v7 =	vand.u32 $0x78, v9;
	v9 =	vmov s24  }
0x83: {  	v21 =	vmov s28;
	v11 =	vand.u32 $0x7D, v11;
	v12 =	vld.idx.msk [tilespmem:v12+s16+$0x0], $0xffff;
	v5 =	vand.u32 $0x7A, v9  }
0x84: {  	s29 =	simm.s32 $0xB;
	s22 =	simm.s32 $0x3080;
	v22 =	vld.idx.msk [tilespmem:v10+s16+$0x0], $0xffff;
	v10 =	vand.u32 $0x7E, v20;
	v20 =	vand.u32 $0x79, v21;
	v21 =	vbroadcast v11, $0x0  }
0x85: {  	v2 =	vor.u32 v0, v2;
	v5 =	vbroadcast v5, $0x0;
	v11 =	vld.idx.msk [tilespmem:v6+s16+$0x0], $0xffff;
	[tilespmem:s22+$0x0] =	vst v13;
	v13 =	vmov s29  }
0x86: {  	s30 =	simm.s32 $0xC;
	[tilespmem:s22+$0x30] =	vst v14;
	v24 =	vbroadcast v10, $0x0;
	v20 =	vbroadcast v20, $0x0;
	v10 =	vld.idx.msk [tilespmem:v15+s16+$0x0], $0xffff;
	v26 =	vor.u32 v1, v21  }
0x87: {  	v14 =	vmov s30;
	v13 =	vand.u32 $0x7B, v13;
	v15 =	vld.idx.msk [tilespmem:v4+s16+$0x0], $0xffff;
	[tilespmem:s22+$0x10] =	vst v19;
	v19 =	vor.u32 v0, v21  }
0x88: {  	v4 =	vbroadcast v13, $0x0;
	v13 =	vld.idx.msk [tilespmem:v8+s16+$0x0], $0xffff;
	v8 =	vand.u32 $0x7C, v14;
	v27 =	vor.u32 v1, v20  }
0x89: {  	s31 =	simm.s32 $0xF;
	v16 =	vld.idx.msk [tilespmem:v16+s16+$0x0], $0xffff;
	v9 =	vbroadcast v7, $0x0;
	[tilespmem:s22+$0x40] =	vst v23;
	v21 =	vor.u32 v1, v5;
	v8 =	vbroadcast v8, $0x0  }
0x8a: {  	v6 =	vld.idx.msk [tilespmem:v2+s16+$0x0], $0xffff;
	[tilespmem:s22+$0x50] =	vst v12;
	v14 =	vmov s31;
	v2 =	vor.u32 v0, v20;
	v20 =	vor.u32 v0, v4  }
0x8b: {  	v7 =	vor.u32 v1, v24;
	[tilespmem:s22+$0x70] =	vst v22;
	v22 =	vand.u32 $0x7F, v14;
	v23 =	vor.u32 v0, v8;
	v12 =	vld.idx.msk [tilespmem:v26+s16+$0x0], $0xffff  }
0x8c: {  	[tilespmem:s22+$0x20] =	vst v17;
	v14 =	vor.u32 v0, v24;
	v24 =	vbroadcast v22, $0x0;
	v22 =	vor.u32 v1, v8;
	v8 =	vld.idx.msk [tilespmem:v19+s16+$0x0], $0xffff  }
0x8d: {  	v5 =	vor.u32 v0, v5;
	[tilespmem:s22+$0xFFFFFFE0] =	vst v18;
	v18 =	vor.u32 v1, v9;
	v17 =	vld.idx.msk [tilespmem:v27+s16+$0x0], $0xffff  }
0x8e: {  	s23 =	simm.s32 $0x3180;
	s25 =	simm.s32 $0x10;
	s24 =	simm.s32 $0x2;
	[tilespmem:s22+$0xFFFFFFB0] =	vst v25;
	v4 =	vor.u32 v1, v4;
	v19 =	vld.idx.msk [tilespmem:v21+s16+$0x0], $0xffff;
	v21 =	vor.u32 v1, v24  }
.LBB2_7:
0x8f: {  	v25 =	vmov s25;
	s0 =	sadd.s32 $0x2, s25;
	s26 =	sadd.s32 $0x5, s25;
	s28 =	sadd.s32 $0x6, s25;
	v26 =	vor.u32 v0, v9;
	v27 =	vld.idx.msk [tilespmem:v20+s16+$0x0], $0xffff;
	v20 =	vor.u32 v0, v24;
	[tilespmem:s22+$0xFFFFFFD0] =	vst v3  }
0x90: {  	s29 =	sadd.s32 $0x1, s25;
	s24 =	sadd.s32 $0x2, s24;
	v3 =	vand.u32 $0x78, v25;
	v9 =	vmov s0;
	v24 =	vmov s28;
	v23 =	vld.idx.msk [tilespmem:v23+s16+$0x0], $0xffff;
	[tilespmem:s22+$0x60] =	vst v11  }
0x91: {  	v11 =	vmov s29;
	v25 =	vmov s26;
	p2 =	slt.u32 s24, $0x1E;
	v9 =	vand.u32 $0x7A, v9;
	v22 =	vld.idx.msk [tilespmem:v22+s16+$0x0], $0xffff;
	[tilespmem:s22+$0xFFFFFFC0] =	vst v15  }
0x92: {  	v24 =	vand.u32 $0x7E, v24;
	v28 =	vmovc v17;
	v15 =	vbroadcast v9, $0x0;
	v9 =	vand.u32 $0x7D, v25;
	v25 =	vld.idx.msk [tilespmem:v7+s16+$0x0], $0xffff;
	[tilespmem:s22+$0xFFFFFF90] =	vst v10  }
0x93: {  	v7 =	vand.u32 $0x79, v11;
	v24 =	vbroadcast v24, $0x0;
	v17 =	vbroadcast v9, $0x0;
	v21 =	vld.idx.msk [tilespmem:v21+s16+$0x0], $0xffff;
	[tilespmem:s22+$0xFFFFFFA0] =	vst v16  }
0x94: {  	s0 =	sadd.s32 $0x3, s25;
	v9 =	vbroadcast v3, $0x0;
	v10 =	vbroadcast v7, $0x0;
	v3 =	vmov v19;
	v29 =	vld.idx.msk [tilespmem:v14+s16+$0x0], $0xffff;
	[tilespmem:s22+$0xFFFFFF80] =	vst v6  }
0x95: {  	v6 =	vmov s0;
	v7 =	vor.u32 v1, v24;
	v19 =	vor.u32 v1, v17;
	v11 =	vld.idx.msk [tilespmem:v20+s16+$0x0], $0xffff;
	[tilespmem:s22+$0xFFFFFFF0] =	vst v13;
	s22 =	smov.u32 s23  }
0x96: {  	s0 =	sadd.s32 $0x4, s25;
	v30 =	vor.u32 v0, v10;
	v31 =	vor.u32 v1, v10;
	v6 =	vand.u32 $0x7B, v6;
	v10 =	vld.idx.msk [tilespmem:v18+s16+$0x0], $0xffff;
	[tilespmem:s23+$0x0] =	vst v23  }
0x97: {  	v13 =	vmov s0;
	v18 =	vor.u32 v0, v15;
	v16 =	vbroadcast v6, $0x0;
	v6 =	vld.idx.msk [tilespmem:v26+s16+$0x0], $0xffff;
	[tilespmem:s23+$0x10] =	vst v22  }
0x98: {  	v32 =	vor.u32 v0, v17;
	v13 =	vand.u32 $0x7C, v13;
	v26 =	vor.u32 v1, v15;
	v15 =	vld.idx.msk [tilespmem:v5+s16+$0x0], $0xffff;
	[tilespmem:s23+$0x30] =	vst v12  }
0x99: {  	v14 =	vor.u32 v0, v24;
	s0 =	sadd.s32 $0x7, s25;
	v22 =	vbroadcast v13, $0x0;
	v20 =	vor.u32 v0, v16;
	v13 =	vld.idx.msk [tilespmem:v4+s16+$0x0], $0xffff;
	[tilespmem:s23+$0x50] =	vst v25  }
.Ltmp7:
0x9a: {  	v17 =	vmov s0;
	v5 =	vmovc v18;
	v4 =	vor.u32 v1, v16;
	v16 =	vld.idx.msk [tilespmem:v2+s16+$0x0], $0xffff;
	[tilespmem:s23+$0x70] =	vst v21;
	v2 =	vmov v30;
	(pc) =	sbr.rel @p2 .LBB2_7-.Ltmp7, $4  }
0x9b: {  	v18 =	vand.u32 $0x7F, v17;
	v23 =	vor.u32 v0, v22;
	v12 =	vld.idx.msk [tilespmem:v19+s16+$0x0], $0xffff;
	[tilespmem:s23+$0x20] =	vst v8  }
0x9c: {  	v22 =	vor.u32 v1, v22;
	v24 =	vbroadcast v18, $0x0;
	v17 =	vld.idx.msk [tilespmem:v31+s16+$0x0], $0xffff;
	[tilespmem:s23+$0x40] =	vst v29  }
0x9d: {  	v8 =	vld.idx.msk [tilespmem:v32+s16+$0x0], $0xffff;
	[tilespmem:s23+$0xFFFFFFE0] =	vst v27  }
0x9e: {  	s25 =	sadd.s32 $0x8, s25;
	v18 =	vor.u32 v1, v9;
	v21 =	vor.u32 v1, v24;
	s23 =	sadd.s32 $0x100, s23;
	v19 =	vld.idx.msk [tilespmem:v26+s16+$0x0], $0xffff;
	[tilespmem:s22+$0xFFFFFFB0] =	vst v28  }
0x9f: {  	_ =	sdelay $0x1  }
0xa0: {  	[tilespmem:s22+$0xFFFFFFD0] =	vst v3  }
0xa1: {  	[tilespmem:s22+$0x60] =	vst v11  }
0xa2: {  	v3 =	vor.u32 v0, v24;
	v23 =	vld.idx.msk [tilespmem:v23+s16+$0x0], $0xffff;
	[tilespmem:s22+$0xFFFFFFC0] =	vst v15  }
0xa3: {  	v60 =	vld.idx.msk [tilespmem:v22+s16+$0x0], $0xffff;
	[tilespmem:s22+$0xFFFFFF90] =	vst v10  }
0xa4: {  	v7 =	vld.idx.msk [tilespmem:v7+s16+$0x0], $0xffff;
	[tilespmem:s22+$0xFFFFFFA0] =	vst v16  }
0xa5: {  	v61 =	vld.idx.msk [tilespmem:v21+s16+$0x0], $0xffff;
	[tilespmem:s22+$0xFFFFFF80] =	vst v6  }
0xa6: {  	v14 =	vld.idx.msk [tilespmem:v14+s16+$0x0], $0xffff;
	[tilespmem:s22+$0xFFFFFFF0] =	vst v13  }
0xa7: {  	v3 =	vld.idx.msk [tilespmem:v3+s16+$0x0], $0xffff;
	[tilespmem:s23+$0x0] =	vst v23  }
0xa8: {  	[tilespmem:s23+$0x10] =	vst v60  }
0xa9: {  	v9 =	vor.u32 v0, v9;
	v62 =	vld.idx.msk [tilespmem:v20+s16+$0x0], $0xffff;
	[tilespmem:s23+$0x30] =	vst v12  }
0xaa: {  	v63 =	vld.idx.msk [tilespmem:v18+s16+$0x0], $0xffff;
	[tilespmem:s23+$0x50] =	vst v7  }
0xab: {  	v5 =	vld.idx.msk [tilespmem:v5+s16+$0x0], $0xffff;
	[tilespmem:s23+$0x70] =	vst v61  }
0xac: {  	v4 =	vld.idx.msk [tilespmem:v4+s16+$0x0], $0xffff;
	[tilespmem:s23+$0x20] =	vst v8  }
0xad: {  	v2 =	vld.idx.msk [tilespmem:v2+s16+$0x0], $0xffff;
	[tilespmem:s23+$0x40] =	vst v14  }
0xae: {  	v9 =	vld.idx.msk [tilespmem:v9+s16+$0x0], $0xffff;
	[tilespmem:s23+$0xFFFFFFE0] =	vst v62  }
0xaf: {  	[tilespmem:s23+$0xFFFFFFB0] =	vst v17  }
0xb0: {  	[tilespmem:s23+$0xFFFFFFD0] =	vst v19  }
0xb1: {  	[tilespmem:s23+$0xFFFFFFC0] =	vst v5  }
0xb2: {  	[tilespmem:s23+$0xFFFFFF90] =	vst v63  }
.Ltmp8:
0xb3: {  	[tilespmem:s23+$0xFFFFFFA0] =	vst v2;
	(pc) =	sbr.rel .LBB2_9-.Ltmp8, $4  }
0xb4: {  	[tilespmem:s23+$0xFFFFFFF0] =	vst v4  }
0xb5: {  	s0 =	sshll.u32 s21, $0x9;
	[tilespmem:s23+$0x60] =	vst v3  }
0xb6: {  	s0 =	sadd.s32 s6, s0;
	[tilespmem:s23+$0xFFFFFF80] =	vst v9  }
0xb7: {  	[hbm4b:s0+s4] =	stream.linear.scatter [tilespmem:s17], [sflag:$0x4], $0x1000, $0x38;
	[tilespmem:$0x4000] =	vst v63  }
.LBB2_11:
0xb8: {  	_ =	sfence.sel $0x180000  }
0xb9: {  	[bflag:$0x0] =	sbarrier.arrive $0xFFFF  }
0xba: {  	_ =	strace $0x90000047  }
0xbb: {  	[bflag:$0x2] =	sbarrier.arrive $0xFFFF  }
0xbc: {  	p0 =	sne.s32 s3, $0x0;
	s0 =	rddreg [dreg:$0x3]  }
0xbd: {  	s0 =	sadd.s32 @!p0 $0x100000, s0  }
0xbe: {  	[sflag:s0] =	ssyncadd.tile.s32 @!p0 $0x1;
	_ =	shalt  }
.Lfunc_end2:
_tile_overlayer_lowered:
.L_overlay_start_2:
0xbf: {  	(tag) =	ssettag $0x2  }
0xc0: {  	s0 =	rddreg [dreg:$0x0];
	s2 =	stileid.u32  }
0xc1: {  	s1 =	rddreg [dreg:$0x1];
	p0 =	sne.s32 s2, $0x0  }
0xc2: {  	s3 =	rddreg [dreg:$0x2];
	[bflag:$0x3] =	sbarrier.arrive $0xFFFF;
	s2 =	simm.s32 @!p0 $0x1C05  }
0xc3: {  	[timem:s3], [sflag:s2] =	dma.local @!p0 [hbm:s0], s1  }
0xc4: {  	s0 =	simm.s32 @!p0 $0x5  }
0xc5: {  	_ =	swait.ge @!p0 [sflag:s0], s1  }
0xc6: {  	s1 =	ssub.s32 @!p0 $0x0, s1;
	[sflag:s0] =	ssyncset.done @!p0 $0x0  }
0xc7: {  	[sflag:s0] =	ssyncadd.s32 @!p0 s1  }
0xc8: {  	[bflag:$0x3] =	sbarrier.arrive $0xFFFF  }
0xc9: {  	_ =	shalt  }

// kernel: kernel.7.cloned.1.call-start
scs
__scs_entry_jumppad:
0x0: {  	(pc) =	sbr.rel $0x88, $3  }
0x1: {  	(tag) =	ssettag $0x0;
	lr =	simm.s32 $0x1  }
0x2: {  	[smem:$0x3F9F] =	sst lr;
	_ =	strace $0xD0000000  }
0x3: {  	_ = 	snop  }
0x4: {  	_ = 	snop  }
0x5: {  	_ = 	snop  }
0x6: {  	_ = 	snop  }
0x7: {  	_ = 	snop  }
__scs_overlays_trampoline_lowered:
0x8: {  	[smem:$0x3FAE] =	sst s0  }
0x9: {  	[smem:$0x3FAF] =	sst s1  }
0xa: {  	[smem:$0x3FB0] =	sst s2  }
0xb: {  	[smem:$0x3FB1] =	sst s3  }
0xc: {  	[smem:$0x3FB2] =	sst s4  }
0xd: {  	[smem:$0x3FB3] =	sst s5  }
0xe: {  	[smem:$0x3FB4] =	sst s6  }
0xf: {  	[smem:$0x3FB5] =	sst s7  }
0x10: {  	[smem:$0x3FB6] =	sst s8  }
0x11: {  	[smem:$0x3FB7] =	sst s9;
	s0 =	simm.s32 @!p0 $0x0  }
0x12: {  	s1 =	sld [smem:$0x3F9D];
	s0 =	simm.s32 @p0 $0x1  }
0x13: {  	[smem:$0x3FB8] =	sst s0;
	s0 =	simm.s32 @!p1 $0x0  }
0x14: {  	s2 =	sld [smem:$0x3F9C];
	s0 =	simm.s32 @p1 $0x1  }
0x15: {  	[smem:$0x3FB9] =	sst s0;
	s0 =	simm.s32 @!p2 $0x0  }
0x16: {  	s3 =	sld [smem:$0x3FDB];
	s0 =	simm.s32 @p2 $0x1  }
0x17: {  	s4 =	simm.s32 $0x1BF5;
	[smem:$0x3FBB] =	sst s0  }
0x18: {  	s0 =	sld [smem:$0x3F9E];
	_ =	swait.ge [sflag:s4], $0x0  }
0x19: {  	s7 =	sld [smem:$0x3F9F]  }
0x1a: {  	s8 =	sadd.s32 $0xFFFFE003, lr  }
0x1b: {  	s9 =	sadd.s32 $0xFFFFFEF7, lr;
	s5 =	simm.s32 $0xFFFFFFFF;
	p2 =	slt.u32 s8, $0xFFFFF086  }
0x1c: {  	p1 =	slt.u32 s9, $0xF7A;
	s5 =	simm.s32 @!p2 $0x0  }
0x1d: {  	s5 =	simm.s32 @p1 $0x1;
	p0 =	seq.s32 s7, s2  }
0x1e: {  	s7 =	smul.u32 @!p0 $0xF7A, s2;
	p2 =	seq.s32 @!p0 s5, $0x0  }
0x1f: {  	s9 =	smul.u32 $0xF7A, s1;
	s8 =	simm.s32 @!p0 $0x1BF5;
	p2 =	por !p2, p0  }
0x20: {  	[sflag:s8] =	ssyncset.s32 @!p0 $0xFFFFF086;
	s6 =	sadd.s32 @!p0 s3, s7;
	s7 =	simm.s32 @!p0 $0x108  }
0x21: {  	s3 =	sadd.s32 s3, s9;
	s6 =	sadd.s32 @!p0 $0x88, s6;
	s7 =	simm.s32 @p2 $0x1082  }
0x22: {  	[simem:s7], [sflag:s8] =	dma.local @!p0 [hbm:s6], $0xF7A  }
0x23: {  	s9 =	sor.u32 $0xD0000000, s2;
	s6 =	simm.s32 $0x108;
	_ =	swait.ge @!p0 [sflag:s8], $0x0  }
0x24: {  	s3 =	sadd.s32 $0x88, s3;
	s6 =	simm.s32 @!p1 $0x1082;
	[sflag:s4] =	ssyncset.s32 $0xFFFFF086  }
0x25: {  	[simem:s6], [sflag:s4] =	dma.local [hbm:s3], $0xF7A  }
0x26: {  	[smem:$0x3F9F] =	sst s1;
	(tag) =	ssettag s2;
	_ =	strace s9  }
0x27: {  	s1 =	sld [smem:$0x3FAF]  }
0x28: {  	s2 =	sld [smem:$0x3FB0]  }
0x29: {  	s4 =	sld [smem:$0x3FB2]  }
0x2a: {  	p0 =	seq.s32 s5, $0x0;
	s5 =	sld [smem:$0x3FB3]  }
0x2b: {  	s6 =	sld [smem:$0x3FB4]  }
0x2c: {  	s7 =	sld [smem:$0x3FB5]  }
0x2d: {  	s3 =	simm.s32 $0x108;
	s8 =	sld [smem:$0x3FB6]  }
0x2e: {  	s3 =	simm.s32 @!p0 $0x1082;
	s9 =	sld [smem:$0x3FB7]  }
0x2f: {  	lr =	sadd.s32 s0, s3;
	s0 =	sld [smem:$0x3FAE]  }
0x30: {  	s3 =	sld [smem:$0x3FB1]  }
0x31: {  	[smem:$0x3FBA] =	sst s10  }
0x32: {  	s10 =	sld [smem:$0x3FB8];
	_ =	sdelay $0x3  }
0x33: {  	p0 =	seq.s32 s10, $0x1;
	s10 =	sld [smem:$0x3FBA];
	_ =	sdelay $0x3  }
0x34: {  	[smem:$0x3FBA] =	sst s10  }
0x35: {  	s10 =	sld [smem:$0x3FB9];
	_ =	sdelay $0x3  }
0x36: {  	p1 =	seq.s32 s10, $0x1;
	s10 =	sld [smem:$0x3FBA];
	_ =	sdelay $0x3  }
0x37: {  	[smem:$0x3FBA] =	sst s10  }
0x38: {  	s10 =	sld [smem:$0x3FBB]  }
0x39: {  	_ = 	snop;
	(pc) =	sbr.ind lr, $3  }
0x3a: {  	_ = 	snop  }
0x3b: {  	_ = 	snop  }
0x3c: {  	p2 =	seq.s32 s10, $0x1;
	s10 =	sld [smem:$0x3FBA]  }
0x3d: {  	_ =	shalt  }
0x3e: {  	_ =	shalt  }
0x3f: {  	_ =	shalt  }
0x40: {  	_ =	shalt  }
0x41: {  	_ =	shalt  }
0x42: {  	_ =	shalt  }
0x43: {  	_ =	shalt  }
0x44: {  	_ =	shalt  }
0x45: {  	_ =	shalt  }
0x46: {  	_ =	shalt  }
0x47: {  	_ =	shalt  }
0x48: {  	_ =	shalt  }
0x49: {  	_ =	shalt  }
0x4a: {  	_ =	shalt  }
0x4b: {  	_ =	shalt  }
0x4c: {  	_ =	shalt  }
0x4d: {  	_ =	shalt  }
0x4e: {  	_ =	shalt  }
0x4f: {  	_ =	shalt  }
0x50: {  	_ =	shalt  }
0x51: {  	_ =	shalt  }
0x52: {  	_ =	shalt  }
0x53: {  	_ =	shalt  }
0x54: {  	_ =	shalt  }
0x55: {  	_ =	shalt  }
0x56: {  	_ =	shalt  }
0x57: {  	_ =	shalt  }
0x58: {  	_ =	shalt  }
0x59: {  	_ =	shalt  }
0x5a: {  	_ =	shalt  }
0x5b: {  	_ =	shalt  }
0x5c: {  	_ =	shalt  }
0x5d: {  	_ =	shalt  }
0x5e: {  	_ =	shalt  }
0x5f: {  	_ =	shalt  }
0x60: {  	_ =	shalt  }
0x61: {  	_ =	shalt  }
0x62: {  	_ =	shalt  }
0x63: {  	_ =	shalt  }
0x64: {  	_ =	shalt  }
0x65: {  	_ =	shalt  }
0x66: {  	_ =	shalt  }
0x67: {  	_ =	shalt  }
0x68: {  	_ =	shalt  }
0x69: {  	_ =	shalt  }
0x6a: {  	_ =	shalt  }
0x6b: {  	_ =	shalt  }
0x6c: {  	_ =	shalt  }
0x6d: {  	_ =	shalt  }
0x6e: {  	_ =	shalt  }
0x6f: {  	_ =	shalt  }
0x70: {  	_ =	shalt  }
0x71: {  	_ =	shalt  }
0x72: {  	_ =	shalt  }
0x73: {  	_ =	shalt  }
0x74: {  	_ =	shalt  }
0x75: {  	_ =	shalt  }
0x76: {  	_ =	shalt  }
0x77: {  	_ =	shalt  }
0x78: {  	_ =	shalt  }
0x79: {  	_ =	shalt  }
0x7a: {  	_ =	shalt  }
0x7b: {  	_ =	shalt  }
0x7c: {  	_ =	shalt  }
0x7d: {  	_ =	shalt  }
0x7e: {  	_ =	shalt  }
0x7f: {  	_ =	shalt  }
0x80: {  	_ =	shalt  }
0x81: {  	_ =	shalt  }
0x82: {  	_ =	shalt  }
0x83: {  	_ =	shalt  }
0x84: {  	_ =	shalt  }
0x85: {  	_ =	shalt  }
0x86: {  	_ =	shalt  }
0x87: {  	_ =	shalt  }
.Lfunc_end0:
.L_simem_size_0:
called_computation.1_lowered:
.L_overlay_start_0:
0x88: {  	s2 =	sld [smem:$0x3FD9]  }
0x89: {  	s3 =	sld [smem:$0x3FFE];
	_ =	sdelay $0x1  }
0x8a: {  	s1 =	srdreg.scid  }
0x8b: {  	s0 =	sand.u32 $0x1, s1  }
0x8c: {  	s17 =	sshll.u32 s0, $0xA;
	s2 =	sadd.s32 s3, s2  }
0x8d: {  	s2 =	sadd.s32 s2, s17  }
0x8e: {  	[smem:$0x3FC6] =	sst s2  }
0x8f: {  	_ = 	snop  }
0x90: {  	s2 =	sld [smem:$0x3FC9]  }
0x91: {  	s18 =	sld [smem:$0x3FD0];
	(tm) =	ssettm $0x1  }
0x92: {  	s4 =	sld [smem:$0x3FFB];
	_ =	sdelay $0x3  }
0x93: {  	_ =	strace s4  }
0x94: {  	s4 =	sld [smem:$0x3FFC];
	_ =	sdelay $0x3  }
0x95: {  	_ =	strace s4  }
0x96: {  	s4 =	sld [smem:$0x3FFD];
	_ =	sdelay $0x3  }
0x97: {  	_ =	strace s4  }
0x98: {  	_ =	strace $0x8FFFFFFF  }
0x99: {  	s19 =	sld [smem:$0x3FDB];
	_ =	sdelay $0x1  }
0x9a: {  	s5 =	simm.s32 $_scs_section_size  }
0x9b: {  	s6 =	simm.s32 $_size__tile_overlayer_lowered;
	s7 =	simm.s32 $_tile_overlayer_lowered  }
0x9c: {  	s22 =	simm.s32 $0x1BFF;
	s21 =	sshll.u32 s7, $0x1;
	s4 =	sadd.s32 s5, s19  }
0x9d: {  	s8 =	simm.s32 $0x0;
	s20 =	sshll.u32 s6, $0x1;
	s6 =	sadd.s32 s21, s4  }
0x9e: {  	[timem:s8], [sflag:s22] =	dma.local [hbm:s6], s20  }
0x9f: {  	_ =	swait.ge [sflag:s22], s20  }
0xa0: {  	s5 =	ssub.s32 $0x0, s20;
	[sflag:s22] =	ssyncset.done $0x0  }
0xa1: {  	[sflag:s22] =	ssyncadd.s32 s5;
	_ =	sdelay $0x1  }
0xa2: {  	s23 =	simm.s32 $0x1B8B  }
0xa3: {  	_ =	swait.ge [sflag:s23], $0x1  }
0xa4: {  	[sflag:s23] =	ssyncset.done $0x0  }
0xa5: {  	s25 =	simm.s32 $0x1B8E;
	s24 =	sld [smem:$0x3FFE];
	[sflag:s23] =	ssyncadd.s32 $0xFFFFFFFF  }
0xa6: {  	s26 =	simm.s32 $execute0_lowered;
	[smem:$0x3FD2] =	sst s25  }
0xa7: {  	s6 =	sshll.u32 s26, $0x1;
	_ =	strace $0x80000049;
	[dreg:$0x1] =	wrdreg $0xFFFFFFFF  }
0xa8: {  	s28 =	simm.s32 $_size_execute0_lowered;
	s4 =	sadd.s32 s4, s6;
	[dreg:$0x0] =	wrdreg $0x0  }
0xa9: {  	s6 =	sshll.u32 s28, $0x1;
	[dreg:$0x2] =	wrdreg s4  }
0xaa: {  	[dreg:$0x3] =	wrdreg s6  }
0xab: {  	[dreg:$0x4] =	wrdreg $0xC0  }
0xac: {  	_ =	task [dreg:s8], $0x5FFFF  }
0xad: {  	[dreg:$0x1] =	wrdreg $0xFFFFFFFF  }
0xae: {  	[dreg:$0x0] =	wrdreg $0x60  }
0xaf: {  	[dreg:$0x2] =	wrdreg s2  }
0xb0: {  	[dreg:$0x3] =	wrdreg s24  }
0xb1: {  	[dreg:$0x4] =	wrdreg s18  }
0xb2: {  	[dreg:$0x5] =	wrdreg $0x9  }
0xb3: {  	_ =	task.clear_ibuf [dreg:s8], $0x6FFFF;
	_ =	strace $0x90000049  }
0xb4: {  	s29 =	simm.s32 $0x9;
	_ =	strace $0x8000004B  }
0xb5: {  	_ =	swait.ge [sflag:s29], $0x1  }
0xb6: {  	[sflag:s29] =	ssyncadd.s32 $0xFFFFFFFF  }
0xb7: {  	_ =	strace $0x9000004B  }
0xb8: {  	_ =	sfence  }
0xb9: {  	s30 =	sld [smem:$0x0];
	_ =	sdelay $0x2  }
0xba: {  	s31 =	sshll.u32 s1, $0xD;
	s1 =	sshrl.u32 s1, $0x2  }
0xbb: {  	s3 =	sand.u32 $0x4000, s31;
	s1 =	sadd.s32 s1, s30  }
0xbc: {  	s0 =	sor.u32 s3, s0;
	s1 =	sshll.u32 s1, $0x11  }
0xbd: {  	s0 =	sor.u32 s1, s0  }
0xbe: {  	s0 =	sadd.s32 $0x8F2B, s0  }
0xbf: {  	[sflag:s0] =	ssyncadd.remote.s32 $0x1  }
0xc0: {  	_ =	sfence.sel $0xFFFF  }
0xc1: {  	[dreg:$0x0] =	wrdreg $0xFFFFFFFF;
	(pc) =	sbr.abs _section_cstart, $3  }
0xc2: {  	[dreg:$0x1] =	wrdreg $0xFFFFFFFF  }
0xc3: {  	_ =	task.clear_ibuf [dreg:s8], $0x2FFFF;
	_ =	strace $0x9FFFFFFF  }
0xc4: {  	(tm) =	ssettm $0x7FFFFFFF  }
0xc5: {  	_ =	shalt  }
tec
execute0_lowered:
.L_overlay_start_1:
0x0: {  	(tag) =	ssettag $0x1  }
0x1: {  	s0 =	rddreg [dreg:$0x0]  }
0x2: {  	s1 =	rddreg [dreg:$0x1]  }
0x3: {  	s2 =	rddreg [dreg:$0x2]  }
0x4: {  	s3 =	srdreg.scid;
	s4 =	stileid.u32  }
0x5: {  	s5 =	simm.s32 $0x0;
	s9 =	simm.s32 $0x20000;
	s10 =	simm.s32 $0x5  }
0x6: {  	s11 =	simm.s32 $0x80;
	s12 =	simm.s32 $0x4000;
	s13 =	simm.s32 $0x4100  }
0x7: {  	s14 =	simm.s32 $0x4080;
	s15 =	simm.s32 $0x8100;
	s16 =	simm.s32 $0x1  }
0x8: {  	s17 =	simm.s32 $0x400;
	s18 =	simm.s32 $0xC100;
	s19 =	simm.s32 $0x2  }
0x9: {  	v0 =	vlaneseq.u32;
	s20 =	simm.s32 $0x4;
	s21 =	simm.s32 $0xD100;
	s22 =	simm.s32 $0x3  }
0xa: {  	s23 =	simm.s32 $0x0;
	s3 =	sand.u32 $0x1, s3;
	s4 =	sshll.u32 s4, $0x1;
	v0 =	vmul.u32 $0x80, v0  }
0xb: {  	[smem:$0x7FF] =	sst s5;
	s30 =	ssub.s32 $0x2, s3;
	s3 =	sor.u32 s3, s4  }
0xc: {  	_ =	strace $0x8000004A;
	s6 =	sshrl.u32 s30, $0x1;
	s7 =	sshll.u32 s3, $0x9;
	v1 =	vor.u32 $0x800, v0  }
0xd: {  	s4 =	sadd.s32 $0x800, s1;
	v2 =	vor.u32 $0x1000, v0;
	v3 =	vor.u32 $0x1800, v0;
	v4 =	vor.u32 $0x2000, v0;
	s31 =	ssub.s32 s30, s6;
	s0 =	sadd.s32 s0, s7  }
0xe: {  	v5 =	vor.u32 $0x2800, v0;
	v6 =	vor.u32 $0x3000, v0;
	v7 =	vor.u32 $0x3800, v0;
	s6 =	sshll.u32 s3, $0x2;
	[dreg:$0x4] =	wrdreg s0;
	s7 =	smax.u32 s31, $0x1  }
.LBB2_1:
0xf: {  	s0 =	simm.s32 $0x0;
	s1 =	rddreg [dreg:$0x4];
	s3 =	simm.s32 $0x1000  }
0x10: {  	[tilespmem:s0], [sflag:$0x5] =	stream.strided.gather [hbm4b:s1+s3], $0x4000, s9, s3, $0x38;
	[tilespmem:$0xE100] =	vst v63  }
0x11: {  	_ =	swait.ge [sflag:s10], $0x4000  }
0x12: {  	[sflag:s10] =	ssyncset.done $0x0  }
0x13: {  	[sflag:s10] =	ssyncadd.s32 $0xFFFFC000  }
0x14: {  	v8 =	vld [tilespmem:$0x0]  }
0x15: {  	v9 =	vld [tilespmem:$0x10]  }
0x16: {  	v10 =	vld [tilespmem:$0x20]  }
0x17: {  	v11 =	vld [tilespmem:$0x30]  }
0x18: {  	v12 =	vld [tilespmem:$0x40]  }
0x19: {  	v13 =	vld [tilespmem:$0x50];
	v8 =	vshra.s32 v8, $0x2  }
0x1a: {  	v14 =	vld [tilespmem:$0x60];
	[tilespmem:$0x4000] =	vst v8;
	v8 =	vshra.s32 v9, $0x2  }
0x1b: {  	v63 =	vld [tilespmem:$0x70];
	[tilespmem:$0x4010] =	vst v8;
	v8 =	vshra.s32 v10, $0x2  }
0x1c: {  	[tilespmem:$0x4020] =	vst v8;
	v8 =	vshra.s32 v11, $0x2  }
0x1d: {  	[tilespmem:$0x4030] =	vst v8;
	v8 =	vshra.s32 v12, $0x2  }
0x1e: {  	[tilespmem:$0x4040] =	vst v8;
	v8 =	vshra.s32 v13, $0x2  }
0x1f: {  	[tilespmem:$0x4050] =	vst v8;
	v8 =	vshra.s32 v14, $0x2  }
0x20: {  	[tilespmem:$0x4060] =	vst v8;
	v8 =	vshra.s32 v63, $0x2  }
0x21: {  	s24 =	simm.s32 $0x0;
	[tilespmem:$0x4070] =	vst v8  }
0x22: {  	[tilespmem:s13], [sflag:$0x1] =	stream.indirect.gather [hbm4b:s4+s11], $0x80, s12, s11, $0xb8;
	[tilespmem:$0xE100] =	vst v63  }
.LBB2_2:
0x23: {  	s25 =	sshllo.u32 s24, $0x1  }
0x24: {  	s0 =	sshll.u32 s24, $0x8;
	s1 =	sshll.u32 s25, $0xA  }
0x25: {  	s8 =	sshll.u32 s24, $0x6;
	s26 =	sand.u32 $0x3000, s0;
	s1 =	sand.u32 $0xC00, s1  }
0x26: {  	s28 =	sand.u32 $0x380, s8;
	s1 =	sor.u32 s1, s26  }
0x27: {  	s0 =	sor.u32 s28, s1  }
0x28: {  	v8 =	vld [tilespmem:s0+$0x0]  }
0x29: {  	v9 =	vld [tilespmem:s0+$0x10]  }
0x2a: {  	v10 =	vld [tilespmem:s0+$0x20]  }
0x2b: {  	v11 =	vld [tilespmem:s0+$0x30]  }
0x2c: {  	v12 =	vld [tilespmem:s0+$0x40]  }
0x2d: {  	v13 =	vld [tilespmem:s0+$0x50]  }
0x2e: {  	v14 =	vld [tilespmem:s0+$0x60];
	v8 =	vshra.s32 v8, $0x2  }
0x2f: {  	v15 =	vld [tilespmem:s0+$0x70];
	[tilespmem:$0x4080] =	vst v8;
	v8 =	vshra.s32 v9, $0x2  }
0x30: {  	[tilespmem:$0x4090] =	vst v8;
	v8 =	vshra.s32 v10, $0x2  }
0x31: {  	[tilespmem:$0x40A0] =	vst v8;
	v8 =	vshra.s32 v11, $0x2  }
0x32: {  	[tilespmem:$0x40B0] =	vst v8;
	v8 =	vshra.s32 v12, $0x2  }
0x33: {  	[tilespmem:$0x40C0] =	vst v8;
	v8 =	vshra.s32 v13, $0x2  }
0x34: {  	[tilespmem:$0x40D0] =	vst v8;
	v8 =	vshra.s32 v14, $0x2  }
0x35: {  	[tilespmem:$0x40E0] =	vst v8;
	v8 =	vshra.s32 v15, $0x2  }
0x36: {  	[tilespmem:$0x40F0] =	vst v8  }
0x37: {  	[tilespmem:s15], [sflag:$0x2] =	stream.indirect.gather [hbm4b:s4+s11], $0x80, s14, s11, $0xb8;
	[tilespmem:$0xE100] =	vst v63  }
0x38: {  	_ =	swait.ge [sflag:s16], $0x4000  }
0x39: {  	s30 =	sshll.u32 s24, $0x1;
	p0 =	seq.s32 s24, $0x0;
	[sflag:s16] =	ssyncset.done $0x0  }
0x3a: {  	s29 =	sand.u32 $0x2, s30;
	s0 =	simm.s32 @!p0 $0x3;
	[sflag:s16] =	ssyncadd.s32 $0xFFFFC000  }
0x3b: {  	s3 =	sshll.u32 s29, $0xA;
	_ =	swait.ge @!p0 [sflag:s0], $0x1000  }
0x3c: {  	s1 =	sadd.s32 s3, s26;
	[sflag:s0] =	ssyncset.done @!p0 $0x0  }
0x3d: {  	s5 =	sadd.s32 s28, s1;
	[sflag:s0] =	ssyncadd.s32 @!p0 $0xFFFFF000  }
0x3e: {  	v8 =	vld [tilespmem:s5+$0x0]  }
0x3f: {  	v9 =	vld [tilespmem:s5+$0x10]  }
0x40: {  	v10 =	vld [tilespmem:s5+$0x20]  }
0x41: {  	v11 =	vld [tilespmem:s5+$0x30]  }
0x42: {  	v12 =	vld [tilespmem:s5+$0x40]  }
0x43: {  	v13 =	vld [tilespmem:s5+$0x50]  }
0x44: {  	v14 =	vld [tilespmem:s5+$0x60];
	_ =	sdelay $0x1  }
0x45: {  	v8 =	vshll.u32 v8, $0x5  }
0x46: {  	v9 =	vshll.u32 v9, $0x5;
	v10 =	vshll.u32 v10, $0x5;
	v11 =	vshll.u32 v11, $0x5  }
0x47: {  	v12 =	vshll.u32 v12, $0x5;
	v13 =	vshll.u32 v13, $0x5;
	v8 =	vand.u32 $0x60, v8  }
0x48: {  	s8 =	simm.s32 $0x1;
	v14 =	vshll.u32 v14, $0x5;
	v9 =	vand.u32 $0x60, v9;
	v8 =	vor.u32 v0, v8  }
0x49: {  	v15 =	vld [tilespmem:s5+$0x70];
	v10 =	vand.u32 $0x60, v10;
	v9 =	vor.u32 v1, v9;
	v16 =	vor.u32 s8, v8  }
0x4a: {  	v11 =	vand.u32 $0x60, v11;
	v10 =	vor.u32 v2, v10;
	v17 =	vor.u32 s8, v9  }
0x4b: {  	v12 =	vand.u32 $0x60, v12;
	v11 =	vor.u32 v3, v11;
	v18 =	vor.u32 s8, v10  }
0x4c: {  	v13 =	vand.u32 $0x60, v13;
	v12 =	vor.u32 v4, v12;
	v19 =	vor.u32 s8, v11  }
0x4d: {  	v14 =	vand.u32 $0x60, v14;
	v13 =	vor.u32 v5, v13;
	v20 =	vor.u32 s8, v12  }
0x4e: {  	v15 =	vshll.u32 v15, $0x5;
	v14 =	vor.u32 v6, v14;
	v21 =	vld.idx.msk [tilespmem:v16+s13+$0x0], $0xffff;
	v16 =	vor.u32 s8, v13  }
0x4f: {  	s3 =	simm.s32 $0x3;
	v15 =	vand.u32 $0x60, v15;
	v22 =	vld.idx.msk [tilespmem:v17+s13+$0x0], $0xffff;
	v17 =	vor.u32 s8, v14  }
0x50: {  	v15 =	vor.u32 v7, v15;
	v23 =	vld.idx.msk [tilespmem:v18+s13+$0x0], $0xffff;
	v18 =	vor.u32 s3, v8  }
0x51: {  	v24 =	vor.u32 s3, v15;
	v19 =	vld.idx.msk [tilespmem:v19+s13+$0x0], $0xffff  }
0x52: {  	v25 =	vor.u32 s3, v9;
	v20 =	vld.idx.msk [tilespmem:v20+s13+$0x0], $0xffff  }
0x53: {  	v26 =	vld.idx.msk [tilespmem:v16+s13+$0x0], $0xffff;
	v16 =	vor.u32 s3, v10  }
0x54: {  	v27 =	vld.idx.msk [tilespmem:v17+s13+$0x0], $0xffff;
	v17 =	vor.u32 s3, v11  }
0x55: {  	v30 =	vld.idx.msk [tilespmem:v18+s13+$0x0], $0xffff;
	v18 =	vor.u32 s3, v12  }
0x56: {  	v28 =	vor.u32 s3, v13;
	v24 =	vld.idx.msk [tilespmem:v24+s13+$0x0], $0xffff  }
0x57: {  	v31 =	vld.idx.msk [tilespmem:v25+s13+$0x0], $0xffff;
	v25 =	vor.u32 s3, v14  }
0x58: {  	s5 =	simm.s32 $0x2;
	v29 =	vor.u32 s8, v15;
	v32 =	vld.idx.msk [tilespmem:v16+s13+$0x0], $0xffff  }
0x59: {  	v34 =	vor.u32 s5, v9;
	v35 =	vld.idx.msk [tilespmem:v17+s13+$0x0], $0xffff  }
0x5a: {  	v36 =	vor.u32 s5, v10;
	v17 =	vld.idx.msk [tilespmem:v18+s13+$0x0], $0xffff  }
0x5b: {  	s0 =	simm.s32 $0xC200;
	v33 =	vor.u32 s5, v8;
	v16 =	vld.idx.msk [tilespmem:v28+s13+$0x0], $0xffff  }
0x5c: {  	v28 =	vor.u32 s5, v11;
	v18 =	vld.idx.msk [tilespmem:v25+s13+$0x0], $0xffff;
	[tilespmem:s0+$0xF0] =	vst v24  }
0x5d: {  	v24 =	vld.idx.msk [tilespmem:v29+s13+$0x0], $0xffff;
	v25 =	vor.u32 s5, v12;
	[tilespmem:s0+$0xFFFFFF80] =	vst v21  }
0x5e: {  	v58 =	vld.idx.msk [tilespmem:v34+s13+$0x0], $0xffff;
	v29 =	vor.u32 s5, v13;
	[tilespmem:s0+$0xFFFFFF90] =	vst v22  }
0x5f: {  	v59 =	vld.idx.msk [tilespmem:v36+s13+$0x0], $0xffff;
	v22 =	vor.u32 s5, v14;
	[tilespmem:s0+$0xFFFFFFA0] =	vst v23  }
0x60: {  	s8 =	simm.s32 $0x0;
	v21 =	vld.idx.msk [tilespmem:v33+s13+$0x0], $0xffff;
	v23 =	vor.u32 s5, v15;
	[tilespmem:s0+$0xFFFFFFB0] =	vst v19  }
0x61: {  	[tilespmem:s0+$0xFFFFFFC0] =	vst v20;
	v19 =	vld.idx.msk [tilespmem:v28+s13+$0x0], $0xffff;
	v28 =	vor.u32 s8, v8  }
0x62: {  	[tilespmem:s0+$0xFFFFFFD0] =	vst v26;
	v20 =	vld.idx.msk [tilespmem:v25+s13+$0x0], $0xffff;
	v25 =	vor.u32 s8, v9  }
0x63: {  	[tilespmem:s0+$0xFFFFFFE0] =	vst v27;
	v26 =	vld.idx.msk [tilespmem:v29+s13+$0x0], $0xffff;
	v29 =	vor.u32 s8, v10  }
0x64: {  	v27 =	vor.u32 s8, v11;
	[tilespmem:s0+$0x80] =	vst v30;
	v60 =	vld.idx.msk [tilespmem:v22+s13+$0x0], $0xffff  }
0x65: {  	v37 =	vor.u32 s8, v12;
	[tilespmem:s0+$0xFFFFFFF0] =	vst v24;
	v24 =	vld.idx.msk [tilespmem:v23+s13+$0x0], $0xffff  }
0x66: {  	[tilespmem:s0+$0x0] =	vst v21;
	v21 =	vor.u32 s8, v13;
	v22 =	vld.idx.msk [tilespmem:v28+s13+$0x0], $0xffff  }
0x67: {  	v61 =	vor.u32 s8, v14;
	[tilespmem:s0+$0x90] =	vst v31;
	v23 =	vld.idx.msk [tilespmem:v25+s13+$0x0], $0xffff  }
0x68: {  	v62 =	vor.u32 s8, v15;
	s3 =	simm.s32 $0x5;
	[tilespmem:s0+$0x10] =	vst v58;
	v25 =	vld.idx.msk [tilespmem:v29+s13+$0x0], $0xffff  }
0x69: {  	v63 =	vor.u32 s3, v10;
	[tilespmem:s0+$0x20] =	vst v59;
	v29 =	vld.idx.msk [tilespmem:v27+s13+$0x0], $0xffff  }
0x6a: {  	[tilespmem:s0+$0x30] =	vst v19;
	v19 =	vor.u32 s3, v8;
	v27 =	vld.idx.msk [tilespmem:v37+s13+$0x0], $0xffff  }
0x6b: {  	[tilespmem:s0+$0x40] =	vst v20;
	v20 =	vor.u32 s3, v9;
	v28 =	vld.idx.msk [tilespmem:v21+s13+$0x0], $0xffff  }
0x6c: {  	v31 =	vor.u32 s3, v11;
	[tilespmem:s0+$0x50] =	vst v26;
	v26 =	vld.idx.msk [tilespmem:v61+s13+$0x0], $0xffff  }
0x6d: {  	v30 =	vor.u32 s3, v12;
	[tilespmem:s0+$0x70] =	vst v24;
	v24 =	vld.idx.msk [tilespmem:v62+s13+$0x0], $0xffff  }
0x6e: {  	v34 =	vor.u32 s3, v13;
	[tilespmem:s0+$0xA0] =	vst v32;
	v21 =	vld.idx.msk [tilespmem:v63+s13+$0x0], $0xffff  }
0x6f: {  	s5 =	simm.s32 $0x7;
	v32 =	vor.u32 s3, v14;
	[tilespmem:s0+$0xB0] =	vst v35;
	v19 =	vld.idx.msk [tilespmem:v19+s13+$0x0], $0xffff  }
0x70: {  	s31 =	sshrl.u32 s24, $0x1;
	s1 =	simm.s32 $0x4;
	v33 =	vor.u32 s5, v8;
	s8 =	simm.s32 $0x8;
	[tilespmem:s0+$0x60] =	vst v60;
	v20 =	vld.idx.msk [tilespmem:v20+s13+$0x0], $0xffff  }
.LBB2_3:
0x71: {  	p1 =	slt.u32 s8, $0x1C;
	v31 =	vld.idx.msk [tilespmem:v31+s13+$0x0], $0xffff;
	v35 =	vor.u32 s5, v15;
	[tilespmem:s0+$0xC0] =	vst v17  }
0x72: {  	v17 =	vor.u32 s5, v9;
	v30 =	vld.idx.msk [tilespmem:v30+s13+$0x0], $0xffff;
	[tilespmem:s0+$0xD0] =	vst v16  }
0x73: {  	v16 =	vor.u32 s5, v10;
	v34 =	vld.idx.msk [tilespmem:v34+s13+$0x0], $0xffff;
	[tilespmem:s0+$0xE0] =	vst v18  }
0x74: {  	v18 =	vor.u32 s5, v11;
	v32 =	vld.idx.msk [tilespmem:v32+s13+$0x0], $0xffff;
	[tilespmem:s0+$0xFFFFFF00] =	vst v22  }
0x75: {  	v22 =	vor.u32 s5, v12;
	v33 =	vld.idx.msk [tilespmem:v33+s13+$0x0], $0xffff;
	[tilespmem:s0+$0xFFFFFF10] =	vst v23  }
0x76: {  	v23 =	vor.u32 s5, v13;
	v35 =	vld.idx.msk [tilespmem:v35+s13+$0x0], $0xffff;
	[tilespmem:s0+$0xFFFFFF20] =	vst v25  }
0x77: {  	v25 =	vor.u32 s5, v14;
	v36 =	vld.idx.msk [tilespmem:v17+s13+$0x0], $0xffff;
	[tilespmem:s0+$0xFFFFFF30] =	vst v29  }
0x78: {  	v29 =	vor.u32 s3, v15;
	s3 =	sadd.s32 $0x2, s1;
	v37 =	vld.idx.msk [tilespmem:v16+s13+$0x0], $0xffff;
	[tilespmem:s0+$0xFFFFFF40] =	vst v27  }
0x79: {  	v27 =	vor.u32 s3, v8;
	v38 =	vld.idx.msk [tilespmem:v18+s13+$0x0], $0xffff;
	[tilespmem:s0+$0xFFFFFF50] =	vst v28  }
0x7a: {  	v28 =	vor.u32 s3, v9;
	v17 =	vld.idx.msk [tilespmem:v22+s13+$0x0], $0xffff;
	[tilespmem:s0+$0xFFFFFF60] =	vst v26  }
0x7b: {  	v22 =	vor.u32 s3, v10;
	v16 =	vld.idx.msk [tilespmem:v23+s13+$0x0], $0xffff;
	[tilespmem:s0+$0xFFFFFF70] =	vst v24;
	s0 =	sadd.s32 $0x200, s0  }
0x7c: {  	v23 =	vor.u32 s3, v11;
	v18 =	vld.idx.msk [tilespmem:v25+s13+$0x0], $0xffff;
	[tilespmem:s0+$0xF0] =	vst v35  }
0x7d: {  	v24 =	vld.idx.msk [tilespmem:v29+s13+$0x0], $0xffff;
	[tilespmem:s0+$0xFFFFFF80] =	vst v19;
	v19 =	vor.u32 s3, v12  }
0x7e: {  	v25 =	vor.u32 s3, v13;
	[tilespmem:s0+$0xFFFFFF90] =	vst v20;
	v20 =	vld.idx.msk [tilespmem:v27+s13+$0x0], $0xffff  }
0x7f: {  	v26 =	vor.u32 s3, v14;
	[tilespmem:s0+$0xFFFFFFA0] =	vst v21;
	v21 =	vld.idx.msk [tilespmem:v28+s13+$0x0], $0xffff  }
0x80: {  	[tilespmem:s0+$0xFFFFFFB0] =	vst v31;
	v27 =	vld.idx.msk [tilespmem:v22+s13+$0x0], $0xffff;
	v22 =	vor.u32 s3, v15  }
0x81: {  	v28 =	vor.u32 s1, v8;
	[tilespmem:s0+$0xFFFFFFC0] =	vst v30;
	v29 =	vld.idx.msk [tilespmem:v23+s13+$0x0], $0xffff  }
0x82: {  	v23 =	vor.u32 s1, v9;
	[tilespmem:s0+$0xFFFFFFD0] =	vst v34;
	v19 =	vld.idx.msk [tilespmem:v19+s13+$0x0], $0xffff  }
0x83: {  	v30 =	vor.u32 s1, v10;
	[tilespmem:s0+$0xFFFFFFE0] =	vst v32;
	v31 =	vld.idx.msk [tilespmem:v25+s13+$0x0], $0xffff  }
0x84: {  	v32 =	vor.u32 s1, v11;
	[tilespmem:s0+$0xFFFFFFF0] =	vst v24;
	v24 =	vld.idx.msk [tilespmem:v26+s13+$0x0], $0xffff  }
0x85: {  	v26 =	vor.u32 s1, v12;
	v34 =	vld.idx.msk [tilespmem:v22+s13+$0x0], $0xffff;
	[tilespmem:s0+$0x0] =	vst v20  }
0x86: {  	v20 =	vor.u32 s1, v13;
	v22 =	vld.idx.msk [tilespmem:v28+s13+$0x0], $0xffff;
	[tilespmem:s0+$0x10] =	vst v21  }
0x87: {  	v21 =	vor.u32 s1, v14;
	v23 =	vld.idx.msk [tilespmem:v23+s13+$0x0], $0xffff;
	[tilespmem:s0+$0x20] =	vst v27  }
0x88: {  	v35 =	vor.u32 s1, v15;
	s3 =	sadd.s32 $0x1, s8;
	s1 =	smov.u32 s8;
	v25 =	vld.idx.msk [tilespmem:v30+s13+$0x0], $0xffff;
	[tilespmem:s0+$0x30] =	vst v29  }
0x89: {  	v39 =	vor.u32 s3, v8;
	v29 =	vld.idx.msk [tilespmem:v32+s13+$0x0], $0xffff;
	[tilespmem:s0+$0x40] =	vst v19  }
0x8a: {  	v32 =	vor.u32 s3, v9;
	v27 =	vld.idx.msk [tilespmem:v26+s13+$0x0], $0xffff;
	[tilespmem:s0+$0x50] =	vst v31  }
0x8b: {  	v40 =	vor.u32 s3, v10;
	v28 =	vld.idx.msk [tilespmem:v20+s13+$0x0], $0xffff;
	[tilespmem:s0+$0x60] =	vst v24  }
.Ltmp0:
0x8c: {  	v31 =	vor.u32 s3, v11;
	v26 =	vld.idx.msk [tilespmem:v21+s13+$0x0], $0xffff;
	[tilespmem:s0+$0x70] =	vst v34;
	(pc) =	sbr.rel @p1 .LBB2_3-.Ltmp0, $4  }
0x8d: {  	v30 =	vor.u32 s3, v12;
	v24 =	vld.idx.msk [tilespmem:v35+s13+$0x0], $0xffff;
	[tilespmem:s0+$0x80] =	vst v33  }
0x8e: {  	v34 =	vor.u32 s3, v13;
	v19 =	vld.idx.msk [tilespmem:v39+s13+$0x0], $0xffff;
	[tilespmem:s0+$0x90] =	vst v36  }
0x8f: {  	s5 =	sadd.s32 $0x3, s8;
	v20 =	vld.idx.msk [tilespmem:v32+s13+$0x0], $0xffff;
	v32 =	vor.u32 s3, v14;
	[tilespmem:s0+$0xA0] =	vst v37  }
0x90: {  	s8 =	sadd.s32 $0x4, s8;
	v33 =	vor.u32 s5, v8;
	v21 =	vld.idx.msk [tilespmem:v40+s13+$0x0], $0xffff;
	[tilespmem:s0+$0xB0] =	vst v38  }
0x91: {  	_ =	sdelay $0x2  }
0x92: {  	[tilespmem:s0+$0xC0] =	vst v17  }
0x93: {  	v31 =	vld.idx.msk [tilespmem:v31+s13+$0x0], $0xffff;
	v35 =	vor.u32 s5, v15;
	[tilespmem:s0+$0xD0] =	vst v16  }
0x94: {  	v59 =	vld.idx.msk [tilespmem:v30+s13+$0x0], $0xffff;
	v60 =	vor.u32 s5, v9;
	[tilespmem:s0+$0xE0] =	vst v18  }
0x95: {  	v61 =	vld.idx.msk [tilespmem:v34+s13+$0x0], $0xffff;
	v62 =	vor.u32 s5, v10;
	[tilespmem:s0+$0xFFFFFF00] =	vst v22  }
0x96: {  	v63 =	vld.idx.msk [tilespmem:v32+s13+$0x0], $0xffff;
	v36 =	vor.u32 s5, v11;
	[tilespmem:s0+$0xFFFFFF10] =	vst v23  }
0x97: {  	v37 =	vld.idx.msk [tilespmem:v33+s13+$0x0], $0xffff;
	v38 =	vor.u32 s5, v12;
	[tilespmem:s0+$0xFFFFFF20] =	vst v25  }
0x98: {  	[tilespmem:s0+$0xFFFFFF30] =	vst v29;
	v42 =	vor.u32 s3, v15;
	v35 =	vld.idx.msk [tilespmem:v35+s13+$0x0], $0xffff  }
0x99: {  	v39 =	vor.u32 s5, v13;
	[tilespmem:s0+$0xFFFFFF40] =	vst v27;
	v40 =	vld.idx.msk [tilespmem:v60+s13+$0x0], $0xffff  }
0x9a: {  	v41 =	vor.u32 s5, v14;
	[tilespmem:s0+$0xFFFFFF50] =	vst v28;
	v34 =	vld.idx.msk [tilespmem:v62+s13+$0x0], $0xffff  }
0x9b: {  	[tilespmem:s0+$0xFFFFFF60] =	vst v26;
	v57 =	vor.u32 s1, v9;
	v32 =	vld.idx.msk [tilespmem:v36+s13+$0x0], $0xffff  }
0x9c: {  	s8 =	sadd.s32 $0x2, s1;
	v58 =	vor.u32 s1, v10;
	[tilespmem:s0+$0xFFFFFF70] =	vst v24;
	s0 =	sadd.s32 $0x200, s0;
	v33 =	vld.idx.msk [tilespmem:v38+s13+$0x0], $0xffff  }
0x9d: {  	v43 =	vor.u32 s8, v8;
	v29 =	vld.idx.msk [tilespmem:v42+s13+$0x0], $0xffff;
	[tilespmem:s0+$0xFFFFFF80] =	vst v19  }
0x9e: {  	v44 =	vor.u32 s8, v9;
	v23 =	vld.idx.msk [tilespmem:v39+s13+$0x0], $0xffff;
	[tilespmem:s0+$0xFFFFFF90] =	vst v20  }
0x9f: {  	v45 =	vor.u32 s8, v10;
	v30 =	vld.idx.msk [tilespmem:v41+s13+$0x0], $0xffff;
	[tilespmem:s0+$0xFFFFFFA0] =	vst v21  }
0xa0: {  	v46 =	vor.u32 s8, v11;
	[tilespmem:s0+$0xFFFFFFB0] =	vst v31;
	v9 =	vld.idx.msk [tilespmem:v57+s13+$0x0], $0xffff  }
0xa1: {  	v47 =	vor.u32 s8, v12;
	[tilespmem:s0+$0xFFFFFFC0] =	vst v59;
	v10 =	vld.idx.msk [tilespmem:v58+s13+$0x0], $0xffff  }
0xa2: {  	v49 =	vor.u32 s8, v13;
	[tilespmem:s0+$0xFFFFFFD0] =	vst v61;
	v48 =	vld.idx.msk [tilespmem:v43+s13+$0x0], $0xffff  }
0xa3: {  	v8 =	vor.u32 s1, v8;
	[tilespmem:s0+$0xFFFFFFE0] =	vst v63;
	v50 =	vld.idx.msk [tilespmem:v44+s13+$0x0], $0xffff  }
0xa4: {  	v59 =	vor.u32 s1, v11;
	[tilespmem:s0+$0x80] =	vst v37;
	v52 =	vld.idx.msk [tilespmem:v45+s13+$0x0], $0xffff  }
0xa5: {  	v60 =	vor.u32 s1, v12;
	v24 =	vld.idx.msk [tilespmem:v46+s13+$0x0], $0xffff;
	[tilespmem:s0+$0xF0] =	vst v35  }
0xa6: {  	v61 =	vor.u32 s1, v13;
	v54 =	vld.idx.msk [tilespmem:v47+s13+$0x0], $0xffff;
	[tilespmem:s0+$0xFFFFFFF0] =	vst v29  }
0xa7: {  	v62 =	vor.u32 s1, v14;
	v55 =	vld.idx.msk [tilespmem:v49+s13+$0x0], $0xffff;
	[tilespmem:s0+$0x90] =	vst v40  }
0xa8: {  	v63 =	vor.u32 s1, v15;
	v8 =	vld.idx.msk [tilespmem:v8+s13+$0x0], $0xffff;
	[tilespmem:s0+$0xA0] =	vst v34  }
0xa9: {  	v51 =	vor.u32 s8, v14;
	v11 =	vld.idx.msk [tilespmem:v59+s13+$0x0], $0xffff;
	[tilespmem:s0+$0xB0] =	vst v32  }
0xaa: {  	v53 =	vor.u32 s8, v15;
	v12 =	vld.idx.msk [tilespmem:v60+s13+$0x0], $0xffff;
	[tilespmem:s0+$0xC0] =	vst v33  }
0xab: {  	v13 =	vld.idx.msk [tilespmem:v61+s13+$0x0], $0xffff;
	[tilespmem:s0+$0xD0] =	vst v23  }
0xac: {  	v14 =	vld.idx.msk [tilespmem:v62+s13+$0x0], $0xffff;
	[tilespmem:s0+$0xE0] =	vst v30  }
0xad: {  	v15 =	vld.idx.msk [tilespmem:v63+s13+$0x0], $0xffff;
	[tilespmem:s0+$0xFFFFFF10] =	vst v9  }
0xae: {  	v56 =	vld.idx.msk [tilespmem:v51+s13+$0x0], $0xffff;
	[tilespmem:s0+$0xFFFFFF20] =	vst v10  }
0xaf: {  	v26 =	vld.idx.msk [tilespmem:v53+s13+$0x0], $0xffff;
	[tilespmem:s0+$0x0] =	vst v48  }
0xb0: {  	[tilespmem:s0+$0x10] =	vst v50  }
0xb1: {  	[tilespmem:s0+$0x20] =	vst v52  }
0xb2: {  	[tilespmem:s0+$0x30] =	vst v24  }
0xb3: {  	[tilespmem:s0+$0x40] =	vst v54  }
0xb4: {  	[tilespmem:s0+$0x50] =	vst v55  }
0xb5: {  	[tilespmem:s0+$0x60] =	vst v56  }
0xb6: {  	[tilespmem:s0+$0x70] =	vst v26  }
0xb7: {  	[tilespmem:s0+$0xFFFFFF00] =	vst v8  }
0xb8: {  	p1 =	sne.s32 s24, $0x33;
	[tilespmem:s0+$0xFFFFFF30] =	vst v11  }
.Ltmp1:
0xb9: {  	[tilespmem:s0+$0xFFFFFF40] =	vst v12;
	(pc) =	sbr.rel @p1 .LBB2_6-.Ltmp1, $4  }
0xba: {  	s5 =	sshll.u32 s31, $0x10;
	s8 =	sor.u32 s6, s29;
	[tilespmem:s0+$0xFFFFFF50] =	vst v13  }
0xbb: {  	s29 =	sadd.s32 s2, s5;
	s3 =	sshll.u32 s8, $0x7;
	[tilespmem:s0+$0xFFFFFF60] =	vst v14  }
0xbc: {  	s31 =	sadd.s32 s3, s29;
	[tilespmem:s0+$0xFFFFFF70] =	vst v15  }
0xbd: {  	[hbm4b:s31+s17] =	stream.strided.scatter [tilespmem:s18], [sflag:$0x3], $0x1000, s9, s17, $0x38;
	[tilespmem:$0xE100] =	vst v63  }
.Ltmp2:
0xbe: {  	(pc) =	sbr.rel .LBB2_7-.Ltmp2, $4  }
0xbf: {  	_ = 	snop  }
0xc0: {  	_ =	swait.ge [sflag:s19], $0x4000  }
0xc1: {  	[sflag:s19] =	ssyncset.done $0x0  }
0xc2: {  	[sflag:s19] =	ssyncadd.s32 $0xFFFFC000  }
.LBB2_6:
0xc3: {  	s0 =	sadd.s32 $0x2, s30  }
0xc4: {  	s1 =	sshll.u32 s0, $0x7;
	s3 =	sshll.u32 s0, $0xA  }
0xc5: {  	s0 =	sshll.u32 s0, $0x5;
	s1 =	sand.u32 $0x7000, s1;
	s3 =	sand.u32 $0x800, s3  }
0xc6: {  	s0 =	sand.u32 $0x380, s0;
	s1 =	sor.u32 s3, s1  }
0xc7: {  	s0 =	sor.u32 s0, s1  }
0xc8: {  	v8 =	vld [tilespmem:s0+$0x0]  }
0xc9: {  	v9 =	vld [tilespmem:s0+$0x10]  }
0xca: {  	v10 =	vld [tilespmem:s0+$0x20]  }
0xcb: {  	v11 =	vld [tilespmem:s0+$0x30]  }
0xcc: {  	v12 =	vld [tilespmem:s0+$0x40]  }
0xcd: {  	v13 =	vld [tilespmem:s0+$0x50]  }
0xce: {  	v14 =	vld [tilespmem:s0+$0x60];
	v8 =	vshra.s32 v8, $0x2  }
0xcf: {  	v15 =	vld [tilespmem:s0+$0x70];
	[tilespmem:$0x4000] =	vst v8;
	v8 =	vshra.s32 v9, $0x2  }
0xd0: {  	[tilespmem:$0x4010] =	vst v8;
	v8 =	vshra.s32 v10, $0x2  }
0xd1: {  	[tilespmem:$0x4020] =	vst v8;
	v8 =	vshra.s32 v11, $0x2  }
0xd2: {  	[tilespmem:$0x4030] =	vst v8;
	v8 =	vshra.s32 v12, $0x2  }
0xd3: {  	[tilespmem:$0x4040] =	vst v8;
	v8 =	vshra.s32 v13, $0x2  }
0xd4: {  	[tilespmem:$0x4050] =	vst v8;
	v8 =	vshra.s32 v14, $0x2  }
0xd5: {  	[tilespmem:$0x4060] =	vst v8;
	v8 =	vshra.s32 v15, $0x2  }
.Ltmp3:
0xd6: {  	[tilespmem:$0x4070] =	vst v8;
	(pc) =	sbr.rel @p0 .LBB2_8-.Ltmp3, $4  }
0xd7: {  	[tilespmem:s13], [sflag:$0x1] =	stream.indirect.gather [hbm4b:s4+s11], $0x80, s12, s11, $0xb8;
	[tilespmem:$0xE100] =	vst v63  }
0xd8: {  	_ =	swait.ge [sflag:s19], $0x4000  }
0xd9: {  	[sflag:s19] =	ssyncset.done $0x0  }
0xda: {  	[sflag:s19] =	ssyncadd.s32 $0xFFFFC000  }
.LBB2_7:
0xdb: {  	_ =	swait.ge [sflag:s20], $0x1000  }
0xdc: {  	[sflag:s20] =	ssyncset.done $0x0  }
0xdd: {  	[sflag:s20] =	ssyncadd.s32 $0xFFFFF000  }
.LBB2_8:
0xde: {  	s25 =	sand.u32 $0x3, s25  }
0xdf: {  	s0 =	sshll.u32 s25, $0xA  }
0xe0: {  	s0 =	sadd.s32 s0, s26  }
0xe1: {  	s0 =	sadd.s32 s28, s0  }
0xe2: {  	v8 =	vld [tilespmem:s0+$0x0]  }
0xe3: {  	v9 =	vld [tilespmem:s0+$0x10]  }
0xe4: {  	v10 =	vld [tilespmem:s0+$0x20]  }
0xe5: {  	v11 =	vld [tilespmem:s0+$0x30]  }
0xe6: {  	v12 =	vld [tilespmem:s0+$0x40]  }
0xe7: {  	v13 =	vld [tilespmem:s0+$0x50]  }
0xe8: {  	v14 =	vld [tilespmem:s0+$0x60];
	_ =	sdelay $0x1  }
0xe9: {  	v8 =	vshll.u32 v8, $0x5  }
0xea: {  	v9 =	vshll.u32 v9, $0x5;
	v10 =	vshll.u32 v10, $0x5;
	v11 =	vshll.u32 v11, $0x5  }
0xeb: {  	v12 =	vshll.u32 v12, $0x5;
	v13 =	vshll.u32 v13, $0x5;
	v8 =	vand.u32 $0x60, v8  }
0xec: {  	s1 =	simm.s32 $0x1;
	v14 =	vshll.u32 v14, $0x5;
	v9 =	vand.u32 $0x60, v9;
	v8 =	vor.u32 v0, v8  }
0xed: {  	v15 =	vld [tilespmem:s0+$0x70];
	v10 =	vand.u32 $0x60, v10;
	v9 =	vor.u32 v1, v9;
	v16 =	vor.u32 s1, v8  }
0xee: {  	v11 =	vand.u32 $0x60, v11;
	v10 =	vor.u32 v2, v10;
	v17 =	vor.u32 s1, v9  }
0xef: {  	v12 =	vand.u32 $0x60, v12;
	v11 =	vor.u32 v3, v11;
	v18 =	vor.u32 s1, v10  }
0xf0: {  	v13 =	vand.u32 $0x60, v13;
	v12 =	vor.u32 v4, v12;
	v19 =	vor.u32 s1, v11  }
0xf1: {  	v14 =	vand.u32 $0x60, v14;
	v13 =	vor.u32 v5, v13;
	v20 =	vor.u32 s1, v12  }
0xf2: {  	v15 =	vshll.u32 v15, $0x5;
	v14 =	vor.u32 v6, v14;
	v21 =	vld.idx.msk [tilespmem:v16+s15+$0x0], $0xffff;
	v16 =	vor.u32 s1, v13  }
0xf3: {  	s28 =	simm.s32 $0x3;
	v15 =	vand.u32 $0x60, v15;
	v22 =	vld.idx.msk [tilespmem:v17+s15+$0x0], $0xffff;
	v17 =	vor.u32 s1, v14  }
0xf4: {  	v15 =	vor.u32 v7, v15;
	v23 =	vld.idx.msk [tilespmem:v18+s15+$0x0], $0xffff;
	v18 =	vor.u32 s28, v8  }
0xf5: {  	v24 =	vor.u32 s28, v15;
	v19 =	vld.idx.msk [tilespmem:v19+s15+$0x0], $0xffff  }
0xf6: {  	v25 =	vor.u32 s28, v9;
	v20 =	vld.idx.msk [tilespmem:v20+s15+$0x0], $0xffff  }
0xf7: {  	v26 =	vld.idx.msk [tilespmem:v16+s15+$0x0], $0xffff;
	v16 =	vor.u32 s28, v10  }
0xf8: {  	v27 =	vld.idx.msk [tilespmem:v17+s15+$0x0], $0xffff;
	v17 =	vor.u32 s28, v11  }
0xf9: {  	v30 =	vld.idx.msk [tilespmem:v18+s15+$0x0], $0xffff;
	v18 =	vor.u32 s28, v12  }
0xfa: {  	v28 =	vor.u32 s28, v13;
	v24 =	vld.idx.msk [tilespmem:v24+s15+$0x0], $0xffff  }
0xfb: {  	v31 =	vld.idx.msk [tilespmem:v25+s15+$0x0], $0xffff;
	v25 =	vor.u32 s28, v14  }
0xfc: {  	s30 =	simm.s32 $0x2;
	v29 =	vor.u32 s1, v15;
	v32 =	vld.idx.msk [tilespmem:v16+s15+$0x0], $0xffff  }
0xfd: {  	v34 =	vor.u32 s30, v9;
	v35 =	vld.idx.msk [tilespmem:v17+s15+$0x0], $0xffff  }
0xfe: {  	v36 =	vor.u32 s30, v10;
	v17 =	vld.idx.msk [tilespmem:v18+s15+$0x0], $0xffff  }
0xff: {  	s0 =	simm.s32 $0xD200;
	v33 =	vor.u32 s30, v8;
	v16 =	vld.idx.msk [tilespmem:v28+s15+$0x0], $0xffff  }
0x100: {  	v28 =	vor.u32 s30, v11;
	v18 =	vld.idx.msk [tilespmem:v25+s15+$0x0], $0xffff;
	[tilespmem:s0+$0xF0] =	vst v24  }
0x101: {  	v24 =	vld.idx.msk [tilespmem:v29+s15+$0x0], $0xffff;
	v25 =	vor.u32 s30, v12;
	[tilespmem:s0+$0xFFFFFF80] =	vst v21  }
0x102: {  	v58 =	vld.idx.msk [tilespmem:v34+s15+$0x0], $0xffff;
	v29 =	vor.u32 s30, v13;
	[tilespmem:s0+$0xFFFFFF90] =	vst v22  }
0x103: {  	v59 =	vld.idx.msk [tilespmem:v36+s15+$0x0], $0xffff;
	v22 =	vor.u32 s30, v14;
	[tilespmem:s0+$0xFFFFFFA0] =	vst v23  }
0x104: {  	s31 =	simm.s32 $0x0;
	v21 =	vld.idx.msk [tilespmem:v33+s15+$0x0], $0xffff;
	v23 =	vor.u32 s30, v15;
	[tilespmem:s0+$0xFFFFFFB0] =	vst v19  }
0x105: {  	[tilespmem:s0+$0xFFFFFFC0] =	vst v20;
	v19 =	vld.idx.msk [tilespmem:v28+s15+$0x0], $0xffff;
	v28 =	vor.u32 s31, v8  }
0x106: {  	[tilespmem:s0+$0xFFFFFFD0] =	vst v26;
	v20 =	vld.idx.msk [tilespmem:v25+s15+$0x0], $0xffff;
	v25 =	vor.u32 s31, v9  }
0x107: {  	[tilespmem:s0+$0xFFFFFFE0] =	vst v27;
	v26 =	vld.idx.msk [tilespmem:v29+s15+$0x0], $0xffff;
	v29 =	vor.u32 s31, v10  }
0x108: {  	v27 =	vor.u32 s31, v11;
	[tilespmem:s0+$0x80] =	vst v30;
	v60 =	vld.idx.msk [tilespmem:v22+s15+$0x0], $0xffff  }
0x109: {  	v37 =	vor.u32 s31, v12;
	[tilespmem:s0+$0xFFFFFFF0] =	vst v24;
	v24 =	vld.idx.msk [tilespmem:v23+s15+$0x0], $0xffff  }
0x10a: {  	[tilespmem:s0+$0x0] =	vst v21;
	v21 =	vor.u32 s31, v13;
	v22 =	vld.idx.msk [tilespmem:v28+s15+$0x0], $0xffff  }
0x10b: {  	v61 =	vor.u32 s31, v14;
	[tilespmem:s0+$0x90] =	vst v31;
	v23 =	vld.idx.msk [tilespmem:v25+s15+$0x0], $0xffff  }
0x10c: {  	s3 =	simm.s32 $0x5;
	v62 =	vor.u32 s31, v15;
	[tilespmem:s0+$0x10] =	vst v58;
	v25 =	vld.idx.msk [tilespmem:v29+s15+$0x0], $0xffff  }
0x10d: {  	v63 =	vor.u32 s3, v10;
	[tilespmem:s0+$0x20] =	vst v59;
	v29 =	vld.idx.msk [tilespmem:v27+s15+$0x0], $0xffff  }
0x10e: {  	[tilespmem:s0+$0x30] =	vst v19;
	v19 =	vor.u32 s3, v8;
	v27 =	vld.idx.msk [tilespmem:v37+s15+$0x0], $0xffff  }
0x10f: {  	[tilespmem:s0+$0x40] =	vst v20;
	v20 =	vor.u32 s3, v9;
	v28 =	vld.idx.msk [tilespmem:v21+s15+$0x0], $0xffff  }
0x110: {  	v33 =	vor.u32 s3, v11;
	[tilespmem:s0+$0x50] =	vst v26;
	v26 =	vld.idx.msk [tilespmem:v61+s15+$0x0], $0xffff  }
0x111: {  	v30 =	vor.u32 s3, v12;
	[tilespmem:s0+$0x70] =	vst v24;
	v24 =	vld.idx.msk [tilespmem:v62+s15+$0x0], $0xffff  }
0x112: {  	v34 =	vor.u32 s3, v13;
	[tilespmem:s0+$0xA0] =	vst v32;
	v21 =	vld.idx.msk [tilespmem:v63+s15+$0x0], $0xffff  }
0x113: {  	s5 =	simm.s32 $0x7;
	v31 =	vor.u32 s3, v14;
	[tilespmem:s0+$0xB0] =	vst v35;
	v19 =	vld.idx.msk [tilespmem:v19+s15+$0x0], $0xffff  }
0x114: {  	s8 =	simm.s32 $0x8;
	s1 =	simm.s32 $0x4;
	v32 =	vor.u32 s5, v8;
	[tilespmem:s0+$0x60] =	vst v60;
	v20 =	vld.idx.msk [tilespmem:v20+s15+$0x0], $0xffff  }
.LBB2_9:
0x115: {  	p0 =	slt.u32 s8, $0x1C;
	v33 =	vld.idx.msk [tilespmem:v33+s15+$0x0], $0xffff;
	v35 =	vor.u32 s5, v15;
	[tilespmem:s0+$0xC0] =	vst v17  }
0x116: {  	v17 =	vor.u32 s5, v9;
	v30 =	vld.idx.msk [tilespmem:v30+s15+$0x0], $0xffff;
	[tilespmem:s0+$0xD0] =	vst v16  }
0x117: {  	v16 =	vor.u32 s5, v10;
	v34 =	vld.idx.msk [tilespmem:v34+s15+$0x0], $0xffff;
	[tilespmem:s0+$0xE0] =	vst v18  }
0x118: {  	v18 =	vor.u32 s5, v11;
	v31 =	vld.idx.msk [tilespmem:v31+s15+$0x0], $0xffff;
	[tilespmem:s0+$0xFFFFFF00] =	vst v22  }
0x119: {  	v22 =	vor.u32 s5, v12;
	v32 =	vld.idx.msk [tilespmem:v32+s15+$0x0], $0xffff;
	[tilespmem:s0+$0xFFFFFF10] =	vst v23  }
0x11a: {  	v23 =	vor.u32 s5, v13;
	v35 =	vld.idx.msk [tilespmem:v35+s15+$0x0], $0xffff;
	[tilespmem:s0+$0xFFFFFF20] =	vst v25  }
0x11b: {  	v25 =	vor.u32 s5, v14;
	v36 =	vld.idx.msk [tilespmem:v17+s15+$0x0], $0xffff;
	[tilespmem:s0+$0xFFFFFF30] =	vst v29  }
0x11c: {  	v29 =	vor.u32 s3, v15;
	s3 =	sadd.s32 $0x2, s1;
	v37 =	vld.idx.msk [tilespmem:v16+s15+$0x0], $0xffff;
	[tilespmem:s0+$0xFFFFFF40] =	vst v27  }
0x11d: {  	v27 =	vor.u32 s3, v8;
	v38 =	vld.idx.msk [tilespmem:v18+s15+$0x0], $0xffff;
	[tilespmem:s0+$0xFFFFFF50] =	vst v28  }
0x11e: {  	v28 =	vor.u32 s3, v9;
	v17 =	vld.idx.msk [tilespmem:v22+s15+$0x0], $0xffff;
	[tilespmem:s0+$0xFFFFFF60] =	vst v26  }
0x11f: {  	v22 =	vor.u32 s3, v10;
	v16 =	vld.idx.msk [tilespmem:v23+s15+$0x0], $0xffff;
	[tilespmem:s0+$0xFFFFFF70] =	vst v24;
	s0 =	sadd.s32 $0x200, s0  }
0x120: {  	v23 =	vor.u32 s3, v11;
	v18 =	vld.idx.msk [tilespmem:v25+s15+$0x0], $0xffff;
	[tilespmem:s0+$0xF0] =	vst v35  }
0x121: {  	v24 =	vld.idx.msk [tilespmem:v29+s15+$0x0], $0xffff;
	[tilespmem:s0+$0xFFFFFF80] =	vst v19;
	v19 =	vor.u32 s3, v12  }
0x122: {  	v25 =	vor.u32 s3, v13;
	[tilespmem:s0+$0xFFFFFF90] =	vst v20;
	v20 =	vld.idx.msk [tilespmem:v27+s15+$0x0], $0xffff  }
0x123: {  	v26 =	vor.u32 s3, v14;
	[tilespmem:s0+$0xFFFFFFA0] =	vst v21;
	v21 =	vld.idx.msk [tilespmem:v28+s15+$0x0], $0xffff  }
0x124: {  	[tilespmem:s0+$0xFFFFFFB0] =	vst v33;
	v27 =	vld.idx.msk [tilespmem:v22+s15+$0x0], $0xffff;
	v22 =	vor.u32 s3, v15  }
0x125: {  	v28 =	vor.u32 s1, v8;
	[tilespmem:s0+$0xFFFFFFC0] =	vst v30;
	v29 =	vld.idx.msk [tilespmem:v23+s15+$0x0], $0xffff  }
0x126: {  	v23 =	vor.u32 s1, v9;
	[tilespmem:s0+$0xFFFFFFD0] =	vst v34;
	v19 =	vld.idx.msk [tilespmem:v19+s15+$0x0], $0xffff  }
0x127: {  	v30 =	vor.u32 s1, v10;
	[tilespmem:s0+$0xFFFFFFE0] =	vst v31;
	v31 =	vld.idx.msk [tilespmem:v25+s15+$0x0], $0xffff  }
0x128: {  	v33 =	vor.u32 s1, v11;
	[tilespmem:s0+$0xFFFFFFF0] =	vst v24;
	v24 =	vld.idx.msk [tilespmem:v26+s15+$0x0], $0xffff  }
0x129: {  	v26 =	vor.u32 s1, v12;
	v34 =	vld.idx.msk [tilespmem:v22+s15+$0x0], $0xffff;
	[tilespmem:s0+$0x0] =	vst v20  }
0x12a: {  	v20 =	vor.u32 s1, v13;
	v22 =	vld.idx.msk [tilespmem:v28+s15+$0x0], $0xffff;
	[tilespmem:s0+$0x10] =	vst v21  }
0x12b: {  	v21 =	vor.u32 s1, v14;
	v23 =	vld.idx.msk [tilespmem:v23+s15+$0x0], $0xffff;
	[tilespmem:s0+$0x20] =	vst v27  }
0x12c: {  	v35 =	vor.u32 s1, v15;
	s3 =	sadd.s32 $0x1, s8;
	s1 =	smov.u32 s8;
	v25 =	vld.idx.msk [tilespmem:v30+s15+$0x0], $0xffff;
	[tilespmem:s0+$0x30] =	vst v29  }
0x12d: {  	v39 =	vor.u32 s3, v8;
	v29 =	vld.idx.msk [tilespmem:v33+s15+$0x0], $0xffff;
	[tilespmem:s0+$0x40] =	vst v19  }
0x12e: {  	v40 =	vor.u32 s3, v9;
	v27 =	vld.idx.msk [tilespmem:v26+s15+$0x0], $0xffff;
	[tilespmem:s0+$0x50] =	vst v31  }
0x12f: {  	v41 =	vor.u32 s3, v10;
	v28 =	vld.idx.msk [tilespmem:v20+s15+$0x0], $0xffff;
	[tilespmem:s0+$0x60] =	vst v24  }
.Ltmp4:
0x130: {  	v33 =	vor.u32 s3, v11;
	v26 =	vld.idx.msk [tilespmem:v21+s15+$0x0], $0xffff;
	[tilespmem:s0+$0x70] =	vst v34;
	(pc) =	sbr.rel @p0 .LBB2_9-.Ltmp4, $4  }
0x131: {  	v30 =	vor.u32 s3, v12;
	v24 =	vld.idx.msk [tilespmem:v35+s15+$0x0], $0xffff;
	[tilespmem:s0+$0x80] =	vst v32  }
0x132: {  	v34 =	vor.u32 s3, v13;
	v19 =	vld.idx.msk [tilespmem:v39+s15+$0x0], $0xffff;
	[tilespmem:s0+$0x90] =	vst v36  }
0x133: {  	s5 =	sadd.s32 $0x3, s8;
	v31 =	vor.u32 s3, v14;
	v20 =	vld.idx.msk [tilespmem:v40+s15+$0x0], $0xffff;
	[tilespmem:s0+$0xA0] =	vst v37  }
0x134: {  	s8 =	sadd.s32 $0x4, s8;
	v32 =	vor.u32 s5, v8;
	v21 =	vld.idx.msk [tilespmem:v41+s15+$0x0], $0xffff;
	[tilespmem:s0+$0xB0] =	vst v38  }
0x135: {  	_ =	sdelay $0x2  }
0x136: {  	[tilespmem:s0+$0xC0] =	vst v17  }
0x137: {  	v33 =	vld.idx.msk [tilespmem:v33+s15+$0x0], $0xffff;
	v35 =	vor.u32 s5, v15;
	[tilespmem:s0+$0xD0] =	vst v16  }
0x138: {  	v59 =	vld.idx.msk [tilespmem:v30+s15+$0x0], $0xffff;
	v60 =	vor.u32 s5, v9;
	[tilespmem:s0+$0xE0] =	vst v18  }
0x139: {  	v61 =	vld.idx.msk [tilespmem:v34+s15+$0x0], $0xffff;
	v62 =	vor.u32 s5, v10;
	[tilespmem:s0+$0xFFFFFF00] =	vst v22  }
0x13a: {  	v63 =	vld.idx.msk [tilespmem:v31+s15+$0x0], $0xffff;
	v36 =	vor.u32 s5, v11;
	[tilespmem:s0+$0xFFFFFF10] =	vst v23  }
0x13b: {  	v37 =	vld.idx.msk [tilespmem:v32+s15+$0x0], $0xffff;
	v38 =	vor.u32 s5, v12;
	[tilespmem:s0+$0xFFFFFF20] =	vst v25  }
0x13c: {  	[tilespmem:s0+$0xFFFFFF30] =	vst v29;
	v42 =	vor.u32 s3, v15;
	v35 =	vld.idx.msk [tilespmem:v35+s15+$0x0], $0xffff  }
0x13d: {  	v39 =	vor.u32 s5, v13;
	[tilespmem:s0+$0xFFFFFF40] =	vst v27;
	v40 =	vld.idx.msk [tilespmem:v60+s15+$0x0], $0xffff  }
0x13e: {  	v41 =	vor.u32 s5, v14;
	[tilespmem:s0+$0xFFFFFF50] =	vst v28;
	v34 =	vld.idx.msk [tilespmem:v62+s15+$0x0], $0xffff  }
0x13f: {  	[tilespmem:s0+$0xFFFFFF60] =	vst v26;
	v57 =	vor.u32 s1, v9;
	v31 =	vld.idx.msk [tilespmem:v36+s15+$0x0], $0xffff  }
0x140: {  	s26 =	sadd.s32 $0x2, s1;
	s28 =	sadd.s32 $0x200, s0;
	v58 =	vor.u32 s1, v10;
	[tilespmem:s0+$0xFFFFFF70] =	vst v24;
	v32 =	vld.idx.msk [tilespmem:v38+s15+$0x0], $0xffff  }
0x141: {  	v43 =	vor.u32 s26, v8;
	v29 =	vld.idx.msk [tilespmem:v42+s15+$0x0], $0xffff;
	[tilespmem:s28+$0xFFFFFF80] =	vst v19  }
0x142: {  	v44 =	vor.u32 s26, v9;
	v23 =	vld.idx.msk [tilespmem:v39+s15+$0x0], $0xffff;
	[tilespmem:s28+$0xFFFFFF90] =	vst v20  }
0x143: {  	v45 =	vor.u32 s26, v10;
	v30 =	vld.idx.msk [tilespmem:v41+s15+$0x0], $0xffff;
	[tilespmem:s28+$0xFFFFFFA0] =	vst v21  }
0x144: {  	v46 =	vor.u32 s26, v11;
	[tilespmem:s28+$0xFFFFFFB0] =	vst v33;
	v9 =	vld.idx.msk [tilespmem:v57+s15+$0x0], $0xffff  }
0x145: {  	v47 =	vor.u32 s26, v12;
	[tilespmem:s28+$0xFFFFFFC0] =	vst v59;
	v10 =	vld.idx.msk [tilespmem:v58+s15+$0x0], $0xffff  }
0x146: {  	v49 =	vor.u32 s26, v13;
	[tilespmem:s28+$0xFFFFFFD0] =	vst v61;
	v48 =	vld.idx.msk [tilespmem:v43+s15+$0x0], $0xffff  }
0x147: {  	v8 =	vor.u32 s1, v8;
	[tilespmem:s28+$0xFFFFFFE0] =	vst v63;
	v50 =	vld.idx.msk [tilespmem:v44+s15+$0x0], $0xffff  }
0x148: {  	v59 =	vor.u32 s1, v11;
	[tilespmem:s28+$0x80] =	vst v37;
	v52 =	vld.idx.msk [tilespmem:v45+s15+$0x0], $0xffff  }
0x149: {  	v60 =	vor.u32 s1, v12;
	v24 =	vld.idx.msk [tilespmem:v46+s15+$0x0], $0xffff;
	[tilespmem:s28+$0xF0] =	vst v35  }
0x14a: {  	v61 =	vor.u32 s1, v13;
	v54 =	vld.idx.msk [tilespmem:v47+s15+$0x0], $0xffff;
	[tilespmem:s28+$0xFFFFFFF0] =	vst v29  }
0x14b: {  	v62 =	vor.u32 s1, v14;
	v55 =	vld.idx.msk [tilespmem:v49+s15+$0x0], $0xffff;
	[tilespmem:s28+$0x90] =	vst v40  }
0x14c: {  	v63 =	vor.u32 s1, v15;
	v8 =	vld.idx.msk [tilespmem:v8+s15+$0x0], $0xffff;
	[tilespmem:s28+$0xA0] =	vst v34  }
0x14d: {  	v51 =	vor.u32 s26, v14;
	v11 =	vld.idx.msk [tilespmem:v59+s15+$0x0], $0xffff;
	[tilespmem:s28+$0xB0] =	vst v31  }
0x14e: {  	v53 =	vor.u32 s26, v15;
	v12 =	vld.idx.msk [tilespmem:v60+s15+$0x0], $0xffff;
	[tilespmem:s28+$0xC0] =	vst v32  }
0x14f: {  	v13 =	vld.idx.msk [tilespmem:v61+s15+$0x0], $0xffff;
	[tilespmem:s28+$0xD0] =	vst v23  }
0x150: {  	v14 =	vld.idx.msk [tilespmem:v62+s15+$0x0], $0xffff;
	[tilespmem:s28+$0xE0] =	vst v30  }
0x151: {  	v15 =	vld.idx.msk [tilespmem:v63+s15+$0x0], $0xffff;
	[tilespmem:s28+$0xFFFFFF10] =	vst v9  }
0x152: {  	v56 =	vld.idx.msk [tilespmem:v51+s15+$0x0], $0xffff;
	[tilespmem:s28+$0xFFFFFF20] =	vst v10  }
0x153: {  	v26 =	vld.idx.msk [tilespmem:v53+s15+$0x0], $0xffff;
	[tilespmem:s28+$0x0] =	vst v48  }
0x154: {  	[tilespmem:s28+$0x10] =	vst v50  }
0x155: {  	[tilespmem:s28+$0x20] =	vst v52  }
0x156: {  	[tilespmem:s28+$0x30] =	vst v24  }
0x157: {  	[tilespmem:s28+$0x40] =	vst v54  }
0x158: {  	[tilespmem:s28+$0x50] =	vst v55  }
0x159: {  	[tilespmem:s28+$0x60] =	vst v56  }
0x15a: {  	[tilespmem:s28+$0x70] =	vst v26  }
0x15b: {  	s24 =	sadd.s32 $0x1, s24;
	[tilespmem:s28+$0xFFFFFF00] =	vst v8  }
0x15c: {  	p0 =	sne.s32 s24, $0x34;
	[tilespmem:s28+$0xFFFFFF30] =	vst v11  }
.Ltmp5:
0x15d: {  	[tilespmem:s28+$0xFFFFFF40] =	vst v12;
	(pc) =	sbr.rel @p0 .LBB2_2-.Ltmp5, $4  }
0x15e: {  	s30 =	sor.u32 s6, s25;
	[tilespmem:s28+$0xFFFFFF50] =	vst v13  }
0x15f: {  	s1 =	sshll.u32 s30, $0x7;
	[tilespmem:s28+$0xFFFFFF60] =	vst v14  }
0x160: {  	s31 =	sadd.s32 s1, s29;
	[tilespmem:s28+$0xFFFFFF70] =	vst v15  }
0x161: {  	[hbm4b:s31+s17] =	stream.strided.scatter [tilespmem:s21], [sflag:$0x4], $0x1000, s9, s17, $0x38;
	[tilespmem:$0xE100] =	vst v63  }
0x162: {  	s23 =	sadd.s32 $0x1, s23  }
0x163: {  	_ =	swait.ge [sflag:s22], $0x1000;
	p0 =	sne.s32 s23, s7  }
.Ltmp6:
0x164: {  	[sflag:s22] =	ssyncset.done $0x0;
	(pc) =	sbr.rel @p0 .LBB2_1-.Ltmp6, $4  }
0x165: {  	[sflag:s22] =	ssyncadd.s32 $0xFFFFF000  }
0x166: {  	_ =	swait.ge [sflag:s20], $0x1000  }
0x167: {  	[sflag:s20] =	ssyncset.done $0x0  }
0x168: {  	[sflag:s20] =	ssyncadd.s32 $0xFFFFF000  }
0x169: {  	_ =	sfence.sel $0x180000  }
0x16a: {  	[bflag:$0x0] =	sbarrier.arrive $0xFFFF  }
0x16b: {  	_ =	strace $0x9000004A  }
0x16c: {  	s0 =	stileid.u32;
	[bflag:$0x2] =	sbarrier.arrive $0xFFFF  }
0x16d: {  	p0 =	sne.s32 s0, $0x0;
	s0 =	rddreg [dreg:$0x3]  }
0x16e: {  	s0 =	sadd.s32 @!p0 $0x100000, s0  }
0x16f: {  	[sflag:s0] =	ssyncadd.tile.s32 @!p0 $0x1;
	_ =	shalt  }
.Lfunc_end2:
_tile_overlayer_lowered:
.L_overlay_start_2:
0x170: {  	(tag) =	ssettag $0x2  }
0x171: {  	s0 =	rddreg [dreg:$0x0];
	s2 =	stileid.u32  }
0x172: {  	s1 =	rddreg [dreg:$0x1];
	p0 =	sne.s32 s2, $0x0  }
0x173: {  	s3 =	rddreg [dreg:$0x2];
	[bflag:$0x3] =	sbarrier.arrive $0xFFFF;
	s2 =	simm.s32 @!p0 $0x1C05  }
0x174: {  	[timem:s3], [sflag:s2] =	dma.local @!p0 [hbm:s0], s1  }
0x175: {  	s0 =	simm.s32 @!p0 $0x5  }
0x176: {  	_ =	swait.ge @!p0 [sflag:s0], s1  }
0x177: {  	s1 =	ssub.s32 @!p0 $0x0, s1;
	[sflag:s0] =	ssyncset.done @!p0 $0x0  }
0x178: {  	[sflag:s0] =	ssyncadd.s32 @!p0 s1  }
0x179: {  	[bflag:$0x3] =	sbarrier.arrive $0xFFFF  }
0x17a: {  	_ =	shalt  }

</sc_bundles>
